<compile_context>
chip_gen: v7x
topology: tpu7x:2x2x1
jax: 0.10.2.dev20260603
libtpu: 0.0.44.dev20260713+nightly
codegen_flags: <defaults>
</compile_context>

<pallas_src>
import functools

import jax
import jax.numpy as jnp
from jax import lax
from jax.experimental import pallas as pl
from jax.experimental.pallas import tpu as pltpu
from jax.experimental.pallas import tpu_sc as plsc

B = 16384
D = 16
NC = 2
NS = 16
NW = NC * NS
BPW = B // NW
CHUNK = 128
NCHUNK = BPW // CHUNK

LANES = 128
ROWS = B * D // LANES
GRID = 8
BLK = ROWS // GRID
GROUPS = LANES // D



def _sc_gather(users, movies, tab_u, tab_m, bu_t, bm_t):
  mesh = plsc.VectorSubcoreMesh(core_axis_name="c", subcore_axis_name="s")
  f32 = jnp.float32

  @functools.partial(
      pl.kernel,
      mesh=mesh,
      out_type=[
          jax.ShapeDtypeStruct((B * D,), f32),
          jax.ShapeDtypeStruct((B * D,), f32),
          jax.ShapeDtypeStruct((B * D,), f32),
          jax.ShapeDtypeStruct((B * D,), f32),
          jax.ShapeDtypeStruct((B,), f32),
          jax.ShapeDtypeStruct((B,), f32),
      ],
      scratch_types=[
          pltpu.VMEM((BPW,), jnp.int32),
          pltpu.VMEM((BPW,), jnp.int32),
          pltpu.VMEM((BPW * D,), f32),
          pltpu.VMEM((BPW * D,), f32),
          pltpu.VMEM((BPW * D,), f32),
          pltpu.VMEM((BPW * D,), f32),
          pltpu.VMEM((BPW,), f32),
          pltpu.VMEM((BPW,), f32),
          pltpu.SemaphoreType.DMA,
          pltpu.SemaphoreType.DMA,
      ],
  )
  def k(us_h, mv_h, tu_h, tm_h, bu_h, bm_h,
        au_o, buo_o, am_o, bmo_o, bug_o, bmg_o,
        us_v, mv_v, au_v, buv_v, am_v, bmv_v,
        bus_v, bms_v, isem, sem):
    wid = lax.axis_index("s") * NC + lax.axis_index("c")
    base = wid * BPW
    sl = pl.ds(base, BPW)

    hs = [pltpu.async_copy(us_h.at[sl], us_v, isem),
          pltpu.async_copy(mv_h.at[sl], mv_v, isem)]
    for h in hs:
      h.wait()

    bias_hs = []
    for tab, idx_v, dst_v in ((bu_h, us_v, bus_v), (bm_h, mv_v, bms_v)):
      for c in range(NCHUNK):
        cs = pl.ds(c * CHUNK, CHUNK)
        bias_hs.append(
            pltpu.async_copy(tab.at[idx_v.at[cs]], dst_v.at[cs], isem))

    def body(g, _):
      gsl = pl.ds(pl.multiple_of(g * 16, 16), 16)
      uvec = us_v[gsl]
      mvec = mv_v[gsl]
      for j in range(16):
        u = uvec[j]
        m = mvec[j]
        o = pl.multiple_of(g * (16 * D) + j * D, D)
        pltpu.async_copy(tu_h.at[u, pl.ds(0, D)], au_v.at[pl.ds(o, D)], sem)
        pltpu.async_copy(tu_h.at[u, pl.ds(D, D)], buv_v.at[pl.ds(o, D)], sem)
        pltpu.async_copy(tm_h.at[m, pl.ds(0, D)], am_v.at[pl.ds(o, D)], sem)
        pltpu.async_copy(tm_h.at[m, pl.ds(D, D)], bmv_v.at[pl.ds(o, D)], sem)
      return ()
    lax.fori_loop(0, BPW // 16, body, ())

    for buf in (au_v, buv_v, am_v, bmv_v):
      pltpu.make_async_copy(au_o.at[pl.ds(0, BPW * D)], buf, sem).wait()
    for h in bias_hs:
      h.wait()

    fsl = pl.ds(base * D, BPW * D)
    outs = [(au_v, au_o.at[fsl]), (buv_v, buo_o.at[fsl]),
            (am_v, am_o.at[fsl]), (bmv_v, bmo_o.at[fsl]),
            (bus_v, bug_o.at[sl]), (bms_v, bmg_o.at[sl])]
    hs = [pltpu.async_copy(src, dst, isem) for src, dst in outs]
    for h in hs:
      h.wait()

  return k(users, movies, tab_u, tab_m, bu_t, bm_t)



_HL2PI = 0.9189385332046727


def _stirling(z):
  r = 1.0 / z
  w = r * r
  series = r * (8.333333333333333e-2
                + w * (-2.777777777777778e-3 + w * 7.936507936507937e-4))
  return (z - 0.5) * jnp.log(z) - z + _HL2PI + series


def _lgamma_1(x):
  return _stirling(x + 3.0) - jnp.log(x * (x + 1.0) * (x + 2.0))


def _lgamma_2(s):
  return _stirling(s + 2.0) - jnp.log(s * (s + 1.0))


def _dg_series(z):
  r = 1.0 / z
  w = r * r
  return (jnp.log(z) - 0.5 * r
          - w * (8.333333333333333e-2
                 + w * (-8.333333333333333e-3 + w * 3.968253968253968e-3)))


def _digamma_1(x):
  num = 3.0 * x * x + 6.0 * x + 2.0
  den = x * (x + 1.0) * (x + 2.0)
  return _dg_series(x + 3.0) - num / den


def _digamma_2(s):
  return _dg_series(s + 2.0) - (2.0 * s + 1.0) / (s * (s + 1.0))


def _math_body(au_ref, bu_ref, am_ref, bm_ref, bug_ref, bmg_ref, out_ref):
  def fix(v):
    v = jnp.where(jnp.isnan(v), 0.05, v)
    return jnp.clip(v + 1.0, 1.0, 100.0)

  a1 = fix(au_ref[...])
  b1 = fix(bu_ref[...])
  a2 = fix(am_ref[...])
  b2 = fix(bm_ref[...])
  s1 = a1 + b1
  s2 = a2 + b2

  lnB1 = _lgamma_1(a1) + _lgamma_1(b1) - _lgamma_2(s1)
  lnB2 = _lgamma_1(a2) + _lgamma_1(b2) - _lgamma_2(s2)
  kl = (lnB2 - lnB1
        + (a1 - a2) * _digamma_1(a1)
        + (b1 - b2) * _digamma_1(b1)
        + (a2 - a1 + b2 - b1) * _digamma_2(s1))

  t = jnp.arctan2(jnp.abs(kl), 1.0) * (2.0 / jnp.pi)

  ri = lax.broadcasted_iota(jnp.int32, (LANES, GROUPS), 0)
  ci = lax.broadcasted_iota(jnp.int32, (LANES, GROUPS), 1)
  sel = jnp.where((ri // D) == ci, 1.0, 0.0).astype(jnp.float32)
  dist = jnp.dot(t, sel, preferred_element_type=jnp.float32)

  out_ref[...] = bug_ref[...] + bmg_ref[...] - dist


def _tc_math(au2, bu2, am2, bm2, bug2, bmg2):
  wide = pl.BlockSpec((BLK, LANES), lambda i: (i, 0))
  slim = pl.BlockSpec((BLK, GROUPS), lambda i: (i, 0))
  return pl.pallas_call(
      _math_body,
      grid=(GRID,),
      in_specs=[wide, wide, wide, wide, slim, slim],
      out_specs=slim,
      out_shape=jax.ShapeDtypeStruct((ROWS, GROUPS), jnp.float32),
  )(au2, bu2, am2, bm2, bug2, bmg2)



def kernel(x, u_table, m_table, Bu, Bm):
  users = x[:, 0].astype(jnp.int32)
  movies = x[:, 1].astype(jnp.int32)

  au, bu_, am, bm_, bug, bmg = _sc_gather(
      users, movies, u_table, m_table, Bu, Bm)

  out2 = _tc_math(
      au.reshape(ROWS, LANES), bu_.reshape(ROWS, LANES),
      am.reshape(ROWS, LANES), bm_.reshape(ROWS, LANES),
      bug.reshape(ROWS, GROUPS), bmg.reshape(ROWS, GROUPS))
  return out2.reshape(B)

# --- scband reference (transcript-rebuilt; emitter-appended) ---
"""Pipeline reference for scband-beta-recommendation-9320079033170 (READ-ONLY COPY).

The authoritative reference and input builder live on the scoring server;
editing this copy changes nothing except your own understanding.
"""

import jax, jax.numpy as jnp
import numpy as np
from jax.scipy.special import gammaln, digamma

N_USERS = 1000000
N_MOVIES = 1000000
EMBED_DIM = 16
BATCH = 16384
LB = 1.0
UB = 100.0


def setup_inputs(seed: int = 0) -> dict:
    key = jax.random.key(seed)
    k1, k2, k3, k4, k5 = jax.random.split(key, 5)
    x = jax.random.randint(k1, (BATCH, 2), 0, N_USERS, dtype=jnp.int64)
    # nn.Embedding weights initialized uniform_(lb, ub)
    u_table = jax.random.uniform(k2, (N_USERS, EMBED_DIM * 2), dtype=jnp.float32, minval=LB, maxval=UB)
    m_table = jax.random.uniform(k3, (N_MOVIES, EMBED_DIM * 2), dtype=jnp.float32, minval=LB, maxval=UB)
    Bu = jax.random.normal(k4, (N_USERS,), dtype=jnp.float32)
    Bm = jax.random.normal(k5, (N_MOVIES,), dtype=jnp.float32)
    return {"x": x, "u_table": u_table, "m_table": m_table, "Bu": Bu, "Bm": Bm}


def _beta_kl(a1, b1, a2, b2):
    # KL( Beta(a1,b1) || Beta(a2,b2) )
    lnB1 = gammaln(a1) + gammaln(b1) - gammaln(a1 + b1)
    lnB2 = gammaln(a2) + gammaln(b2) - gammaln(a2 + b2)
    return (lnB2 - lnB1
            + (a1 - a2) * digamma(a1)
            + (b1 - b2) * digamma(b1)
            + (a2 - a1 + b2 - b1) * digamma(a1 + b1))


def reference(x, u_table, m_table, Bu, Bm):
    users = x[:, 0]
    movies = x[:, 1]
    u = jnp.take(u_table, users, axis=0)   # [B, 2d]
    m = jnp.take(m_table, movies, axis=0)  # [B, 2d]
    bu = jnp.take(Bu, users, axis=0)       # [B]
    bm = jnp.take(Bm, movies, axis=0)      # [B]
    # u[isnan(u)] = 0.05
    u = jnp.where(jnp.isnan(u), 0.05, u)
    m = jnp.where(jnp.isnan(m), 0.05, m)
    # Regularizer: clamp(emb + 1, lb=1, ub=100)
    ru = jnp.clip(u + 1.0, LB, UB)
    rm = jnp.clip(m + 1.0, LB, UB)
    d = ru.shape[1] // 2
    alpha_u, beta_u = ru[:, :d], ru[:, d:]
    alpha_m, beta_m = rm[:, :d], rm[:, d:]
    kl = _beta_kl(alpha_u, beta_u, alpha_m, beta_m)  # [B, d]
    # KL_distance: L1 norm over last dim of (2/pi)*atan(kl)
    distance = jnp.sum(jnp.abs((2.0 / jnp.pi) * jnp.arctan(kl)), axis=-1)  # [B]
    output = bu + bm - distance
    return output

if __name__ == "__main__":
    import jax
    _d = setup_inputs()
    print(jax.jit(kernel)(*tuple(_d.values())))

</pallas_src>

<mosaic_0001>
#map = affine_map<(d0, d1) -> (0)>
#map1 = affine_map<(d0, d1) -> (0, 0)>
module attributes {stable_mosaic.version = 14 : i64} {
  func.func @k(%arg0: i32, %arg1: i32, %arg2: memref<16384xi32, #tpu.memory_space<hbm>>, %arg3: memref<16384xi32, #tpu.memory_space<hbm>>, %arg4: memref<1000000x32xf32, #tpu.memory_space<hbm>>, %arg5: memref<1000000x32xf32, #tpu.memory_space<hbm>>, %arg6: memref<1000000xf32, #tpu.memory_space<hbm>>, %arg7: memref<1000000xf32, #tpu.memory_space<hbm>>, %arg8: memref<262144xf32, #tpu.memory_space<hbm>>, %arg9: memref<262144xf32, #tpu.memory_space<hbm>>, %arg10: memref<262144xf32, #tpu.memory_space<hbm>>, %arg11: memref<262144xf32, #tpu.memory_space<hbm>>, %arg12: memref<16384xf32, #tpu.memory_space<hbm>>, %arg13: memref<16384xf32, #tpu.memory_space<hbm>>, %arg14: memref<512xi32, #tpu.memory_space<vmem>>, %arg15: memref<512xi32, #tpu.memory_space<vmem>>, %arg16: memref<8192xf32, #tpu.memory_space<vmem>>, %arg17: memref<8192xf32, #tpu.memory_space<vmem>>, %arg18: memref<8192xf32, #tpu.memory_space<vmem>>, %arg19: memref<8192xf32, #tpu.memory_space<vmem>>, %arg20: memref<512xf32, #tpu.memory_space<vmem>>, %arg21: memref<512xf32, #tpu.memory_space<vmem>>, %arg22: memref<!tpu.dma_semaphore, #tpu.memory_space<semaphore_mem>>, %arg23: memref<!tpu.dma_semaphore, #tpu.memory_space<semaphore_mem>>) attributes {dimension_semantics = [#tpu.dimension_semantics<core_parallel>, #tpu.dimension_semantics<subcore_parallel>], iteration_bounds = array<i64: 2, 16>, scalar_prefetch = 0 : i64, scratch_operands = 10 : i64, tpu.core_type = #tpu.core_type<sc_vector_subcore>, window_params = [{transform_indices = #map}, {transform_indices = #map}, {transform_indices = #map1}, {transform_indices = #map1}, {transform_indices = #map}, {transform_indices = #map}, {transform_indices = #map}, {transform_indices = #map}, {transform_indices = #map}, {transform_indices = #map}, {transform_indices = #map}, {transform_indices = #map}]} {
    %mul3A = arith.constant 2 : i32
    %mul3A_0 = arith.muli %arg1, %mul3A : i32
    %add3A = arith.addi %mul3A_0, %arg0 : i32
    %mul3A_1 = arith.constant 512 : i32
    %mul3A_2 = arith.muli %add3A, %mul3A_1 : i32
    %dma_start3A = tpu.memref_slice %arg2[%mul3A_2] : memref<16384xi32, #tpu.memory_space<hbm>> -> memref<512xi32, #tpu.memory_space<hbm>>
    %dma_start3A_3 = tpu.memref_slice %arg2[%mul3A_2] : memref<16384xi32, #tpu.memory_space<hbm>> -> memref<512xi32, #tpu.memory_space<hbm>>
    tpu.enqueue_dma source(%dma_start3A_3 : memref<512xi32, #tpu.memory_space<hbm>>) target(%arg14 : memref<512xi32, #tpu.memory_space<vmem>>) target_semaphore(%arg22 : memref<!tpu.dma_semaphore, #tpu.memory_space<semaphore_mem>>)
    %dma_start3A_4 = tpu.memref_slice %arg3[%mul3A_2] : memref<16384xi32, #tpu.memory_space<hbm>> -> memref<512xi32, #tpu.memory_space<hbm>>
    %dma_start3A_5 = tpu.memref_slice %arg3[%mul3A_2] : memref<16384xi32, #tpu.memory_space<hbm>> -> memref<512xi32, #tpu.memory_space<hbm>>
    tpu.enqueue_dma source(%dma_start3A_5 : memref<512xi32, #tpu.memory_space<hbm>>) target(%arg15 : memref<512xi32, #tpu.memory_space<vmem>>) target_semaphore(%arg22 : memref<!tpu.dma_semaphore, #tpu.memory_space<semaphore_mem>>)
    %dma_wait3A = tpu.memref_slice %arg2[%mul3A_2] : memref<16384xi32, #tpu.memory_space<hbm>> -> memref<512xi32, #tpu.memory_space<hbm>>
    %dma_wait3A_6 = tpu.memref_slice %arg2[%mul3A_2] : memref<16384xi32, #tpu.memory_space<hbm>> -> memref<512xi32, #tpu.memory_space<hbm>>
    tpu.wait_dma2 semaphore(%arg22 : memref<!tpu.dma_semaphore, #tpu.memory_space<semaphore_mem>>) src(%dma_wait3A_6 : memref<512xi32, #tpu.memory_space<hbm>>) dst(%arg14 : memref<512xi32, #tpu.memory_space<vmem>>)
    %dma_wait3A_7 = tpu.memref_slice %arg3[%mul3A_2] : memref<16384xi32, #tpu.memory_space<hbm>> -> memref<512xi32, #tpu.memory_space<hbm>>
    %dma_wait3A_8 = tpu.memref_slice %arg3[%mul3A_2] : memref<16384xi32, #tpu.memory_space<hbm>> -> memref<512xi32, #tpu.memory_space<hbm>>
    tpu.wait_dma2 semaphore(%arg22 : memref<!tpu.dma_semaphore, #tpu.memory_space<semaphore_mem>>) src(%dma_wait3A_8 : memref<512xi32, #tpu.memory_space<hbm>>) dst(%arg15 : memref<512xi32, #tpu.memory_space<vmem>>)
    %dma_start3A_9 = arith.constant 0 : i32
    %dma_start3A_10 = tpu.memref_slice %arg20[%dma_start3A_9] : memref<512xf32, #tpu.memory_space<vmem>> -> memref<128xf32, #tpu.memory_space<vmem>>
    %dma_start3A_11 = arith.constant 0 : i32
    %dma_start3A_12 = tpu.memref_slice %arg14[%dma_start3A_11] : memref<512xi32, #tpu.memory_space<vmem>> -> memref<128xi32, #tpu.memory_space<vmem>>
    %dma_start3A_13 = arith.constant 0 : i32
    %dma_start3A_14 = tpu.memref_slice %arg6[%dma_start3A_13] : memref<1000000xf32, #tpu.memory_space<hbm>> -> memref<1000000xf32, #tpu.memory_space<hbm>>
    tpu.enqueue_indirect_dma source(%dma_start3A_14 : memref<1000000xf32, #tpu.memory_space<hbm>>) target(%dma_start3A_10 : memref<128xf32, #tpu.memory_space<vmem>>) offsets(%dma_start3A_12 : memref<128xi32, #tpu.memory_space<vmem>>) semaphore(%arg22 : memref<!tpu.dma_semaphore, #tpu.memory_space<semaphore_mem>>)
    %dma_start3A_15 = arith.constant 128 : i32
    %dma_start3A_16 = tpu.memref_slice %arg20[%dma_start3A_15] : memref<512xf32, #tpu.memory_space<vmem>> -> memref<128xf32, #tpu.memory_space<vmem>>
    %dma_start3A_17 = arith.constant 128 : i32
    %dma_start3A_18 = tpu.memref_slice %arg14[%dma_start3A_17] : memref<512xi32, #tpu.memory_space<vmem>> -> memref<128xi32, #tpu.memory_space<vmem>>
    %dma_start3A_19 = arith.constant 0 : i32
    %dma_start3A_20 = tpu.memref_slice %arg6[%dma_start3A_19] : memref<1000000xf32, #tpu.memory_space<hbm>> -> memref<1000000xf32, #tpu.memory_space<hbm>>
    tpu.enqueue_indirect_dma source(%dma_start3A_20 : memref<1000000xf32, #tpu.memory_space<hbm>>) target(%dma_start3A_16 : memref<128xf32, #tpu.memory_space<vmem>>) offsets(%dma_start3A_18 : memref<128xi32, #tpu.memory_space<vmem>>) semaphore(%arg22 : memref<!tpu.dma_semaphore, #tpu.memory_space<semaphore_mem>>)
    %dma_start3A_21 = arith.constant 256 : i32
    %dma_start3A_22 = tpu.memref_slice %arg20[%dma_start3A_21] : memref<512xf32, #tpu.memory_space<vmem>> -> memref<128xf32, #tpu.memory_space<vmem>>
    %dma_start3A_23 = arith.constant 256 : i32
    %dma_start3A_24 = tpu.memref_slice %arg14[%dma_start3A_23] : memref<512xi32, #tpu.memory_space<vmem>> -> memref<128xi32, #tpu.memory_space<vmem>>
    %dma_start3A_25 = arith.constant 0 : i32
    %dma_start3A_26 = tpu.memref_slice %arg6[%dma_start3A_25] : memref<1000000xf32, #tpu.memory_space<hbm>> -> memref<1000000xf32, #tpu.memory_space<hbm>>
    tpu.enqueue_indirect_dma source(%dma_start3A_26 : memref<1000000xf32, #tpu.memory_space<hbm>>) target(%dma_start3A_22 : memref<128xf32, #tpu.memory_space<vmem>>) offsets(%dma_start3A_24 : memref<128xi32, #tpu.memory_space<vmem>>) semaphore(%arg22 : memref<!tpu.dma_semaphore, #tpu.memory_space<semaphore_mem>>)
    %dma_start3A_27 = arith.constant 384 : i32
    %dma_start3A_28 = tpu.memref_slice %arg20[%dma_start3A_27] : memref<512xf32, #tpu.memory_space<vmem>> -> memref<128xf32, #tpu.memory_space<vmem>>
    %dma_start3A_29 = arith.constant 384 : i32
    %dma_start3A_30 = tpu.memref_slice %arg14[%dma_start3A_29] : memref<512xi32, #tpu.memory_space<vmem>> -> memref<128xi32, #tpu.memory_space<vmem>>
    %dma_start3A_31 = arith.constant 0 : i32
    %dma_start3A_32 = tpu.memref_slice %arg6[%dma_start3A_31] : memref<1000000xf32, #tpu.memory_space<hbm>> -> memref<1000000xf32, #tpu.memory_space<hbm>>
    tpu.enqueue_indirect_dma source(%dma_start3A_32 : memref<1000000xf32, #tpu.memory_space<hbm>>) target(%dma_start3A_28 : memref<128xf32, #tpu.memory_space<vmem>>) offsets(%dma_start3A_30 : memref<128xi32, #tpu.memory_space<vmem>>) semaphore(%arg22 : memref<!tpu.dma_semaphore, #tpu.memory_space<semaphore_mem>>)
    %dma_start3A_33 = arith.constant 0 : i32
    %dma_start3A_34 = tpu.memref_slice %arg21[%dma_start3A_33] : memref<512xf32, #tpu.memory_space<vmem>> -> memref<128xf32, #tpu.memory_space<vmem>>
    %dma_start3A_35 = arith.constant 0 : i32
    %dma_start3A_36 = tpu.memref_slice %arg15[%dma_start3A_35] : memref<512xi32, #tpu.memory_space<vmem>> -> memref<128xi32, #tpu.memory_space<vmem>>
    %dma_start3A_37 = arith.constant 0 : i32
    %dma_start3A_38 = tpu.memref_slice %arg7[%dma_start3A_37] : memref<1000000xf32, #tpu.memory_space<hbm>> -> memref<1000000xf32, #tpu.memory_space<hbm>>
    tpu.enqueue_indirect_dma source(%dma_start3A_38 : memref<1000000xf32, #tpu.memory_space<hbm>>) target(%dma_start3A_34 : memref<128xf32, #tpu.memory_space<vmem>>) offsets(%dma_start3A_36 : memref<128xi32, #tpu.memory_space<vmem>>) semaphore(%arg22 : memref<!tpu.dma_semaphore, #tpu.memory_space<semaphore_mem>>)
    %dma_start3A_39 = arith.constant 128 : i32
    %dma_start3A_40 = tpu.memref_slice %arg21[%dma_start3A_39] : memref<512xf32, #tpu.memory_space<vmem>> -> memref<128xf32, #tpu.memory_space<vmem>>
    %dma_start3A_41 = arith.constant 128 : i32
    %dma_start3A_42 = tpu.memref_slice %arg15[%dma_start3A_41] : memref<512xi32, #tpu.memory_space<vmem>> -> memref<128xi32, #tpu.memory_space<vmem>>
    %dma_start3A_43 = arith.constant 0 : i32
    %dma_start3A_44 = tpu.memref_slice %arg7[%dma_start3A_43] : memref<1000000xf32, #tpu.memory_space<hbm>> -> memref<1000000xf32, #tpu.memory_space<hbm>>
    tpu.enqueue_indirect_dma source(%dma_start3A_44 : memref<1000000xf32, #tpu.memory_space<hbm>>) target(%dma_start3A_40 : memref<128xf32, #tpu.memory_space<vmem>>) offsets(%dma_start3A_42 : memref<128xi32, #tpu.memory_space<vmem>>) semaphore(%arg22 : memref<!tpu.dma_semaphore, #tpu.memory_space<semaphore_mem>>)
    %dma_start3A_45 = arith.constant 256 : i32
    %dma_start3A_46 = tpu.memref_slice %arg21[%dma_start3A_45] : memref<512xf32, #tpu.memory_space<vmem>> -> memref<128xf32, #tpu.memory_space<vmem>>
    %dma_start3A_47 = arith.constant 256 : i32
    %dma_start3A_48 = tpu.memref_slice %arg15[%dma_start3A_47] : memref<512xi32, #tpu.memory_space<vmem>> -> memref<128xi32, #tpu.memory_space<vmem>>
    %dma_start3A_49 = arith.constant 0 : i32
    %dma_start3A_50 = tpu.memref_slice %arg7[%dma_start3A_49] : memref<1000000xf32, #tpu.memory_space<hbm>> -> memref<1000000xf32, #tpu.memory_space<hbm>>
    tpu.enqueue_indirect_dma source(%dma_start3A_50 : memref<1000000xf32, #tpu.memory_space<hbm>>) target(%dma_start3A_46 : memref<128xf32, #tpu.memory_space<vmem>>) offsets(%dma_start3A_48 : memref<128xi32, #tpu.memory_space<vmem>>) semaphore(%arg22 : memref<!tpu.dma_semaphore, #tpu.memory_space<semaphore_mem>>)
    %dma_start3A_51 = arith.constant 384 : i32
    %dma_start3A_52 = tpu.memref_slice %arg21[%dma_start3A_51] : memref<512xf32, #tpu.memory_space<vmem>> -> memref<128xf32, #tpu.memory_space<vmem>>
    %dma_start3A_53 = arith.constant 384 : i32
    %dma_start3A_54 = tpu.memref_slice %arg15[%dma_start3A_53] : memref<512xi32, #tpu.memory_space<vmem>> -> memref<128xi32, #tpu.memory_space<vmem>>
    %dma_start3A_55 = arith.constant 0 : i32
    %dma_start3A_56 = tpu.memref_slice %arg7[%dma_start3A_55] : memref<1000000xf32, #tpu.memory_space<hbm>> -> memref<1000000xf32, #tpu.memory_space<hbm>>
    tpu.enqueue_indirect_dma source(%dma_start3A_56 : memref<1000000xf32, #tpu.memory_space<hbm>>) target(%dma_start3A_52 : memref<128xf32, #tpu.memory_space<vmem>>) offsets(%dma_start3A_54 : memref<128xi32, #tpu.memory_space<vmem>>) semaphore(%arg22 : memref<!tpu.dma_semaphore, #tpu.memory_space<semaphore_mem>>)
    %scan3A = arith.constant 0 : i32
    %scan3A_57 = arith.constant 32 : i32
    %scan3A_58 = arith.addi %scan3A, %scan3A_57 : i32
    %scan3A_59 = arith.constant 1 : i32
    scf.for %scan3A_151 = %scan3A to %scan3A_58 step %scan3A_59  : i32 {
      %mul3A_152 = arith.constant 16 : i32
      %mul3A_153 = arith.muli %scan3A_151, %mul3A_152 : i32
      %multiple_of3A = tpu.assume_multiple %mul3A_153, 16 : i32
      %get3A = arith.index_cast %multiple_of3A : i32 to index
      %get3A_154 = tpu.vector_load %arg14[%get3A] {strides = array<i32>} : memref<512xi32, #tpu.memory_space<vmem>>, vector<16xi32>,
      %get3A_155 = vector.shape_cast %get3A_154 : vector<16xi32> to vector<16xi32>
      %get3A_156 = arith.index_cast %multiple_of3A : i32 to index
      %get3A_157 = tpu.vector_load %arg15[%get3A_156] {strides = array<i32>} : memref<512xi32, #tpu.memory_space<vmem>>, vector<16xi32>,
      %get3A_158 = vector.shape_cast %get3A_157 : vector<16xi32> to vector<16xi32>
      %slice3A = vector.extract_strided_slice %get3A_155 {offsets = [0], sizes = [1], strides = [1]} : vector<16xi32> to vector<1xi32>
      %squeeze3A = vector.extract %slice3A[0] : i32 from vector<1xi32>
      %slice3A_159 = vector.extract_strided_slice %get3A_158 {offsets = [0], sizes = [1], strides = [1]} : vector<16xi32> to vector<1xi32>
      %squeeze3A_160 = vector.extract %slice3A_159[0] : i32 from vector<1xi32>
      %mul3A_161 = arith.constant 256 : i32
      %mul3A_162 = arith.muli %scan3A_151, %mul3A_161 : i32
      %add3A_163 = arith.constant 0 : i32
      %add3A_164 = arith.addi %mul3A_162, %add3A_163 : i32
      %multiple_of3A_165 = tpu.assume_multiple %add3A_164, 16 : i32
      %dma_start3A_166 = tpu.memref_slice %arg16[%multiple_of3A_165] : memref<8192xf32, #tpu.memory_space<vmem>> -> memref<16xf32, #tpu.memory_space<vmem>>
      %dma_start3A_167 = arith.constant 0 : i32
      %dma_start3A_168 = tpu.memref_slice %arg4[%squeeze3A, %dma_start3A_167] : memref<1000000x32xf32, #tpu.memory_space<hbm>> -> memref<1x16xf32, #tpu.memory_space<hbm>>
      %dma_start3A_169 = tpu.memref_squeeze %dma_start3A_168 : memref<1x16xf32, #tpu.memory_space<hbm>> -> memref<16xf32, #tpu.memory_space<hbm>>
      %dma_start3A_170 = tpu.memref_slice %arg16[%multiple_of3A_165] : memref<8192xf32, #tpu.memory_space<vmem>> -> memref<16xf32, #tpu.memory_space<vmem>>
      %dma_start3A_171 = arith.constant 0 : i32
      %dma_start3A_172 = tpu.memref_slice %arg4[%squeeze3A, %dma_start3A_171] : memref<1000000x32xf32, #tpu.memory_space<hbm>> -> memref<1x16xf32, #tpu.memory_space<hbm>>
      %dma_start3A_173 = tpu.memref_squeeze %dma_start3A_172 : memref<1x16xf32, #tpu.memory_space<hbm>> -> memref<16xf32, #tpu.memory_space<hbm>>
      tpu.enqueue_dma source(%dma_start3A_173 : memref<16xf32, #tpu.memory_space<hbm>>) target(%dma_start3A_170 : memref<16xf32, #tpu.memory_space<vmem>>) target_semaphore(%arg23 : memref<!tpu.dma_semaphore, #tpu.memory_space<semaphore_mem>>)
      %dma_start3A_174 = tpu.memref_slice %arg17[%multiple_of3A_165] : memref<8192xf32, #tpu.memory_space<vmem>> -> memref<16xf32, #tpu.memory_space<vmem>>
      %dma_start3A_175 = arith.constant 16 : i32
      %dma_start3A_176 = tpu.memref_slice %arg4[%squeeze3A, %dma_start3A_175] : memref<1000000x32xf32, #tpu.memory_space<hbm>> -> memref<1x16xf32, #tpu.memory_space<hbm>>
      %dma_start3A_177 = tpu.memref_squeeze %dma_start3A_176 : memref<1x16xf32, #tpu.memory_space<hbm>> -> memref<16xf32, #tpu.memory_space<hbm>>
      %dma_start3A_178 = tpu.memref_slice %arg17[%multiple_of3A_165] : memref<8192xf32, #tpu.memory_space<vmem>> -> memref<16xf32, #tpu.memory_space<vmem>>
      %dma_start3A_179 = arith.constant 16 : i32
      %dma_start3A_180 = tpu.memref_slice %arg4[%squeeze3A, %dma_start3A_179] : memref<1000000x32xf32, #tpu.memory_space<hbm>> -> memref<1x16xf32, #tpu.memory_space<hbm>>
      %dma_start3A_181 = tpu.memref_squeeze %dma_start3A_180 : memref<1x16xf32, #tpu.memory_space<hbm>> -> memref<16xf32, #tpu.memory_space<hbm>>
      tpu.enqueue_dma source(%dma_start3A_181 : memref<16xf32, #tpu.memory_space<hbm>>) target(%dma_start3A_178 : memref<16xf32, #tpu.memory_space<vmem>>) target_semaphore(%arg23 : memref<!tpu.dma_semaphore, #tpu.memory_space<semaphore_mem>>)
      %dma_start3A_182 = tpu.memref_slice %arg18[%multiple_of3A_165] : memref<8192xf32, #tpu.memory_space<vmem>> -> memref<16xf32, #tpu.memory_space<vmem>>
      %dma_start3A_183 = arith.constant 0 : i32
      %dma_start3A_184 = tpu.memref_slice %arg5[%squeeze3A_160, %dma_start3A_183] : memref<1000000x32xf32, #tpu.memory_space<hbm>> -> memref<1x16xf32, #tpu.memory_space<hbm>>
      %dma_start3A_185 = tpu.memref_squeeze %dma_start3A_184 : memref<1x16xf32, #tpu.memory_space<hbm>> -> memref<16xf32, #tpu.memory_space<hbm>>
      %dma_start3A_186 = tpu.memref_slice %arg18[%multiple_of3A_165] : memref<8192xf32, #tpu.memory_space<vmem>> -> memref<16xf32, #tpu.memory_space<vmem>>
      %dma_start3A_187 = arith.constant 0 : i32
      %dma_start3A_188 = tpu.memref_slice %arg5[%squeeze3A_160, %dma_start3A_187] : memref<1000000x32xf32, #tpu.memory_space<hbm>> -> memref<1x16xf32, #tpu.memory_space<hbm>>
      %dma_start3A_189 = tpu.memref_squeeze %dma_start3A_188 : memref<1x16xf32, #tpu.memory_space<hbm>> -> memref<16xf32, #tpu.memory_space<hbm>>
      tpu.enqueue_dma source(%dma_start3A_189 : memref<16xf32, #tpu.memory_space<hbm>>) target(%dma_start3A_186 : memref<16xf32, #tpu.memory_space<vmem>>) target_semaphore(%arg23 : memref<!tpu.dma_semaphore, #tpu.memory_space<semaphore_mem>>)
      %dma_start3A_190 = tpu.memref_slice %arg19[%multiple_of3A_165] : memref<8192xf32, #tpu.memory_space<vmem>> -> memref<16xf32, #tpu.memory_space<vmem>>
      %dma_start3A_191 = arith.constant 16 : i32
      %dma_start3A_192 = tpu.memref_slice %arg5[%squeeze3A_160, %dma_start3A_191] : memref<1000000x32xf32, #tpu.memory_space<hbm>> -> memref<1x16xf32, #tpu.memory_space<hbm>>
      %dma_start3A_193 = tpu.memref_squeeze %dma_start3A_192 : memref<1x16xf32, #tpu.memory_space<hbm>> -> memref<16xf32, #tpu.memory_space<hbm>>
      %dma_start3A_194 = tpu.memref_slice %arg19[%multiple_of3A_165] : memref<8192xf32, #tpu.memory_space<vmem>> -> memref<16xf32, #tpu.memory_space<vmem>>
      %dma_start3A_195 = arith.constant 16 : i32
      %dma_start3A_196 = tpu.memref_slice %arg5[%squeeze3A_160, %dma_start3A_195] : memref<1000000x32xf32, #tpu.memory_space<hbm>> -> memref<1x16xf32, #tpu.memory_space<hbm>>
      %dma_start3A_197 = tpu.memref_squeeze %dma_start3A_196 : memref<1x16xf32, #tpu.memory_space<hbm>> -> memref<16xf32, #tpu.memory_space<hbm>>
      tpu.enqueue_dma source(%dma_start3A_197 : memref<16xf32, #tpu.memory_space<hbm>>) target(%dma_start3A_194 : memref<16xf32, #tpu.memory_space<vmem>>) target_semaphore(%arg23 : memref<!tpu.dma_semaphore, #tpu.memory_space<semaphore_mem>>)
      %slice3A_198 = vector.extract_strided_slice %get3A_155 {offsets = [1], sizes = [1], strides = [1]} : vector<16xi32> to vector<1xi32>
      %squeeze3A_199 = vector.extract %slice3A_198[0] : i32 from vector<1xi32>
      %slice3A_200 = vector.extract_strided_slice %get3A_158 {offsets = [1], sizes = [1], strides = [1]} : vector<16xi32> to vector<1xi32>
      %squeeze3A_201 = vector.extract %slice3A_200[0] : i32 from vector<1xi32>
      %mul3A_202 = arith.constant 256 : i32
      %mul3A_203 = arith.muli %scan3A_151, %mul3A_202 : i32
      %add3A_204 = arith.constant 16 : i32
      %add3A_205 = arith.addi %mul3A_203, %add3A_204 : i32
      %multiple_of3A_206 = tpu.assume_multiple %add3A_205, 16 : i32
      %dma_start3A_207 = tpu.memref_slice %arg16[%multiple_of3A_206] : memref<8192xf32, #tpu.memory_space<vmem>> -> memref<16xf32, #tpu.memory_space<vmem>>
      %dma_start3A_208 = arith.constant 0 : i32
      %dma_start3A_209 = tpu.memref_slice %arg4[%squeeze3A_199, %dma_start3A_208] : memref<1000000x32xf32, #tpu.memory_space<hbm>> -> memref<1x16xf32, #tpu.memory_space<hbm>>
      %dma_start3A_210 = tpu.memref_squeeze %dma_start3A_209 : memref<1x16xf32, #tpu.memory_space<hbm>> -> memref<16xf32, #tpu.memory_space<hbm>>
      %dma_start3A_211 = tpu.memref_slice %arg16[%multiple_of3A_206] : memref<8192xf32, #tpu.memory_space<vmem>> -> memref<16xf32, #tpu.memory_space<vmem>>
      %dma_start3A_212 = arith.constant 0 : i32
      %dma_start3A_213 = tpu.memref_slice %arg4[%squeeze3A_199, %dma_start3A_212] : memref<1000000x32xf32, #tpu.memory_space<hbm>> -> memref<1x16xf32, #tpu.memory_space<hbm>>
      %dma_start3A_214 = tpu.memref_squeeze %dma_start3A_213 : memref<1x16xf32, #tpu.memory_space<hbm>> -> memref<16xf32, #tpu.memory_space<hbm>>
      tpu.enqueue_dma source(%dma_start3A_214 : memref<16xf32, #tpu.memory_space<hbm>>) target(%dma_start3A_211 : memref<16xf32, #tpu.memory_space<vmem>>) target_semaphore(%arg23 : memref<!tpu.dma_semaphore, #tpu.memory_space<semaphore_mem>>)
      %dma_start3A_215 = tpu.memref_slice %arg17[%multiple_of3A_206] : memref<8192xf32, #tpu.memory_space<vmem>> -> memref<16xf32, #tpu.memory_space<vmem>>
      %dma_start3A_216 = arith.constant 16 : i32
      %dma_start3A_217 = tpu.memref_slice %arg4[%squeeze3A_199, %dma_start3A_216] : memref<1000000x32xf32, #tpu.memory_space<hbm>> -> memref<1x16xf32, #tpu.memory_space<hbm>>
      %dma_start3A_218 = tpu.memref_squeeze %dma_start3A_217 : memref<1x16xf32, #tpu.memory_space<hbm>> -> memref<16xf32, #tpu.memory_space<hbm>>
      %dma_start3A_219 = tpu.memref_slice %arg17[%multiple_of3A_206] : memref<8192xf32, #tpu.memory_space<vmem>> -> memref<16xf32, #tpu.memory_space<vmem>>
      %dma_start3A_220 = arith.constant 16 : i32
      %dma_start3A_221 = tpu.memref_slice %arg4[%squeeze3A_199, %dma_start3A_220] : memref<1000000x32xf32, #tpu.memory_space<hbm>> -> memref<1x16xf32, #tpu.memory_space<hbm>>
      %dma_start3A_222 = tpu.memref_squeeze %dma_start3A_221 : memref<1x16xf32, #tpu.memory_space<hbm>> -> memref<16xf32, #tpu.memory_space<hbm>>
      tpu.enqueue_dma source(%dma_start3A_222 : memref<16xf32, #tpu.memory_space<hbm>>) target(%dma_start3A_219 : memref<16xf32, #tpu.memory_space<vmem>>) target_semaphore(%arg23 : memref<!tpu.dma_semaphore, #tpu.memory_space<semaphore_mem>>)
      %dma_start3A_223 = tpu.memref_slice %arg18[%multiple_of3A_206] : memref<8192xf32, #tpu.memory_space<vmem>> -> memref<16xf32, #tpu.memory_space<vmem>>
      %dma_start3A_224 = arith.constant 0 : i32
      %dma_start3A_225 = tpu.memref_slice %arg5[%squeeze3A_201, %dma_start3A_224] : memref<1000000x32xf32, #tpu.memory_space<hbm>> -> memref<1x16xf32, #tpu.memory_space<hbm>>
      %dma_start3A_226 = tpu.memref_squeeze %dma_start3A_225 : memref<1x16xf32, #tpu.memory_space<hbm>> -> memref<16xf32, #tpu.memory_space<hbm>>
      %dma_start3A_227 = tpu.memref_slice %arg18[%multiple_of3A_206] : memref<8192xf32, #tpu.memory_space<vmem>> -> memref<16xf32, #tpu.memory_space<vmem>>
      %dma_start3A_228 = arith.constant 0 : i32
      %dma_start3A_229 = tpu.memref_slice %arg5[%squeeze3A_201, %dma_start3A_228] : memref<1000000x32xf32, #tpu.memory_space<hbm>> -> memref<1x16xf32, #tpu.memory_space<hbm>>
      %dma_start3A_230 = tpu.memref_squeeze %dma_start3A_229 : memref<1x16xf32, #tpu.memory_space<hbm>> -> memref<16xf32, #tpu.memory_space<hbm>>
      tpu.enqueue_dma source(%dma_start3A_230 : memref<16xf32, #tpu.memory_space<hbm>>) target(%dma_start3A_227 : memref<16xf32, #tpu.memory_space<vmem>>) target_semaphore(%arg23 : memref<!tpu.dma_semaphore, #tpu.memory_space<semaphore_mem>>)
      %dma_start3A_231 = tpu.memref_slice %arg19[%multiple_of3A_206] : memref<8192xf32, #tpu.memory_space<vmem>> -> memref<16xf32, #tpu.memory_space<vmem>>
      %dma_start3A_232 = arith.constant 16 : i32
      %dma_start3A_233 = tpu.memref_slice %arg5[%squeeze3A_201, %dma_start3A_232] : memref<1000000x32xf32, #tpu.memory_space<hbm>> -> memref<1x16xf32, #tpu.memory_space<hbm>>
      %dma_start3A_234 = tpu.memref_squeeze %dma_start3A_233 : memref<1x16xf32, #tpu.memory_space<hbm>> -> memref<16xf32, #tpu.memory_space<hbm>>
      %dma_start3A_235 = tpu.memref_slice %arg19[%multiple_of3A_206] : memref<8192xf32, #tpu.memory_space<vmem>> -> memref<16xf32, #tpu.memory_space<vmem>>
      %dma_start3A_236 = arith.constant 16 : i32
      %dma_start3A_237 = tpu.memref_slice %arg5[%squeeze3A_201, %dma_start3A_236] : memref<1000000x32xf32, #tpu.memory_space<hbm>> -> memref<1x16xf32, #tpu.memory_space<hbm>>
      %dma_start3A_238 = tpu.memref_squeeze %dma_start3A_237 : memref<1x16xf32, #tpu.memory_space<hbm>> -> memref<16xf32, #tpu.memory_space<hbm>>
      tpu.enqueue_dma source(%dma_start3A_238 : memref<16xf32, #tpu.memory_space<hbm>>) target(%dma_start3A_235 : memref<16xf32, #tpu.memory_space<vmem>>) target_semaphore(%arg23 : memref<!tpu.dma_semaphore, #tpu.memory_space<semaphore_mem>>)
      %slice3A_239 = vector.extract_strided_slice %get3A_155 {offsets = [2], sizes = [1], strides = [1]} : vector<16xi32> to vector<1xi32>
      %squeeze3A_240 = vector.extract %slice3A_239[0] : i32 from vector<1xi32>
      %slice3A_241 = vector.extract_strided_slice %get3A_158 {offsets = [2], sizes = [1], strides = [1]} : vector<16xi32> to vector<1xi32>
      %squeeze3A_242 = vector.extract %slice3A_241[0] : i32 from vector<1xi32>
      %mul3A_243 = arith.constant 256 : i32
      %mul3A_244 = arith.muli %scan3A_151, %mul3A_243 : i32
      %add3A_245 = arith.constant 32 : i32
      %add3A_246 = arith.addi %mul3A_244, %add3A_245 : i32
      %multiple_of3A_247 = tpu.assume_multiple %add3A_246, 16 : i32
      %dma_start3A_248 = tpu.memref_slice %arg16[%multiple_of3A_247] : memref<8192xf32, #tpu.memory_space<vmem>> -> memref<16xf32, #tpu.memory_space<vmem>>
      %dma_start3A_249 = arith.constant 0 : i32
      %dma_start3A_250 = tpu.memref_slice %arg4[%squeeze3A_240, %dma_start3A_249] : memref<1000000x32xf32, #tpu.memory_space<hbm>> -> memref<1x16xf32, #tpu.memory_space<hbm>>
      %dma_start3A_251 = tpu.memref_squeeze %dma_start3A_250 : memref<1x16xf32, #tpu.memory_space<hbm>> -> memref<16xf32, #tpu.memory_space<hbm>>
      %dma_start3A_252 = tpu.memref_slice %arg16[%multiple_of3A_247] : memref<8192xf32, #tpu.memory_space<vmem>> -> memref<16xf32, #tpu.memory_space<vmem>>
      %dma_start3A_253 = arith.constant 0 : i32
      %dma_start3A_254 = tpu.memref_slice %arg4[%squeeze3A_240, %dma_start3A_253] : memref<1000000x32xf32, #tpu.memory_space<hbm>> -> memref<1x16xf32, #tpu.memory_space<hbm>>
      %dma_start3A_255 = tpu.memref_squeeze %dma_start3A_254 : memref<1x16xf32, #tpu.memory_space<hbm>> -> memref<16xf32, #tpu.memory_space<hbm>>
      tpu.enqueue_dma source(%dma_start3A_255 : memref<16xf32, #tpu.memory_space<hbm>>) target(%dma_start3A_252 : memref<16xf32, #tpu.memory_space<vmem>>) target_semaphore(%arg23 : memref<!tpu.dma_semaphore, #tpu.memory_space<semaphore_mem>>)
      %dma_start3A_256 = tpu.memref_slice %arg17[%multiple_of3A_247] : memref<8192xf32, #tpu.memory_space<vmem>> -> memref<16xf32, #tpu.memory_space<vmem>>
      %dma_start3A_257 = arith.constant 16 : i32
      %dma_start3A_258 = tpu.memref_slice %arg4[%squeeze3A_240, %dma_start3A_257] : memref<1000000x32xf32, #tpu.memory_space<hbm>> -> memref<1x16xf32, #tpu.memory_space<hbm>>
      %dma_start3A_259 = tpu.memref_squeeze %dma_start3A_258 : memref<1x16xf32, #tpu.memory_space<hbm>> -> memref<16xf32, #tpu.memory_space<hbm>>
      %dma_start3A_260 = tpu.memref_slice %arg17[%multiple_of3A_247] : memref<8192xf32, #tpu.memory_space<vmem>> -> memref<16xf32, #tpu.memory_space<vmem>>
      %dma_start3A_261 = arith.constant 16 : i32
      %dma_start3A_262 = tpu.memref_slice %arg4[%squeeze3A_240, %dma_start3A_261] : memref<1000000x32xf32, #tpu.memory_space<hbm>> -> memref<1x16xf32, #tpu.memory_space<hbm>>
      %dma_start3A_263 = tpu.memref_squeeze %dma_start3A_262 : memref<1x16xf32, #tpu.memory_space<hbm>> -> memref<16xf32, #tpu.memory_space<hbm>>
      tpu.enqueue_dma source(%dma_start3A_263 : memref<16xf32, #tpu.memory_space<hbm>>) target(%dma_start3A_260 : memref<16xf32, #tpu.memory_space<vmem>>) target_semaphore(%arg23 : memref<!tpu.dma_semaphore, #tpu.memory_space<semaphore_mem>>)
      %dma_start3A_264 = tpu.memref_slice %arg18[%multiple_of3A_247] : memref<8192xf32, #tpu.memory_space<vmem>> -> memref<16xf32, #tpu.memory_space<vmem>>
      %dma_start3A_265 = arith.constant 0 : i32
      %dma_start3A_266 = tpu.memref_slice %arg5[%squeeze3A_242, %dma_start3A_265] : memref<1000000x32xf32, #tpu.memory_space<hbm>> -> memref<1x16xf32, #tpu.memory_space<hbm>>
      %dma_start3A_267 = tpu.memref_squeeze %dma_start3A_266 : memref<1x16xf32, #tpu.memory_space<hbm>> -> memref<16xf32, #tpu.memory_space<hbm>>
      %dma_start3A_268 = tpu.memref_slice %arg18[%multiple_of3A_247] : memref<8192xf32, #tpu.memory_space<vmem>> -> memref<16xf32, #tpu.memory_space<vmem>>
      %dma_start3A_269 = arith.constant 0 : i32
      %dma_start3A_270 = tpu.memref_slice %arg5[%squeeze3A_242, %dma_start3A_269] : memref<1000000x32xf32, #tpu.memory_space<hbm>> -> memref<1x16xf32, #tpu.memory_space<hbm>>
      %dma_start3A_271 = tpu.memref_squeeze %dma_start3A_270 : memref<1x16xf32, #tpu.memory_space<hbm>> -> memref<16xf32, #tpu.memory_space<hbm>>
      tpu.enqueue_dma source(%dma_start3A_271 : memref<16xf32, #tpu.memory_space<hbm>>) target(%dma_start3A_268 : memref<16xf32, #tpu.memory_space<vmem>>) target_semaphore(%arg23 : memref<!tpu.dma_semaphore, #tpu.memory_space<semaphore_mem>>)
      %dma_start3A_272 = tpu.memref_slice %arg19[%multiple_of3A_247] : memref<8192xf32, #tpu.memory_space<vmem>> -> memref<16xf32, #tpu.memory_space<vmem>>
      %dma_start3A_273 = arith.constant 16 : i32
      %dma_start3A_274 = tpu.memref_slice %arg5[%squeeze3A_242, %dma_start3A_273] : memref<1000000x32xf32, #tpu.memory_space<hbm>> -> memref<1x16xf32, #tpu.memory_space<hbm>>
      %dma_start3A_275 = tpu.memref_squeeze %dma_start3A_274 : memref<1x16xf32, #tpu.memory_space<hbm>> -> memref<16xf32, #tpu.memory_space<hbm>>
      %dma_start3A_276 = tpu.memref_slice %arg19[%multiple_of3A_247] : memref<8192xf32, #tpu.memory_space<vmem>> -> memref<16xf32, #tpu.memory_space<vmem>>
      %dma_start3A_277 = arith.constant 16 : i32
      %dma_start3A_278 = tpu.memref_slice %arg5[%squeeze3A_242, %dma_start3A_277] : memref<1000000x32xf32, #tpu.memory_space<hbm>> -> memref<1x16xf32, #tpu.memory_space<hbm>>
      %dma_start3A_279 = tpu.memref_squeeze %dma_start3A_278 : memref<1x16xf32, #tpu.memory_space<hbm>> -> memref<16xf32, #tpu.memory_space<hbm>>
      tpu.enqueue_dma source(%dma_start3A_279 : memref<16xf32, #tpu.memory_space<hbm>>) target(%dma_start3A_276 : memref<16xf32, #tpu.memory_space<vmem>>) target_semaphore(%arg23 : memref<!tpu.dma_semaphore, #tpu.memory_space<semaphore_mem>>)
      %slice3A_280 = vector.extract_strided_slice %get3A_155 {offsets = [3], sizes = [1], strides = [1]} : vector<16xi32> to vector<1xi32>
      %squeeze3A_281 = vector.extract %slice3A_280[0] : i32 from vector<1xi32>
      %slice3A_282 = vector.extract_strided_slice %get3A_158 {offsets = [3], sizes = [1], strides = [1]} : vector<16xi32> to vector<1xi32>
      %squeeze3A_283 = vector.extract %slice3A_282[0] : i32 from vector<1xi32>
      %mul3A_284 = arith.constant 256 : i32
      %mul3A_285 = arith.muli %scan3A_151, %mul3A_284 : i32
      %add3A_286 = arith.constant 48 : i32
      %add3A_287 = arith.addi %mul3A_285, %add3A_286 : i32
      %multiple_of3A_288 = tpu.assume_multiple %add3A_287, 16 : i32
      %dma_start3A_289 = tpu.memref_slice %arg16[%multiple_of3A_288] : memref<8192xf32, #tpu.memory_space<vmem>> -> memref<16xf32, #tpu.memory_space<vmem>>
      %dma_start3A_290 = arith.constant 0 : i32
      %dma_start3A_291 = tpu.memref_slice %arg4[%squeeze3A_281, %dma_start3A_290] : memref<1000000x32xf32, #tpu.memory_space<hbm>> -> memref<1x16xf32, #tpu.memory_space<hbm>>
      %dma_start3A_292 = tpu.memref_squeeze %dma_start3A_291 : memref<1x16xf32, #tpu.memory_space<hbm>> -> memref<16xf32, #tpu.memory_space<hbm>>
      %dma_start3A_293 = tpu.memref_slice %arg16[%multiple_of3A_288] : memref<8192xf32, #tpu.memory_space<vmem>> -> memref<16xf32, #tpu.memory_space<vmem>>
      %dma_start3A_294 = arith.constant 0 : i32
      %dma_start3A_295 = tpu.memref_slice %arg4[%squeeze3A_281, %dma_start3A_294] : memref<1000000x32xf32, #tpu.memory_space<hbm>> -> memref<1x16xf32, #tpu.memory_space<hbm>>
      %dma_start3A_296 = tpu.memref_squeeze %dma_start3A_295 : memref<1x16xf32, #tpu.memory_space<hbm>> -> memref<16xf32, #tpu.memory_space<hbm>>
      tpu.enqueue_dma source(%dma_start3A_296 : memref<16xf32, #tpu.memory_space<hbm>>) target(%dma_start3A_293 : memref<16xf32, #tpu.memory_space<vmem>>) target_semaphore(%arg23 : memref<!tpu.dma_semaphore, #tpu.memory_space<semaphore_mem>>)
      %dma_start3A_297 = tpu.memref_slice %arg17[%multiple_of3A_288] : memref<8192xf32, #tpu.memory_space<vmem>> -> memref<16xf32, #tpu.memory_space<vmem>>
      %dma_start3A_298 = arith.constant 16 : i32
      %dma_start3A_299 = tpu.memref_slice %arg4[%squeeze3A_281, %dma_start3A_298] : memref<1000000x32xf32, #tpu.memory_space<hbm>> -> memref<1x16xf32, #tpu.memory_space<hbm>>
      %dma_start3A_300 = tpu.memref_squeeze %dma_start3A_299 : memref<1x16xf32, #tpu.memory_space<hbm>> -> memref<16xf32, #tpu.memory_space<hbm>>
      %dma_start3A_301 = tpu.memref_slice %arg17[%multiple_of3A_288] : memref<8192xf32, #tpu.memory_space<vmem>> -> memref<16xf32, #tpu.memory_space<vmem>>
      %dma_start3A_302 = arith.constant 16 : i32
      %dma_start3A_303 = tpu.memref_slice %arg4[%squeeze3A_281, %dma_start3A_302] : memref<1000000x32xf32, #tpu.memory_space<hbm>> -> memref<1x16xf32, #tpu.memory_space<hbm>>
      %dma_start3A_304 = tpu.memref_squeeze %dma_start3A_303 : memref<1x16xf32, #tpu.memory_space<hbm>> -> memref<16xf32, #tpu.memory_space<hbm>>
      tpu.enqueue_dma source(%dma_start3A_304 : memref<16xf32, #tpu.memory_space<hbm>>) target(%dma_start3A_301 : memref<16xf32, #tpu.memory_space<vmem>>) target_semaphore(%arg23 : memref<!tpu.dma_semaphore, #tpu.memory_space<semaphore_mem>>)
      %dma_start3A_305 = tpu.memref_slice %arg18[%multiple_of3A_288] : memref<8192xf32, #tpu.memory_space<vmem>> -> memref<16xf32, #tpu.memory_space<vmem>>
      %dma_start3A_306 = arith.constant 0 : i32
      %dma_start3A_307 = tpu.memref_slice %arg5[%squeeze3A_283, %dma_start3A_306] : memref<1000000x32xf32, #tpu.memory_space<hbm>> -> memref<1x16xf32, #tpu.memory_space<hbm>>
      %dma_start3A_308 = tpu.memref_squeeze %dma_start3A_307 : memref<1x16xf32, #tpu.memory_space<hbm>> -> memref<16xf32, #tpu.memory_space<hbm>>
      %dma_start3A_309 = tpu.memref_slice %arg18[%multiple_of3A_288] : memref<8192xf32, #tpu.memory_space<vmem>> -> memref<16xf32, #tpu.memory_space<vmem>>
      %dma_start3A_310 = arith.constant 0 : i32
      %dma_start3A_311 = tpu.memref_slice %arg5[%squeeze3A_283, %dma_start3A_310] : memref<1000000x32xf32, #tpu.memory_space<hbm>> -> memref<1x16xf32, #tpu.memory_space<hbm>>
      %dma_start3A_312 = tpu.memref_squeeze %dma_start3A_311 : memref<1x16xf32, #tpu.memory_space<hbm>> -> memref<16xf32, #tpu.memory_space<hbm>>
      tpu.enqueue_dma source(%dma_start3A_312 : memref<16xf32, #tpu.memory_space<hbm>>) target(%dma_start3A_309 : memref<16xf32, #tpu.memory_space<vmem>>) target_semaphore(%arg23 : memref<!tpu.dma_semaphore, #tpu.memory_space<semaphore_mem>>)
      %dma_start3A_313 = tpu.memref_slice %arg19[%multiple_of3A_288] : memref<8192xf32, #tpu.memory_space<vmem>> -> memref<16xf32, #tpu.memory_space<vmem>>
      %dma_start3A_314 = arith.constant 16 : i32
      %dma_start3A_315 = tpu.memref_slice %arg5[%squeeze3A_283, %dma_start3A_314] : memref<1000000x32xf32, #tpu.memory_space<hbm>> -> memref<1x16xf32, #tpu.memory_space<hbm>>
      %dma_start3A_316 = tpu.memref_squeeze %dma_start3A_315 : memref<1x16xf32, #tpu.memory_space<hbm>> -> memref<16xf32, #tpu.memory_space<hbm>>
      %dma_start3A_317 = tpu.memref_slice %arg19[%multiple_of3A_288] : memref<8192xf32, #tpu.memory_space<vmem>> -> memref<16xf32, #tpu.memory_space<vmem>>
      %dma_start3A_318 = arith.constant 16 : i32
      %dma_start3A_319 = tpu.memref_slice %arg5[%squeeze3A_283, %dma_start3A_318] : memref<1000000x32xf32, #tpu.memory_space<hbm>> -> memref<1x16xf32, #tpu.memory_space<hbm>>
      %dma_start3A_320 = tpu.memref_squeeze %dma_start3A_319 : memref<1x16xf32, #tpu.memory_space<hbm>> -> memref<16xf32, #tpu.memory_space<hbm>>
      tpu.enqueue_dma source(%dma_start3A_320 : memref<16xf32, #tpu.memory_space<hbm>>) target(%dma_start3A_317 : memref<16xf32, #tpu.memory_space<vmem>>) target_semaphore(%arg23 : memref<!tpu.dma_semaphore, #tpu.memory_space<semaphore_mem>>)
      %slice3A_321 = vector.extract_strided_slice %get3A_155 {offsets = [4], sizes = [1], strides = [1]} : vector<16xi32> to vector<1xi32>
      %squeeze3A_322 = vector.extract %slice3A_321[0] : i32 from vector<1xi32>
      %slice3A_323 = vector.extract_strided_slice %get3A_158 {offsets = [4], sizes = [1], strides = [1]} : vector<16xi32> to vector<1xi32>
      %squeeze3A_324 = vector.extract %slice3A_323[0] : i32 from vector<1xi32>
      %mul3A_325 = arith.constant 256 : i32
      %mul3A_326 = arith.muli %scan3A_151, %mul3A_325 : i32
      %add3A_327 = arith.constant 64 : i32
      %add3A_328 = arith.addi %mul3A_326, %add3A_327 : i32
      %multiple_of3A_329 = tpu.assume_multiple %add3A_328, 16 : i32
      %dma_start3A_330 = tpu.memref_slice %arg16[%multiple_of3A_329] : memref<8192xf32, #tpu.memory_space<vmem>> -> memref<16xf32, #tpu.memory_space<vmem>>
      %dma_start3A_331 = arith.constant 0 : i32
      %dma_start3A_332 = tpu.memref_slice %arg4[%squeeze3A_322, %dma_start3A_331] : memref<1000000x32xf32, #tpu.memory_space<hbm>> -> memref<1x16xf32, #tpu.memory_space<hbm>>
      %dma_start3A_333 = tpu.memref_squeeze %dma_start3A_332 : memref<1x16xf32, #tpu.memory_space<hbm>> -> memref<16xf32, #tpu.memory_space<hbm>>
      %dma_start3A_334 = tpu.memref_slice %arg16[%multiple_of3A_329] : memref<8192xf32, #tpu.memory_space<vmem>> -> memref<16xf32, #tpu.memory_space<vmem>>
      %dma_start3A_335 = arith.constant 0 : i32
      %dma_start3A_336 = tpu.memref_slice %arg4[%squeeze3A_322, %dma_start3A_335] : memref<1000000x32xf32, #tpu.memory_space<hbm>> -> memref<1x16xf32, #tpu.memory_space<hbm>>
      %dma_start3A_337 = tpu.memref_squeeze %dma_start3A_336 : memref<1x16xf32, #tpu.memory_space<hbm>> -> memref<16xf32, #tpu.memory_space<hbm>>
      tpu.enqueue_dma source(%dma_start3A_337 : memref<16xf32, #tpu.memory_space<hbm>>) target(%dma_start3A_334 : memref<16xf32, #tpu.memory_space<vmem>>) target_semaphore(%arg23 : memref<!tpu.dma_semaphore, #tpu.memory_space<semaphore_mem>>)
      %dma_start3A_338 = tpu.memref_slice %arg17[%multiple_of3A_329] : memref<8192xf32, #tpu.memory_space<vmem>> -> memref<16xf32, #tpu.memory_space<vmem>>
      %dma_start3A_339 = arith.constant 16 : i32
      %dma_start3A_340 = tpu.memref_slice %arg4[%squeeze3A_322, %dma_start3A_339] : memref<1000000x32xf32, #tpu.memory_space<hbm>> -> memref<1x16xf32, #tpu.memory_space<hbm>>
      %dma_start3A_341 = tpu.memref_squeeze %dma_start3A_340 : memref<1x16xf32, #tpu.memory_space<hbm>> -> memref<16xf32, #tpu.memory_space<hbm>>
      %dma_start3A_342 = tpu.memref_slice %arg17[%multiple_of3A_329] : memref<8192xf32, #tpu.memory_space<vmem>> -> memref<16xf32, #tpu.memory_space<vmem>>
      %dma_start3A_343 = arith.constant 16 : i32
      %dma_start3A_344 = tpu.memref_slice %arg4[%squeeze3A_322, %dma_start3A_343] : memref<1000000x32xf32, #tpu.memory_space<hbm>> -> memref<1x16xf32, #tpu.memory_space<hbm>>
      %dma_start3A_345 = tpu.memref_squeeze %dma_start3A_344 : memref<1x16xf32, #tpu.memory_space<hbm>> -> memref<16xf32, #tpu.memory_space<hbm>>
      tpu.enqueue_dma source(%dma_start3A_345 : memref<16xf32, #tpu.memory_space<hbm>>) target(%dma_start3A_342 : memref<16xf32, #tpu.memory_space<vmem>>) target_semaphore(%arg23 : memref<!tpu.dma_semaphore, #tpu.memory_space<semaphore_mem>>)
      %dma_start3A_346 = tpu.memref_slice %arg18[%multiple_of3A_329] : memref<8192xf32, #tpu.memory_space<vmem>> -> memref<16xf32, #tpu.memory_space<vmem>>
      %dma_start3A_347 = arith.constant 0 : i32
      %dma_start3A_348 = tpu.memref_slice %arg5[%squeeze3A_324, %dma_start3A_347] : memref<1000000x32xf32, #tpu.memory_space<hbm>> -> memref<1x16xf32, #tpu.memory_space<hbm>>
      %dma_start3A_349 = tpu.memref_squeeze %dma_start3A_348 : memref<1x16xf32, #tpu.memory_space<hbm>> -> memref<16xf32, #tpu.memory_space<hbm>>
      %dma_start3A_350 = tpu.memref_slice %arg18[%multiple_of3A_329] : memref<8192xf32, #tpu.memory_space<vmem>> -> memref<16xf32, #tpu.memory_space<vmem>>
      %dma_start3A_351 = arith.constant 0 : i32
      %dma_start3A_352 = tpu.memref_slice %arg5[%squeeze3A_324, %dma_start3A_351] : memref<1000000x32xf32, #tpu.memory_space<hbm>> -> memref<1x16xf32, #tpu.memory_space<hbm>>
      %dma_start3A_353 = tpu.memref_squeeze %dma_start3A_352 : memref<1x16xf32, #tpu.memory_space<hbm>> -> memref<16xf32, #tpu.memory_space<hbm>>
      tpu.enqueue_dma source(%dma_start3A_353 : memref<16xf32, #tpu.memory_space<hbm>>) target(%dma_start3A_350 : memref<16xf32, #tpu.memory_space<vmem>>) target_semaphore(%arg23 : memref<!tpu.dma_semaphore, #tpu.memory_space<semaphore_mem>>)
      %dma_start3A_354 = tpu.memref_slice %arg19[%multiple_of3A_329] : memref<8192xf32, #tpu.memory_space<vmem>> -> memref<16xf32, #tpu.memory_space<vmem>>
      %dma_start3A_355 = arith.constant 16 : i32
      %dma_start3A_356 = tpu.memref_slice %arg5[%squeeze3A_324, %dma_start3A_355] : memref<1000000x32xf32, #tpu.memory_space<hbm>> -> memref<1x16xf32, #tpu.memory_space<hbm>>
      %dma_start3A_357 = tpu.memref_squeeze %dma_start3A_356 : memref<1x16xf32, #tpu.memory_space<hbm>> -> memref<16xf32, #tpu.memory_space<hbm>>
      %dma_start3A_358 = tpu.memref_slice %arg19[%multiple_of3A_329] : memref<8192xf32, #tpu.memory_space<vmem>> -> memref<16xf32, #tpu.memory_space<vmem>>
      %dma_start3A_359 = arith.constant 16 : i32
      %dma_start3A_360 = tpu.memref_slice %arg5[%squeeze3A_324, %dma_start3A_359] : memref<1000000x32xf32, #tpu.memory_space<hbm>> -> memref<1x16xf32, #tpu.memory_space<hbm>>
      %dma_start3A_361 = tpu.memref_squeeze %dma_start3A_360 : memref<1x16xf32, #tpu.memory_space<hbm>> -> memref<16xf32, #tpu.memory_space<hbm>>
      tpu.enqueue_dma source(%dma_start3A_361 : memref<16xf32, #tpu.memory_space<hbm>>) target(%dma_start3A_358 : memref<16xf32, #tpu.memory_space<vmem>>) target_semaphore(%arg23 : memref<!tpu.dma_semaphore, #tpu.memory_space<semaphore_mem>>)
      %slice3A_362 = vector.extract_strided_slice %get3A_155 {offsets = [5], sizes = [1], strides = [1]} : vector<16xi32> to vector<1xi32>
      %squeeze3A_363 = vector.extract %slice3A_362[0] : i32 from vector<1xi32>
      %slice3A_364 = vector.extract_strided_slice %get3A_158 {offsets = [5], sizes = [1], strides = [1]} : vector<16xi32> to vector<1xi32>
      %squeeze3A_365 = vector.extract %slice3A_364[0] : i32 from vector<1xi32>
      %mul3A_366 = arith.constant 256 : i32
      %mul3A_367 = arith.muli %scan3A_151, %mul3A_366 : i32
      %add3A_368 = arith.constant 80 : i32
      %add3A_369 = arith.addi %mul3A_367, %add3A_368 : i32
      %multiple_of3A_370 = tpu.assume_multiple %add3A_369, 16 : i32
      %dma_start3A_371 = tpu.memref_slice %arg16[%multiple_of3A_370] : memref<8192xf32, #tpu.memory_space<vmem>> -> memref<16xf32, #tpu.memory_space<vmem>>
      %dma_start3A_372 = arith.constant 0 : i32
      %dma_start3A_373 = tpu.memref_slice %arg4[%squeeze3A_363, %dma_start3A_372] : memref<1000000x32xf32, #tpu.memory_space<hbm>> -> memref<1x16xf32, #tpu.memory_space<hbm>>
      %dma_start3A_374 = tpu.memref_squeeze %dma_start3A_373 : memref<1x16xf32, #tpu.memory_space<hbm>> -> memref<16xf32, #tpu.memory_space<hbm>>
      %dma_start3A_375 = tpu.memref_slice %arg16[%multiple_of3A_370] : memref<8192xf32, #tpu.memory_space<vmem>> -> memref<16xf32, #tpu.memory_space<vmem>>
      %dma_start3A_376 = arith.constant 0 : i32
      %dma_start3A_377 = tpu.memref_slice %arg4[%squeeze3A_363, %dma_start3A_376] : memref<1000000x32xf32, #tpu.memory_space<hbm>> -> memref<1x16xf32, #tpu.memory_space<hbm>>
      %dma_start3A_378 = tpu.memref_squeeze %dma_start3A_377 : memref<1x16xf32, #tpu.memory_space<hbm>> -> memref<16xf32, #tpu.memory_space<hbm>>
      tpu.enqueue_dma source(%dma_start3A_378 : memref<16xf32, #tpu.memory_space<hbm>>) target(%dma_start3A_375 : memref<16xf32, #tpu.memory_space<vmem>>) target_semaphore(%arg23 : memref<!tpu.dma_semaphore, #tpu.memory_space<semaphore_mem>>)
      %dma_start3A_379 = tpu.memref_slice %arg17[%multiple_of3A_370] : memref<8192xf32, #tpu.memory_space<vmem>> -> memref<16xf32, #tpu.memory_space<vmem>>
      %dma_start3A_380 = arith.constant 16 : i32
      %dma_start3A_381 = tpu.memref_slice %arg4[%squeeze3A_363, %dma_start3A_380] : memref<1000000x32xf32, #tpu.memory_space<hbm>> -> memref<1x16xf32, #tpu.memory_space<hbm>>
      %dma_start3A_382 = tpu.memref_squeeze %dma_start3A_381 : memref<1x16xf32, #tpu.memory_space<hbm>> -> memref<16xf32, #tpu.memory_space<hbm>>
      %dma_start3A_383 = tpu.memref_slice %arg17[%multiple_of3A_370] : memref<8192xf32, #tpu.memory_space<vmem>> -> memref<16xf32, #tpu.memory_space<vmem>>
      %dma_start3A_384 = arith.constant 16 : i32
      %dma_start3A_385 = tpu.memref_slice %arg4[%squeeze3A_363, %dma_start3A_384] : memref<1000000x32xf32, #tpu.memory_space<hbm>> -> memref<1x16xf32, #tpu.memory_space<hbm>>
      %dma_start3A_386 = tpu.memref_squeeze %dma_start3A_385 : memref<1x16xf32, #tpu.memory_space<hbm>> -> memref<16xf32, #tpu.memory_space<hbm>>
      tpu.enqueue_dma source(%dma_start3A_386 : memref<16xf32, #tpu.memory_space<hbm>>) target(%dma_start3A_383 : memref<16xf32, #tpu.memory_space<vmem>>) target_semaphore(%arg23 : memref<!tpu.dma_semaphore, #tpu.memory_space<semaphore_mem>>)
      %dma_start3A_387 = tpu.memref_slice %arg18[%multiple_of3A_370] : memref<8192xf32, #tpu.memory_space<vmem>> -> memref<16xf32, #tpu.memory_space<vmem>>
      %dma_start3A_388 = arith.constant 0 : i32
      %dma_start3A_389 = tpu.memref_slice %arg5[%squeeze3A_365, %dma_start3A_388] : memref<1000000x32xf32, #tpu.memory_space<hbm>> -> memref<1x16xf32, #tpu.memory_space<hbm>>
      %dma_start3A_390 = tpu.memref_squeeze %dma_start3A_389 : memref<1x16xf32, #tpu.memory_space<hbm>> -> memref<16xf32, #tpu.memory_space<hbm>>
      %dma_start3A_391 = tpu.memref_slice %arg18[%multiple_of3A_370] : memref<8192xf32, #tpu.memory_space<vmem>> -> memref<16xf32, #tpu.memory_space<vmem>>
      %dma_start3A_392 = arith.constant 0 : i32
      %dma_start3A_393 = tpu.memref_slice %arg5[%squeeze3A_365, %dma_start3A_392] : memref<1000000x32xf32, #tpu.memory_space<hbm>> -> memref<1x16xf32, #tpu.memory_space<hbm>>
      %dma_start3A_394 = tpu.memref_squeeze %dma_start3A_393 : memref<1x16xf32, #tpu.memory_space<hbm>> -> memref<16xf32, #tpu.memory_space<hbm>>
      tpu.enqueue_dma source(%dma_start3A_394 : memref<16xf32, #tpu.memory_space<hbm>>) target(%dma_start3A_391 : memref<16xf32, #tpu.memory_space<vmem>>) target_semaphore(%arg23 : memref<!tpu.dma_semaphore, #tpu.memory_space<semaphore_mem>>)
      %dma_start3A_395 = tpu.memref_slice %arg19[%multiple_of3A_370] : memref<8192xf32, #tpu.memory_space<vmem>> -> memref<16xf32, #tpu.memory_space<vmem>>
      %dma_start3A_396 = arith.constant 16 : i32
      %dma_start3A_397 = tpu.memref_slice %arg5[%squeeze3A_365, %dma_start3A_396] : memref<1000000x32xf32, #tpu.memory_space<hbm>> -> memref<1x16xf32, #tpu.memory_space<hbm>>
      %dma_start3A_398 = tpu.memref_squeeze %dma_start3A_397 : memref<1x16xf32, #tpu.memory_space<hbm>> -> memref<16xf32, #tpu.memory_space<hbm>>
      %dma_start3A_399 = tpu.memref_slice %arg19[%multiple_of3A_370] : memref<8192xf32, #tpu.memory_space<vmem>> -> memref<16xf32, #tpu.memory_space<vmem>>
      %dma_start3A_400 = arith.constant 16 : i32
      %dma_start3A_401 = tpu.memref_slice %arg5[%squeeze3A_365, %dma_start3A_400] : memref<1000000x32xf32, #tpu.memory_space<hbm>> -> memref<1x16xf32, #tpu.memory_space<hbm>>
      %dma_start3A_402 = tpu.memref_squeeze %dma_start3A_401 : memref<1x16xf32, #tpu.memory_space<hbm>> -> memref<16xf32, #tpu.memory_space<hbm>>
      tpu.enqueue_dma source(%dma_start3A_402 : memref<16xf32, #tpu.memory_space<hbm>>) target(%dma_start3A_399 : memref<16xf32, #tpu.memory_space<vmem>>) target_semaphore(%arg23 : memref<!tpu.dma_semaphore, #tpu.memory_space<semaphore_mem>>)
      %slice3A_403 = vector.extract_strided_slice %get3A_155 {offsets = [6], sizes = [1], strides = [1]} : vector<16xi32> to vector<1xi32>
      %squeeze3A_404 = vector.extract %slice3A_403[0] : i32 from vector<1xi32>
      %slice3A_405 = vector.extract_strided_slice %get3A_158 {offsets = [6], sizes = [1], strides = [1]} : vector<16xi32> to vector<1xi32>
      %squeeze3A_406 = vector.extract %slice3A_405[0] : i32 from vector<1xi32>
      %mul3A_407 = arith.constant 256 : i32
      %mul3A_408 = arith.muli %scan3A_151, %mul3A_407 : i32
      %add3A_409 = arith.constant 96 : i32
      %add3A_410 = arith.addi %mul3A_408, %add3A_409 : i32
      %multiple_of3A_411 = tpu.assume_multiple %add3A_410, 16 : i32
      %dma_start3A_412 = tpu.memref_slice %arg16[%multiple_of3A_411] : memref<8192xf32, #tpu.memory_space<vmem>> -> memref<16xf32, #tpu.memory_space<vmem>>
      %dma_start3A_413 = arith.constant 0 : i32
      %dma_start3A_414 = tpu.memref_slice %arg4[%squeeze3A_404, %dma_start3A_413] : memref<1000000x32xf32, #tpu.memory_space<hbm>> -> memref<1x16xf32, #tpu.memory_space<hbm>>
      %dma_start3A_415 = tpu.memref_squeeze %dma_start3A_414 : memref<1x16xf32, #tpu.memory_space<hbm>> -> memref<16xf32, #tpu.memory_space<hbm>>
      %dma_start3A_416 = tpu.memref_slice %arg16[%multiple_of3A_411] : memref<8192xf32, #tpu.memory_space<vmem>> -> memref<16xf32, #tpu.memory_space<vmem>>
      %dma_start3A_417 = arith.constant 0 : i32
      %dma_start3A_418 = tpu.memref_slice %arg4[%squeeze3A_404, %dma_start3A_417] : memref<1000000x32xf32, #tpu.memory_space<hbm>> -> memref<1x16xf32, #tpu.memory_space<hbm>>
      %dma_start3A_419 = tpu.memref_squeeze %dma_start3A_418 : memref<1x16xf32, #tpu.memory_space<hbm>> -> memref<16xf32, #tpu.memory_space<hbm>>
      tpu.enqueue_dma source(%dma_start3A_419 : memref<16xf32, #tpu.memory_space<hbm>>) target(%dma_start3A_416 : memref<16xf32, #tpu.memory_space<vmem>>) target_semaphore(%arg23 : memref<!tpu.dma_semaphore, #tpu.memory_space<semaphore_mem>>)
      %dma_start3A_420 = tpu.memref_slice %arg17[%multiple_of3A_411] : memref<8192xf32, #tpu.memory_space<vmem>> -> memref<16xf32, #tpu.memory_space<vmem>>
      %dma_start3A_421 = arith.constant 16 : i32
      %dma_start3A_422 = tpu.memref_slice %arg4[%squeeze3A_404, %dma_start3A_421] : memref<1000000x32xf32, #tpu.memory_space<hbm>> -> memref<1x16xf32, #tpu.memory_space<hbm>>
      %dma_start3A_423 = tpu.memref_squeeze %dma_start3A_422 : memref<1x16xf32, #tpu.memory_space<hbm>> -> memref<16xf32, #tpu.memory_space<hbm>>
      %dma_start3A_424 = tpu.memref_slice %arg17[%multiple_of3A_411] : memref<8192xf32, #tpu.memory_space<vmem>> -> memref<16xf32, #tpu.memory_space<vmem>>
      %dma_start3A_425 = arith.constant 16 : i32
      %dma_start3A_426 = tpu.memref_slice %arg4[%squeeze3A_404, %dma_start3A_425] : memref<1000000x32xf32, #tpu.memory_space<hbm>> -> memref<1x16xf32, #tpu.memory_space<hbm>>
      %dma_start3A_427 = tpu.memref_squeeze %dma_start3A_426 : memref<1x16xf32, #tpu.memory_space<hbm>> -> memref<16xf32, #tpu.memory_space<hbm>>
      tpu.enqueue_dma source(%dma_start3A_427 : memref<16xf32, #tpu.memory_space<hbm>>) target(%dma_start3A_424 : memref<16xf32, #tpu.memory_space<vmem>>) target_semaphore(%arg23 : memref<!tpu.dma_semaphore, #tpu.memory_space<semaphore_mem>>)
      %dma_start3A_428 = tpu.memref_slice %arg18[%multiple_of3A_411] : memref<8192xf32, #tpu.memory_space<vmem>> -> memref<16xf32, #tpu.memory_space<vmem>>
      %dma_start3A_429 = arith.constant 0 : i32
      %dma_start3A_430 = tpu.memref_slice %arg5[%squeeze3A_406, %dma_start3A_429] : memref<1000000x32xf32, #tpu.memory_space<hbm>> -> memref<1x16xf32, #tpu.memory_space<hbm>>
      %dma_start3A_431 = tpu.memref_squeeze %dma_start3A_430 : memref<1x16xf32, #tpu.memory_space<hbm>> -> memref<16xf32, #tpu.memory_space<hbm>>
      %dma_start3A_432 = tpu.memref_slice %arg18[%multiple_of3A_411] : memref<8192xf32, #tpu.memory_space<vmem>> -> memref<16xf32, #tpu.memory_space<vmem>>
      %dma_start3A_433 = arith.constant 0 : i32
      %dma_start3A_434 = tpu.memref_slice %arg5[%squeeze3A_406, %dma_start3A_433] : memref<1000000x32xf32, #tpu.memory_space<hbm>> -> memref<1x16xf32, #tpu.memory_space<hbm>>
      %dma_start3A_435 = tpu.memref_squeeze %dma_start3A_434 : memref<1x16xf32, #tpu.memory_space<hbm>> -> memref<16xf32, #tpu.memory_space<hbm>>
      tpu.enqueue_dma source(%dma_start3A_435 : memref<16xf32, #tpu.memory_space<hbm>>) target(%dma_start3A_432 : memref<16xf32, #tpu.memory_space<vmem>>) target_semaphore(%arg23 : memref<!tpu.dma_semaphore, #tpu.memory_space<semaphore_mem>>)
      %dma_start3A_436 = tpu.memref_slice %arg19[%multiple_of3A_411] : memref<8192xf32, #tpu.memory_space<vmem>> -> memref<16xf32, #tpu.memory_space<vmem>>
      %dma_start3A_437 = arith.constant 16 : i32
      %dma_start3A_438 = tpu.memref_slice %arg5[%squeeze3A_406, %dma_start3A_437] : memref<1000000x32xf32, #tpu.memory_space<hbm>> -> memref<1x16xf32, #tpu.memory_space<hbm>>
      %dma_start3A_439 = tpu.memref_squeeze %dma_start3A_438 : memref<1x16xf32, #tpu.memory_space<hbm>> -> memref<16xf32, #tpu.memory_space<hbm>>
      %dma_start3A_440 = tpu.memref_slice %arg19[%multiple_of3A_411] : memref<8192xf32, #tpu.memory_space<vmem>> -> memref<16xf32, #tpu.memory_space<vmem>>
      %dma_start3A_441 = arith.constant 16 : i32
      %dma_start3A_442 = tpu.memref_slice %arg5[%squeeze3A_406, %dma_start3A_441] : memref<1000000x32xf32, #tpu.memory_space<hbm>> -> memref<1x16xf32, #tpu.memory_space<hbm>>
      %dma_start3A_443 = tpu.memref_squeeze %dma_start3A_442 : memref<1x16xf32, #tpu.memory_space<hbm>> -> memref<16xf32, #tpu.memory_space<hbm>>
      tpu.enqueue_dma source(%dma_start3A_443 : memref<16xf32, #tpu.memory_space<hbm>>) target(%dma_start3A_440 : memref<16xf32, #tpu.memory_space<vmem>>) target_semaphore(%arg23 : memref<!tpu.dma_semaphore, #tpu.memory_space<semaphore_mem>>)
      %slice3A_444 = vector.extract_strided_slice %get3A_155 {offsets = [7], sizes = [1], strides = [1]} : vector<16xi32> to vector<1xi32>
      %squeeze3A_445 = vector.extract %slice3A_444[0] : i32 from vector<1xi32>
      %slice3A_446 = vector.extract_strided_slice %get3A_158 {offsets = [7], sizes = [1], strides = [1]} : vector<16xi32> to vector<1xi32>
      %squeeze3A_447 = vector.extract %slice3A_446[0] : i32 from vector<1xi32>
      %mul3A_448 = arith.constant 256 : i32
      %mul3A_449 = arith.muli %scan3A_151, %mul3A_448 : i32
      %add3A_450 = arith.constant 112 : i32
      %add3A_451 = arith.addi %mul3A_449, %add3A_450 : i32
      %multiple_of3A_452 = tpu.assume_multiple %add3A_451, 16 : i32
      %dma_start3A_453 = tpu.memref_slice %arg16[%multiple_of3A_452] : memref<8192xf32, #tpu.memory_space<vmem>> -> memref<16xf32, #tpu.memory_space<vmem>>
      %dma_start3A_454 = arith.constant 0 : i32
      %dma_start3A_455 = tpu.memref_slice %arg4[%squeeze3A_445, %dma_start3A_454] : memref<1000000x32xf32, #tpu.memory_space<hbm>> -> memref<1x16xf32, #tpu.memory_space<hbm>>
      %dma_start3A_456 = tpu.memref_squeeze %dma_start3A_455 : memref<1x16xf32, #tpu.memory_space<hbm>> -> memref<16xf32, #tpu.memory_space<hbm>>
      %dma_start3A_457 = tpu.memref_slice %arg16[%multiple_of3A_452] : memref<8192xf32, #tpu.memory_space<vmem>> -> memref<16xf32, #tpu.memory_space<vmem>>
      %dma_start3A_458 = arith.constant 0 : i32
      %dma_start3A_459 = tpu.memref_slice %arg4[%squeeze3A_445, %dma_start3A_458] : memref<1000000x32xf32, #tpu.memory_space<hbm>> -> memref<1x16xf32, #tpu.memory_space<hbm>>
      %dma_start3A_460 = tpu.memref_squeeze %dma_start3A_459 : memref<1x16xf32, #tpu.memory_space<hbm>> -> memref<16xf32, #tpu.memory_space<hbm>>
      tpu.enqueue_dma source(%dma_start3A_460 : memref<16xf32, #tpu.memory_space<hbm>>) target(%dma_start3A_457 : memref<16xf32, #tpu.memory_space<vmem>>) target_semaphore(%arg23 : memref<!tpu.dma_semaphore, #tpu.memory_space<semaphore_mem>>)
      %dma_start3A_461 = tpu.memref_slice %arg17[%multiple_of3A_452] : memref<8192xf32, #tpu.memory_space<vmem>> -> memref<16xf32, #tpu.memory_space<vmem>>
      %dma_start3A_462 = arith.constant 16 : i32
      %dma_start3A_463 = tpu.memref_slice %arg4[%squeeze3A_445, %dma_start3A_462] : memref<1000000x32xf32, #tpu.memory_space<hbm>> -> memref<1x16xf32, #tpu.memory_space<hbm>>
      %dma_start3A_464 = tpu.memref_squeeze %dma_start3A_463 : memref<1x16xf32, #tpu.memory_space<hbm>> -> memref<16xf32, #tpu.memory_space<hbm>>
      %dma_start3A_465 = tpu.memref_slice %arg17[%multiple_of3A_452] : memref<8192xf32, #tpu.memory_space<vmem>> -> memref<16xf32, #tpu.memory_space<vmem>>
      %dma_start3A_466 = arith.constant 16 : i32
      %dma_start3A_467 = tpu.memref_slice %arg4[%squeeze3A_445, %dma_start3A_466] : memref<1000000x32xf32, #tpu.memory_space<hbm>> -> memref<1x16xf32, #tpu.memory_space<hbm>>
      %dma_start3A_468 = tpu.memref_squeeze %dma_start3A_467 : memref<1x16xf32, #tpu.memory_space<hbm>> -> memref<16xf32, #tpu.memory_space<hbm>>
      tpu.enqueue_dma source(%dma_start3A_468 : memref<16xf32, #tpu.memory_space<hbm>>) target(%dma_start3A_465 : memref<16xf32, #tpu.memory_space<vmem>>) target_semaphore(%arg23 : memref<!tpu.dma_semaphore, #tpu.memory_space<semaphore_mem>>)
      %dma_start3A_469 = tpu.memref_slice %arg18[%multiple_of3A_452] : memref<8192xf32, #tpu.memory_space<vmem>> -> memref<16xf32, #tpu.memory_space<vmem>>
      %dma_start3A_470 = arith.constant 0 : i32
      %dma_start3A_471 = tpu.memref_slice %arg5[%squeeze3A_447, %dma_start3A_470] : memref<1000000x32xf32, #tpu.memory_space<hbm>> -> memref<1x16xf32, #tpu.memory_space<hbm>>
      %dma_start3A_472 = tpu.memref_squeeze %dma_start3A_471 : memref<1x16xf32, #tpu.memory_space<hbm>> -> memref<16xf32, #tpu.memory_space<hbm>>
      %dma_start3A_473 = tpu.memref_slice %arg18[%multiple_of3A_452] : memref<8192xf32, #tpu.memory_space<vmem>> -> memref<16xf32, #tpu.memory_space<vmem>>
      %dma_start3A_474 = arith.constant 0 : i32
      %dma_start3A_475 = tpu.memref_slice %arg5[%squeeze3A_447, %dma_start3A_474] : memref<1000000x32xf32, #tpu.memory_space<hbm>> -> memref<1x16xf32, #tpu.memory_space<hbm>>
      %dma_start3A_476 = tpu.memref_squeeze %dma_start3A_475 : memref<1x16xf32, #tpu.memory_space<hbm>> -> memref<16xf32, #tpu.memory_space<hbm>>
      tpu.enqueue_dma source(%dma_start3A_476 : memref<16xf32, #tpu.memory_space<hbm>>) target(%dma_start3A_473 : memref<16xf32, #tpu.memory_space<vmem>>) target_semaphore(%arg23 : memref<!tpu.dma_semaphore, #tpu.memory_space<semaphore_mem>>)
      %dma_start3A_477 = tpu.memref_slice %arg19[%multiple_of3A_452] : memref<8192xf32, #tpu.memory_space<vmem>> -> memref<16xf32, #tpu.memory_space<vmem>>
      %dma_start3A_478 = arith.constant 16 : i32
      %dma_start3A_479 = tpu.memref_slice %arg5[%squeeze3A_447, %dma_start3A_478] : memref<1000000x32xf32, #tpu.memory_space<hbm>> -> memref<1x16xf32, #tpu.memory_space<hbm>>
      %dma_start3A_480 = tpu.memref_squeeze %dma_start3A_479 : memref<1x16xf32, #tpu.memory_space<hbm>> -> memref<16xf32, #tpu.memory_space<hbm>>
      %dma_start3A_481 = tpu.memref_slice %arg19[%multiple_of3A_452] : memref<8192xf32, #tpu.memory_space<vmem>> -> memref<16xf32, #tpu.memory_space<vmem>>
      %dma_start3A_482 = arith.constant 16 : i32
      %dma_start3A_483 = tpu.memref_slice %arg5[%squeeze3A_447, %dma_start3A_482] : memref<1000000x32xf32, #tpu.memory_space<hbm>> -> memref<1x16xf32, #tpu.memory_space<hbm>>
      %dma_start3A_484 = tpu.memref_squeeze %dma_start3A_483 : memref<1x16xf32, #tpu.memory_space<hbm>> -> memref<16xf32, #tpu.memory_space<hbm>>
      tpu.enqueue_dma source(%dma_start3A_484 : memref<16xf32, #tpu.memory_space<hbm>>) target(%dma_start3A_481 : memref<16xf32, #tpu.memory_space<vmem>>) target_semaphore(%arg23 : memref<!tpu.dma_semaphore, #tpu.memory_space<semaphore_mem>>)
      %slice3A_485 = vector.extract_strided_slice %get3A_155 {offsets = [8], sizes = [1], strides = [1]} : vector<16xi32> to vector<1xi32>
      %squeeze3A_486 = vector.extract %slice3A_485[0] : i32 from vector<1xi32>
      %slice3A_487 = vector.extract_strided_slice %get3A_158 {offsets = [8], sizes = [1], strides = [1]} : vector<16xi32> to vector<1xi32>
      %squeeze3A_488 = vector.extract %slice3A_487[0] : i32 from vector<1xi32>
      %mul3A_489 = arith.constant 256 : i32
      %mul3A_490 = arith.muli %scan3A_151, %mul3A_489 : i32
      %add3A_491 = arith.constant 128 : i32
      %add3A_492 = arith.addi %mul3A_490, %add3A_491 : i32
      %multiple_of3A_493 = tpu.assume_multiple %add3A_492, 16 : i32
      %dma_start3A_494 = tpu.memref_slice %arg16[%multiple_of3A_493] : memref<8192xf32, #tpu.memory_space<vmem>> -> memref<16xf32, #tpu.memory_space<vmem>>
      %dma_start3A_495 = arith.constant 0 : i32
      %dma_start3A_496 = tpu.memref_slice %arg4[%squeeze3A_486, %dma_start3A_495] : memref<1000000x32xf32, #tpu.memory_space<hbm>> -> memref<1x16xf32, #tpu.memory_space<hbm>>
      %dma_start3A_497 = tpu.memref_squeeze %dma_start3A_496 : memref<1x16xf32, #tpu.memory_space<hbm>> -> memref<16xf32, #tpu.memory_space<hbm>>
      %dma_start3A_498 = tpu.memref_slice %arg16[%multiple_of3A_493] : memref<8192xf32, #tpu.memory_space<vmem>> -> memref<16xf32, #tpu.memory_space<vmem>>
      %dma_start3A_499 = arith.constant 0 : i32
      %dma_start3A_500 = tpu.memref_slice %arg4[%squeeze3A_486, %dma_start3A_499] : memref<1000000x32xf32, #tpu.memory_space<hbm>> -> memref<1x16xf32, #tpu.memory_space<hbm>>
      %dma_start3A_501 = tpu.memref_squeeze %dma_start3A_500 : memref<1x16xf32, #tpu.memory_space<hbm>> -> memref<16xf32, #tpu.memory_space<hbm>>
      tpu.enqueue_dma source(%dma_start3A_501 : memref<16xf32, #tpu.memory_space<hbm>>) target(%dma_start3A_498 : memref<16xf32, #tpu.memory_space<vmem>>) target_semaphore(%arg23 : memref<!tpu.dma_semaphore, #tpu.memory_space<semaphore_mem>>)
      %dma_start3A_502 = tpu.memref_slice %arg17[%multiple_of3A_493] : memref<8192xf32, #tpu.memory_space<vmem>> -> memref<16xf32, #tpu.memory_space<vmem>>
      %dma_start3A_503 = arith.constant 16 : i32
      %dma_start3A_504 = tpu.memref_slice %arg4[%squeeze3A_486, %dma_start3A_503] : memref<1000000x32xf32, #tpu.memory_space<hbm>> -> memref<1x16xf32, #tpu.memory_space<hbm>>
      %dma_start3A_505 = tpu.memref_squeeze %dma_start3A_504 : memref<1x16xf32, #tpu.memory_space<hbm>> -> memref<16xf32, #tpu.memory_space<hbm>>
      %dma_start3A_506 = tpu.memref_slice %arg17[%multiple_of3A_493] : memref<8192xf32, #tpu.memory_space<vmem>> -> memref<16xf32, #tpu.memory_space<vmem>>
      %dma_start3A_507 = arith.constant 16 : i32
      %dma_start3A_508 = tpu.memref_slice %arg4[%squeeze3A_486, %dma_start3A_507] : memref<1000000x32xf32, #tpu.memory_space<hbm>> -> memref<1x16xf32, #tpu.memory_space<hbm>>
      %dma_start3A_509 = tpu.memref_squeeze %dma_start3A_508 : memref<1x16xf32, #tpu.memory_space<hbm>> -> memref<16xf32, #tpu.memory_space<hbm>>
      tpu.enqueue_dma source(%dma_start3A_509 : memref<16xf32, #tpu.memory_space<hbm>>) target(%dma_start3A_506 : memref<16xf32, #tpu.memory_space<vmem>>) target_semaphore(%arg23 : memref<!tpu.dma_semaphore, #tpu.memory_space<semaphore_mem>>)
      %dma_start3A_510 = tpu.memref_slice %arg18[%multiple_of3A_493] : memref<8192xf32, #tpu.memory_space<vmem>> -> memref<16xf32, #tpu.memory_space<vmem>>
      %dma_start3A_511 = arith.constant 0 : i32
      %dma_start3A_512 = tpu.memref_slice %arg5[%squeeze3A_488, %dma_start3A_511] : memref<1000000x32xf32, #tpu.memory_space<hbm>> -> memref<1x16xf32, #tpu.memory_space<hbm>>
      %dma_start3A_513 = tpu.memref_squeeze %dma_start3A_512 : memref<1x16xf32, #tpu.memory_space<hbm>> -> memref<16xf32, #tpu.memory_space<hbm>>
      %dma_start3A_514 = tpu.memref_slice %arg18[%multiple_of3A_493] : memref<8192xf32, #tpu.memory_space<vmem>> -> memref<16xf32, #tpu.memory_space<vmem>>
      %dma_start3A_515 = arith.constant 0 : i32
      %dma_start3A_516 = tpu.memref_slice %arg5[%squeeze3A_488, %dma_start3A_515] : memref<1000000x32xf32, #tpu.memory_space<hbm>> -> memref<1x16xf32, #tpu.memory_space<hbm>>
      %dma_start3A_517 = tpu.memref_squeeze %dma_start3A_516 : memref<1x16xf32, #tpu.memory_space<hbm>> -> memref<16xf32, #tpu.memory_space<hbm>>
      tpu.enqueue_dma source(%dma_start3A_517 : memref<16xf32, #tpu.memory_space<hbm>>) target(%dma_start3A_514 : memref<16xf32, #tpu.memory_space<vmem>>) target_semaphore(%arg23 : memref<!tpu.dma_semaphore, #tpu.memory_space<semaphore_mem>>)
      %dma_start3A_518 = tpu.memref_slice %arg19[%multiple_of3A_493] : memref<8192xf32, #tpu.memory_space<vmem>> -> memref<16xf32, #tpu.memory_space<vmem>>
      %dma_start3A_519 = arith.constant 16 : i32
      %dma_start3A_520 = tpu.memref_slice %arg5[%squeeze3A_488, %dma_start3A_519] : memref<1000000x32xf32, #tpu.memory_space<hbm>> -> memref<1x16xf32, #tpu.memory_space<hbm>>
      %dma_start3A_521 = tpu.memref_squeeze %dma_start3A_520 : memref<1x16xf32, #tpu.memory_space<hbm>> -> memref<16xf32, #tpu.memory_space<hbm>>
      %dma_start3A_522 = tpu.memref_slice %arg19[%multiple_of3A_493] : memref<8192xf32, #tpu.memory_space<vmem>> -> memref<16xf32, #tpu.memory_space<vmem>>
      %dma_start3A_523 = arith.constant 16 : i32
      %dma_start3A_524 = tpu.memref_slice %arg5[%squeeze3A_488, %dma_start3A_523] : memref<1000000x32xf32, #tpu.memory_space<hbm>> -> memref<1x16xf32, #tpu.memory_space<hbm>>
      %dma_start3A_525 = tpu.memref_squeeze %dma_start3A_524 : memref<1x16xf32, #tpu.memory_space<hbm>> -> memref<16xf32, #tpu.memory_space<hbm>>
      tpu.enqueue_dma source(%dma_start3A_525 : memref<16xf32, #tpu.memory_space<hbm>>) target(%dma_start3A_522 : memref<16xf32, #tpu.memory_space<vmem>>) target_semaphore(%arg23 : memref<!tpu.dma_semaphore, #tpu.memory_space<semaphore_mem>>)
      %slice3A_526 = vector.extract_strided_slice %get3A_155 {offsets = [9], sizes = [1], strides = [1]} : vector<16xi32> to vector<1xi32>
      %squeeze3A_527 = vector.extract %slice3A_526[0] : i32 from vector<1xi32>
      %slice3A_528 = vector.extract_strided_slice %get3A_158 {offsets = [9], sizes = [1], strides = [1]} : vector<16xi32> to vector<1xi32>
      %squeeze3A_529 = vector.extract %slice3A_528[0] : i32 from vector<1xi32>
      %mul3A_530 = arith.constant 256 : i32
      %mul3A_531 = arith.muli %scan3A_151, %mul3A_530 : i32
      %add3A_532 = arith.constant 144 : i32
      %add3A_533 = arith.addi %mul3A_531, %add3A_532 : i32
      %multiple_of3A_534 = tpu.assume_multiple %add3A_533, 16 : i32
      %dma_start3A_535 = tpu.memref_slice %arg16[%multiple_of3A_534] : memref<8192xf32, #tpu.memory_space<vmem>> -> memref<16xf32, #tpu.memory_space<vmem>>
      %dma_start3A_536 = arith.constant 0 : i32
      %dma_start3A_537 = tpu.memref_slice %arg4[%squeeze3A_527, %dma_start3A_536] : memref<1000000x32xf32, #tpu.memory_space<hbm>> -> memref<1x16xf32, #tpu.memory_space<hbm>>
      %dma_start3A_538 = tpu.memref_squeeze %dma_start3A_537 : memref<1x16xf32, #tpu.memory_space<hbm>> -> memref<16xf32, #tpu.memory_space<hbm>>
      %dma_start3A_539 = tpu.memref_slice %arg16[%multiple_of3A_534] : memref<8192xf32, #tpu.memory_space<vmem>> -> memref<16xf32, #tpu.memory_space<vmem>>
      %dma_start3A_540 = arith.constant 0 : i32
      %dma_start3A_541 = tpu.memref_slice %arg4[%squeeze3A_527, %dma_start3A_540] : memref<1000000x32xf32, #tpu.memory_space<hbm>> -> memref<1x16xf32, #tpu.memory_space<hbm>>
      %dma_start3A_542 = tpu.memref_squeeze %dma_start3A_541 : memref<1x16xf32, #tpu.memory_space<hbm>> -> memref<16xf32, #tpu.memory_space<hbm>>
      tpu.enqueue_dma source(%dma_start3A_542 : memref<16xf32, #tpu.memory_space<hbm>>) target(%dma_start3A_539 : memref<16xf32, #tpu.memory_space<vmem>>) target_semaphore(%arg23 : memref<!tpu.dma_semaphore, #tpu.memory_space<semaphore_mem>>)
      %dma_start3A_543 = tpu.memref_slice %arg17[%multiple_of3A_534] : memref<8192xf32, #tpu.memory_space<vmem>> -> memref<16xf32, #tpu.memory_space<vmem>>
      %dma_start3A_544 = arith.constant 16 : i32
      %dma_start3A_545 = tpu.memref_slice %arg4[%squeeze3A_527, %dma_start3A_544] : memref<1000000x32xf32, #tpu.memory_space<hbm>> -> memref<1x16xf32, #tpu.memory_space<hbm>>
      %dma_start3A_546 = tpu.memref_squeeze %dma_start3A_545 : memref<1x16xf32, #tpu.memory_space<hbm>> -> memref<16xf32, #tpu.memory_space<hbm>>
      %dma_start3A_547 = tpu.memref_slice %arg17[%multiple_of3A_534] : memref<8192xf32, #tpu.memory_space<vmem>> -> memref<16xf32, #tpu.memory_space<vmem>>
      %dma_start3A_548 = arith.constant 16 : i32
      %dma_start3A_549 = tpu.memref_slice %arg4[%squeeze3A_527, %dma_start3A_548] : memref<1000000x32xf32, #tpu.memory_space<hbm>> -> memref<1x16xf32, #tpu.memory_space<hbm>>
      %dma_start3A_550 = tpu.memref_squeeze %dma_start3A_549 : memref<1x16xf32, #tpu.memory_space<hbm>> -> memref<16xf32, #tpu.memory_space<hbm>>
      tpu.enqueue_dma source(%dma_start3A_550 : memref<16xf32, #tpu.memory_space<hbm>>) target(%dma_start3A_547 : memref<16xf32, #tpu.memory_space<vmem>>) target_semaphore(%arg23 : memref<!tpu.dma_semaphore, #tpu.memory_space<semaphore_mem>>)
      %dma_start3A_551 = tpu.memref_slice %arg18[%multiple_of3A_534] : memref<8192xf32, #tpu.memory_space<vmem>> -> memref<16xf32, #tpu.memory_space<vmem>>
      %dma_start3A_552 = arith.constant 0 : i32
      %dma_start3A_553 = tpu.memref_slice %arg5[%squeeze3A_529, %dma_start3A_552] : memref<1000000x32xf32, #tpu.memory_space<hbm>> -> memref<1x16xf32, #tpu.memory_space<hbm>>
      %dma_start3A_554 = tpu.memref_squeeze %dma_start3A_553 : memref<1x16xf32, #tpu.memory_space<hbm>> -> memref<16xf32, #tpu.memory_space<hbm>>
      %dma_start3A_555 = tpu.memref_slice %arg18[%multiple_of3A_534] : memref<8192xf32, #tpu.memory_space<vmem>> -> memref<16xf32, #tpu.memory_space<vmem>>
      %dma_start3A_556 = arith.constant 0 : i32
      %dma_start3A_557 = tpu.memref_slice %arg5[%squeeze3A_529, %dma_start3A_556] : memref<1000000x32xf32, #tpu.memory_space<hbm>> -> memref<1x16xf32, #tpu.memory_space<hbm>>
      %dma_start3A_558 = tpu.memref_squeeze %dma_start3A_557 : memref<1x16xf32, #tpu.memory_space<hbm>> -> memref<16xf32, #tpu.memory_space<hbm>>
      tpu.enqueue_dma source(%dma_start3A_558 : memref<16xf32, #tpu.memory_space<hbm>>) target(%dma_start3A_555 : memref<16xf32, #tpu.memory_space<vmem>>) target_semaphore(%arg23 : memref<!tpu.dma_semaphore, #tpu.memory_space<semaphore_mem>>)
      %dma_start3A_559 = tpu.memref_slice %arg19[%multiple_of3A_534] : memref<8192xf32, #tpu.memory_space<vmem>> -> memref<16xf32, #tpu.memory_space<vmem>>
      %dma_start3A_560 = arith.constant 16 : i32
      %dma_start3A_561 = tpu.memref_slice %arg5[%squeeze3A_529, %dma_start3A_560] : memref<1000000x32xf32, #tpu.memory_space<hbm>> -> memref<1x16xf32, #tpu.memory_space<hbm>>
      %dma_start3A_562 = tpu.memref_squeeze %dma_start3A_561 : memref<1x16xf32, #tpu.memory_space<hbm>> -> memref<16xf32, #tpu.memory_space<hbm>>
      %dma_start3A_563 = tpu.memref_slice %arg19[%multiple_of3A_534] : memref<8192xf32, #tpu.memory_space<vmem>> -> memref<16xf32, #tpu.memory_space<vmem>>
      %dma_start3A_564 = arith.constant 16 : i32
      %dma_start3A_565 = tpu.memref_slice %arg5[%squeeze3A_529, %dma_start3A_564] : memref<1000000x32xf32, #tpu.memory_space<hbm>> -> memref<1x16xf32, #tpu.memory_space<hbm>>
      %dma_start3A_566 = tpu.memref_squeeze %dma_start3A_565 : memref<1x16xf32, #tpu.memory_space<hbm>> -> memref<16xf32, #tpu.memory_space<hbm>>
      tpu.enqueue_dma source(%dma_start3A_566 : memref<16xf32, #tpu.memory_space<hbm>>) target(%dma_start3A_563 : memref<16xf32, #tpu.memory_space<vmem>>) target_semaphore(%arg23 : memref<!tpu.dma_semaphore, #tpu.memory_space<semaphore_mem>>)
      %slice3A_567 = vector.extract_strided_slice %get3A_155 {offsets = [10], sizes = [1], strides = [1]} : vector<16xi32> to vector<1xi32>
      %squeeze3A_568 = vector.extract %slice3A_567[0] : i32 from vector<1xi32>
      %slice3A_569 = vector.extract_strided_slice %get3A_158 {offsets = [10], sizes = [1], strides = [1]} : vector<16xi32> to vector<1xi32>
      %squeeze3A_570 = vector.extract %slice3A_569[0] : i32 from vector<1xi32>
      %mul3A_571 = arith.constant 256 : i32
      %mul3A_572 = arith.muli %scan3A_151, %mul3A_571 : i32
      %add3A_573 = arith.constant 160 : i32
      %add3A_574 = arith.addi %mul3A_572, %add3A_573 : i32
      %multiple_of3A_575 = tpu.assume_multiple %add3A_574, 16 : i32
      %dma_start3A_576 = tpu.memref_slice %arg16[%multiple_of3A_575] : memref<8192xf32, #tpu.memory_space<vmem>> -> memref<16xf32, #tpu.memory_space<vmem>>
      %dma_start3A_577 = arith.constant 0 : i32
      %dma_start3A_578 = tpu.memref_slice %arg4[%squeeze3A_568, %dma_start3A_577] : memref<1000000x32xf32, #tpu.memory_space<hbm>> -> memref<1x16xf32, #tpu.memory_space<hbm>>
      %dma_start3A_579 = tpu.memref_squeeze %dma_start3A_578 : memref<1x16xf32, #tpu.memory_space<hbm>> -> memref<16xf32, #tpu.memory_space<hbm>>
      %dma_start3A_580 = tpu.memref_slice %arg16[%multiple_of3A_575] : memref<8192xf32, #tpu.memory_space<vmem>> -> memref<16xf32, #tpu.memory_space<vmem>>
      %dma_start3A_581 = arith.constant 0 : i32
      %dma_start3A_582 = tpu.memref_slice %arg4[%squeeze3A_568, %dma_start3A_581] : memref<1000000x32xf32, #tpu.memory_space<hbm>> -> memref<1x16xf32, #tpu.memory_space<hbm>>
      %dma_start3A_583 = tpu.memref_squeeze %dma_start3A_582 : memref<1x16xf32, #tpu.memory_space<hbm>> -> memref<16xf32, #tpu.memory_space<hbm>>
      tpu.enqueue_dma source(%dma_start3A_583 : memref<16xf32, #tpu.memory_space<hbm>>) target(%dma_start3A_580 : memref<16xf32, #tpu.memory_space<vmem>>) target_semaphore(%arg23 : memref<!tpu.dma_semaphore, #tpu.memory_space<semaphore_mem>>)
      %dma_start3A_584 = tpu.memref_slice %arg17[%multiple_of3A_575] : memref<8192xf32, #tpu.memory_space<vmem>> -> memref<16xf32, #tpu.memory_space<vmem>>
      %dma_start3A_585 = arith.constant 16 : i32
      %dma_start3A_586 = tpu.memref_slice %arg4[%squeeze3A_568, %dma_start3A_585] : memref<1000000x32xf32, #tpu.memory_space<hbm>> -> memref<1x16xf32, #tpu.memory_space<hbm>>
      %dma_start3A_587 = tpu.memref_squeeze %dma_start3A_586 : memref<1x16xf32, #tpu.memory_space<hbm>> -> memref<16xf32, #tpu.memory_space<hbm>>
      %dma_start3A_588 = tpu.memref_slice %arg17[%multiple_of3A_575] : memref<8192xf32, #tpu.memory_space<vmem>> -> memref<16xf32, #tpu.memory_space<vmem>>
      %dma_start3A_589 = arith.constant 16 : i32
      %dma_start3A_590 = tpu.memref_slice %arg4[%squeeze3A_568, %dma_start3A_589] : memref<1000000x32xf32, #tpu.memory_space<hbm>> -> memref<1x16xf32, #tpu.memory_space<hbm>>
      %dma_start3A_591 = tpu.memref_squeeze %dma_start3A_590 : memref<1x16xf32, #tpu.memory_space<hbm>> -> memref<16xf32, #tpu.memory_space<hbm>>
      tpu.enqueue_dma source(%dma_start3A_591 : memref<16xf32, #tpu.memory_space<hbm>>) target(%dma_start3A_588 : memref<16xf32, #tpu.memory_space<vmem>>) target_semaphore(%arg23 : memref<!tpu.dma_semaphore, #tpu.memory_space<semaphore_mem>>)
      %dma_start3A_592 = tpu.memref_slice %arg18[%multiple_of3A_575] : memref<8192xf32, #tpu.memory_space<vmem>> -> memref<16xf32, #tpu.memory_space<vmem>>
      %dma_start3A_593 = arith.constant 0 : i32
      %dma_start3A_594 = tpu.memref_slice %arg5[%squeeze3A_570, %dma_start3A_593] : memref<1000000x32xf32, #tpu.memory_space<hbm>> -> memref<1x16xf32, #tpu.memory_space<hbm>>
      %dma_start3A_595 = tpu.memref_squeeze %dma_start3A_594 : memref<1x16xf32, #tpu.memory_space<hbm>> -> memref<16xf32, #tpu.memory_space<hbm>>
      %dma_start3A_596 = tpu.memref_slice %arg18[%multiple_of3A_575] : memref<8192xf32, #tpu.memory_space<vmem>> -> memref<16xf32, #tpu.memory_space<vmem>>
      %dma_start3A_597 = arith.constant 0 : i32
      %dma_start3A_598 = tpu.memref_slice %arg5[%squeeze3A_570, %dma_start3A_597] : memref<1000000x32xf32, #tpu.memory_space<hbm>> -> memref<1x16xf32, #tpu.memory_space<hbm>>
      %dma_start3A_599 = tpu.memref_squeeze %dma_start3A_598 : memref<1x16xf32, #tpu.memory_space<hbm>> -> memref<16xf32, #tpu.memory_space<hbm>>
      tpu.enqueue_dma source(%dma_start3A_599 : memref<16xf32, #tpu.memory_space<hbm>>) target(%dma_start3A_596 : memref<16xf32, #tpu.memory_space<vmem>>) target_semaphore(%arg23 : memref<!tpu.dma_semaphore, #tpu.memory_space<semaphore_mem>>)
      %dma_start3A_600 = tpu.memref_slice %arg19[%multiple_of3A_575] : memref<8192xf32, #tpu.memory_space<vmem>> -> memref<16xf32, #tpu.memory_space<vmem>>
      %dma_start3A_601 = arith.constant 16 : i32
      %dma_start3A_602 = tpu.memref_slice %arg5[%squeeze3A_570, %dma_start3A_601] : memref<1000000x32xf32, #tpu.memory_space<hbm>> -> memref<1x16xf32, #tpu.memory_space<hbm>>
      %dma_start3A_603 = tpu.memref_squeeze %dma_start3A_602 : memref<1x16xf32, #tpu.memory_space<hbm>> -> memref<16xf32, #tpu.memory_space<hbm>>
      %dma_start3A_604 = tpu.memref_slice %arg19[%multiple_of3A_575] : memref<8192xf32, #tpu.memory_space<vmem>> -> memref<16xf32, #tpu.memory_space<vmem>>
      %dma_start3A_605 = arith.constant 16 : i32
      %dma_start3A_606 = tpu.memref_slice %arg5[%squeeze3A_570, %dma_start3A_605] : memref<1000000x32xf32, #tpu.memory_space<hbm>> -> memref<1x16xf32, #tpu.memory_space<hbm>>
      %dma_start3A_607 = tpu.memref_squeeze %dma_start3A_606 : memref<1x16xf32, #tpu.memory_space<hbm>> -> memref<16xf32, #tpu.memory_space<hbm>>
      tpu.enqueue_dma source(%dma_start3A_607 : memref<16xf32, #tpu.memory_space<hbm>>) target(%dma_start3A_604 : memref<16xf32, #tpu.memory_space<vmem>>) target_semaphore(%arg23 : memref<!tpu.dma_semaphore, #tpu.memory_space<semaphore_mem>>)
      %slice3A_608 = vector.extract_strided_slice %get3A_155 {offsets = [11], sizes = [1], strides = [1]} : vector<16xi32> to vector<1xi32>
      %squeeze3A_609 = vector.extract %slice3A_608[0] : i32 from vector<1xi32>
      %slice3A_610 = vector.extract_strided_slice %get3A_158 {offsets = [11], sizes = [1], strides = [1]} : vector<16xi32> to vector<1xi32>
      %squeeze3A_611 = vector.extract %slice3A_610[0] : i32 from vector<1xi32>
      %mul3A_612 = arith.constant 256 : i32
      %mul3A_613 = arith.muli %scan3A_151, %mul3A_612 : i32
      %add3A_614 = arith.constant 176 : i32
      %add3A_615 = arith.addi %mul3A_613, %add3A_614 : i32
      %multiple_of3A_616 = tpu.assume_multiple %add3A_615, 16 : i32
      %dma_start3A_617 = tpu.memref_slice %arg16[%multiple_of3A_616] : memref<8192xf32, #tpu.memory_space<vmem>> -> memref<16xf32, #tpu.memory_space<vmem>>
      %dma_start3A_618 = arith.constant 0 : i32
      %dma_start3A_619 = tpu.memref_slice %arg4[%squeeze3A_609, %dma_start3A_618] : memref<1000000x32xf32, #tpu.memory_space<hbm>> -> memref<1x16xf32, #tpu.memory_space<hbm>>
      %dma_start3A_620 = tpu.memref_squeeze %dma_start3A_619 : memref<1x16xf32, #tpu.memory_space<hbm>> -> memref<16xf32, #tpu.memory_space<hbm>>
      %dma_start3A_621 = tpu.memref_slice %arg16[%multiple_of3A_616] : memref<8192xf32, #tpu.memory_space<vmem>> -> memref<16xf32, #tpu.memory_space<vmem>>
      %dma_start3A_622 = arith.constant 0 : i32
      %dma_start3A_623 = tpu.memref_slice %arg4[%squeeze3A_609, %dma_start3A_622] : memref<1000000x32xf32, #tpu.memory_space<hbm>> -> memref<1x16xf32, #tpu.memory_space<hbm>>
      %dma_start3A_624 = tpu.memref_squeeze %dma_start3A_623 : memref<1x16xf32, #tpu.memory_space<hbm>> -> memref<16xf32, #tpu.memory_space<hbm>>
      tpu.enqueue_dma source(%dma_start3A_624 : memref<16xf32, #tpu.memory_space<hbm>>) target(%dma_start3A_621 : memref<16xf32, #tpu.memory_space<vmem>>) target_semaphore(%arg23 : memref<!tpu.dma_semaphore, #tpu.memory_space<semaphore_mem>>)
      %dma_start3A_625 = tpu.memref_slice %arg17[%multiple_of3A_616] : memref<8192xf32, #tpu.memory_space<vmem>> -> memref<16xf32, #tpu.memory_space<vmem>>
      %dma_start3A_626 = arith.constant 16 : i32
      %dma_start3A_627 = tpu.memref_slice %arg4[%squeeze3A_609, %dma_start3A_626] : memref<1000000x32xf32, #tpu.memory_space<hbm>> -> memref<1x16xf32, #tpu.memory_space<hbm>>
      %dma_start3A_628 = tpu.memref_squeeze %dma_start3A_627 : memref<1x16xf32, #tpu.memory_space<hbm>> -> memref<16xf32, #tpu.memory_space<hbm>>
      %dma_start3A_629 = tpu.memref_slice %arg17[%multiple_of3A_616] : memref<8192xf32, #tpu.memory_space<vmem>> -> memref<16xf32, #tpu.memory_space<vmem>>
      %dma_start3A_630 = arith.constant 16 : i32
      %dma_start3A_631 = tpu.memref_slice %arg4[%squeeze3A_609, %dma_start3A_630] : memref<1000000x32xf32, #tpu.memory_space<hbm>> -> memref<1x16xf32, #tpu.memory_space<hbm>>
      %dma_start3A_632 = tpu.memref_squeeze %dma_start3A_631 : memref<1x16xf32, #tpu.memory_space<hbm>> -> memref<16xf32, #tpu.memory_space<hbm>>
      tpu.enqueue_dma source(%dma_start3A_632 : memref<16xf32, #tpu.memory_space<hbm>>) target(%dma_start3A_629 : memref<16xf32, #tpu.memory_space<vmem>>) target_semaphore(%arg23 : memref<!tpu.dma_semaphore, #tpu.memory_space<semaphore_mem>>)
      %dma_start3A_633 = tpu.memref_slice %arg18[%multiple_of3A_616] : memref<8192xf32, #tpu.memory_space<vmem>> -> memref<16xf32, #tpu.memory_space<vmem>>
      %dma_start3A_634 = arith.constant 0 : i32
      %dma_start3A_635 = tpu.memref_slice %arg5[%squeeze3A_611, %dma_start3A_634] : memref<1000000x32xf32, #tpu.memory_space<hbm>> -> memref<1x16xf32, #tpu.memory_space<hbm>>
      %dma_start3A_636 = tpu.memref_squeeze %dma_start3A_635 : memref<1x16xf32, #tpu.memory_space<hbm>> -> memref<16xf32, #tpu.memory_space<hbm>>
      %dma_start3A_637 = tpu.memref_slice %arg18[%multiple_of3A_616] : memref<8192xf32, #tpu.memory_space<vmem>> -> memref<16xf32, #tpu.memory_space<vmem>>
      %dma_start3A_638 = arith.constant 0 : i32
      %dma_start3A_639 = tpu.memref_slice %arg5[%squeeze3A_611, %dma_start3A_638] : memref<1000000x32xf32, #tpu.memory_space<hbm>> -> memref<1x16xf32, #tpu.memory_space<hbm>>
      %dma_start3A_640 = tpu.memref_squeeze %dma_start3A_639 : memref<1x16xf32, #tpu.memory_space<hbm>> -> memref<16xf32, #tpu.memory_space<hbm>>
      tpu.enqueue_dma source(%dma_start3A_640 : memref<16xf32, #tpu.memory_space<hbm>>) target(%dma_start3A_637 : memref<16xf32, #tpu.memory_space<vmem>>) target_semaphore(%arg23 : memref<!tpu.dma_semaphore, #tpu.memory_space<semaphore_mem>>)
      %dma_start3A_641 = tpu.memref_slice %arg19[%multiple_of3A_616] : memref<8192xf32, #tpu.memory_space<vmem>> -> memref<16xf32, #tpu.memory_space<vmem>>
      %dma_start3A_642 = arith.constant 16 : i32
      %dma_start3A_643 = tpu.memref_slice %arg5[%squeeze3A_611, %dma_start3A_642] : memref<1000000x32xf32, #tpu.memory_space<hbm>> -> memref<1x16xf32, #tpu.memory_space<hbm>>
      %dma_start3A_644 = tpu.memref_squeeze %dma_start3A_643 : memref<1x16xf32, #tpu.memory_space<hbm>> -> memref<16xf32, #tpu.memory_space<hbm>>
      %dma_start3A_645 = tpu.memref_slice %arg19[%multiple_of3A_616] : memref<8192xf32, #tpu.memory_space<vmem>> -> memref<16xf32, #tpu.memory_space<vmem>>
      %dma_start3A_646 = arith.constant 16 : i32
      %dma_start3A_647 = tpu.memref_slice %arg5[%squeeze3A_611, %dma_start3A_646] : memref<1000000x32xf32, #tpu.memory_space<hbm>> -> memref<1x16xf32, #tpu.memory_space<hbm>>
      %dma_start3A_648 = tpu.memref_squeeze %dma_start3A_647 : memref<1x16xf32, #tpu.memory_space<hbm>> -> memref<16xf32, #tpu.memory_space<hbm>>
      tpu.enqueue_dma source(%dma_start3A_648 : memref<16xf32, #tpu.memory_space<hbm>>) target(%dma_start3A_645 : memref<16xf32, #tpu.memory_space<vmem>>) target_semaphore(%arg23 : memref<!tpu.dma_semaphore, #tpu.memory_space<semaphore_mem>>)
      %slice3A_649 = vector.extract_strided_slice %get3A_155 {offsets = [12], sizes = [1], strides = [1]} : vector<16xi32> to vector<1xi32>
      %squeeze3A_650 = vector.extract %slice3A_649[0] : i32 from vector<1xi32>
      %slice3A_651 = vector.extract_strided_slice %get3A_158 {offsets = [12], sizes = [1], strides = [1]} : vector<16xi32> to vector<1xi32>
      %squeeze3A_652 = vector.extract %slice3A_651[0] : i32 from vector<1xi32>
      %mul3A_653 = arith.constant 256 : i32
      %mul3A_654 = arith.muli %scan3A_151, %mul3A_653 : i32
      %add3A_655 = arith.constant 192 : i32
      %add3A_656 = arith.addi %mul3A_654, %add3A_655 : i32
      %multiple_of3A_657 = tpu.assume_multiple %add3A_656, 16 : i32
      %dma_start3A_658 = tpu.memref_slice %arg16[%multiple_of3A_657] : memref<8192xf32, #tpu.memory_space<vmem>> -> memref<16xf32, #tpu.memory_space<vmem>>
      %dma_start3A_659 = arith.constant 0 : i32
      %dma_start3A_660 = tpu.memref_slice %arg4[%squeeze3A_650, %dma_start3A_659] : memref<1000000x32xf32, #tpu.memory_space<hbm>> -> memref<1x16xf32, #tpu.memory_space<hbm>>
      %dma_start3A_661 = tpu.memref_squeeze %dma_start3A_660 : memref<1x16xf32, #tpu.memory_space<hbm>> -> memref<16xf32, #tpu.memory_space<hbm>>
      %dma_start3A_662 = tpu.memref_slice %arg16[%multiple_of3A_657] : memref<8192xf32, #tpu.memory_space<vmem>> -> memref<16xf32, #tpu.memory_space<vmem>>
      %dma_start3A_663 = arith.constant 0 : i32
      %dma_start3A_664 = tpu.memref_slice %arg4[%squeeze3A_650, %dma_start3A_663] : memref<1000000x32xf32, #tpu.memory_space<hbm>> -> memref<1x16xf32, #tpu.memory_space<hbm>>
      %dma_start3A_665 = tpu.memref_squeeze %dma_start3A_664 : memref<1x16xf32, #tpu.memory_space<hbm>> -> memref<16xf32, #tpu.memory_space<hbm>>
      tpu.enqueue_dma source(%dma_start3A_665 : memref<16xf32, #tpu.memory_space<hbm>>) target(%dma_start3A_662 : memref<16xf32, #tpu.memory_space<vmem>>) target_semaphore(%arg23 : memref<!tpu.dma_semaphore, #tpu.memory_space<semaphore_mem>>)
      %dma_start3A_666 = tpu.memref_slice %arg17[%multiple_of3A_657] : memref<8192xf32, #tpu.memory_space<vmem>> -> memref<16xf32, #tpu.memory_space<vmem>>
      %dma_start3A_667 = arith.constant 16 : i32
      %dma_start3A_668 = tpu.memref_slice %arg4[%squeeze3A_650, %dma_start3A_667] : memref<1000000x32xf32, #tpu.memory_space<hbm>> -> memref<1x16xf32, #tpu.memory_space<hbm>>
      %dma_start3A_669 = tpu.memref_squeeze %dma_start3A_668 : memref<1x16xf32, #tpu.memory_space<hbm>> -> memref<16xf32, #tpu.memory_space<hbm>>
      %dma_start3A_670 = tpu.memref_slice %arg17[%multiple_of3A_657] : memref<8192xf32, #tpu.memory_space<vmem>> -> memref<16xf32, #tpu.memory_space<vmem>>
      %dma_start3A_671 = arith.constant 16 : i32
      %dma_start3A_672 = tpu.memref_slice %arg4[%squeeze3A_650, %dma_start3A_671] : memref<1000000x32xf32, #tpu.memory_space<hbm>> -> memref<1x16xf32, #tpu.memory_space<hbm>>
      %dma_start3A_673 = tpu.memref_squeeze %dma_start3A_672 : memref<1x16xf32, #tpu.memory_space<hbm>> -> memref<16xf32, #tpu.memory_space<hbm>>
      tpu.enqueue_dma source(%dma_start3A_673 : memref<16xf32, #tpu.memory_space<hbm>>) target(%dma_start3A_670 : memref<16xf32, #tpu.memory_space<vmem>>) target_semaphore(%arg23 : memref<!tpu.dma_semaphore, #tpu.memory_space<semaphore_mem>>)
      %dma_start3A_674 = tpu.memref_slice %arg18[%multiple_of3A_657] : memref<8192xf32, #tpu.memory_space<vmem>> -> memref<16xf32, #tpu.memory_space<vmem>>
      %dma_start3A_675 = arith.constant 0 : i32
      %dma_start3A_676 = tpu.memref_slice %arg5[%squeeze3A_652, %dma_start3A_675] : memref<1000000x32xf32, #tpu.memory_space<hbm>> -> memref<1x16xf32, #tpu.memory_space<hbm>>
      %dma_start3A_677 = tpu.memref_squeeze %dma_start3A_676 : memref<1x16xf32, #tpu.memory_space<hbm>> -> memref<16xf32, #tpu.memory_space<hbm>>
      %dma_start3A_678 = tpu.memref_slice %arg18[%multiple_of3A_657] : memref<8192xf32, #tpu.memory_space<vmem>> -> memref<16xf32, #tpu.memory_space<vmem>>
      %dma_start3A_679 = arith.constant 0 : i32
      %dma_start3A_680 = tpu.memref_slice %arg5[%squeeze3A_652, %dma_start3A_679] : memref<1000000x32xf32, #tpu.memory_space<hbm>> -> memref<1x16xf32, #tpu.memory_space<hbm>>
      %dma_start3A_681 = tpu.memref_squeeze %dma_start3A_680 : memref<1x16xf32, #tpu.memory_space<hbm>> -> memref<16xf32, #tpu.memory_space<hbm>>
      tpu.enqueue_dma source(%dma_start3A_681 : memref<16xf32, #tpu.memory_space<hbm>>) target(%dma_start3A_678 : memref<16xf32, #tpu.memory_space<vmem>>) target_semaphore(%arg23 : memref<!tpu.dma_semaphore, #tpu.memory_space<semaphore_mem>>)
      %dma_start3A_682 = tpu.memref_slice %arg19[%multiple_of3A_657] : memref<8192xf32, #tpu.memory_space<vmem>> -> memref<16xf32, #tpu.memory_space<vmem>>
      %dma_start3A_683 = arith.constant 16 : i32
      %dma_start3A_684 = tpu.memref_slice %arg5[%squeeze3A_652, %dma_start3A_683] : memref<1000000x32xf32, #tpu.memory_space<hbm>> -> memref<1x16xf32, #tpu.memory_space<hbm>>
      %dma_start3A_685 = tpu.memref_squeeze %dma_start3A_684 : memref<1x16xf32, #tpu.memory_space<hbm>> -> memref<16xf32, #tpu.memory_space<hbm>>
      %dma_start3A_686 = tpu.memref_slice %arg19[%multiple_of3A_657] : memref<8192xf32, #tpu.memory_space<vmem>> -> memref<16xf32, #tpu.memory_space<vmem>>
      %dma_start3A_687 = arith.constant 16 : i32
      %dma_start3A_688 = tpu.memref_slice %arg5[%squeeze3A_652, %dma_start3A_687] : memref<1000000x32xf32, #tpu.memory_space<hbm>> -> memref<1x16xf32, #tpu.memory_space<hbm>>
      %dma_start3A_689 = tpu.memref_squeeze %dma_start3A_688 : memref<1x16xf32, #tpu.memory_space<hbm>> -> memref<16xf32, #tpu.memory_space<hbm>>
      tpu.enqueue_dma source(%dma_start3A_689 : memref<16xf32, #tpu.memory_space<hbm>>) target(%dma_start3A_686 : memref<16xf32, #tpu.memory_space<vmem>>) target_semaphore(%arg23 : memref<!tpu.dma_semaphore, #tpu.memory_space<semaphore_mem>>)
      %slice3A_690 = vector.extract_strided_slice %get3A_155 {offsets = [13], sizes = [1], strides = [1]} : vector<16xi32> to vector<1xi32>
      %squeeze3A_691 = vector.extract %slice3A_690[0] : i32 from vector<1xi32>
      %slice3A_692 = vector.extract_strided_slice %get3A_158 {offsets = [13], sizes = [1], strides = [1]} : vector<16xi32> to vector<1xi32>
      %squeeze3A_693 = vector.extract %slice3A_692[0] : i32 from vector<1xi32>
      %mul3A_694 = arith.constant 256 : i32
      %mul3A_695 = arith.muli %scan3A_151, %mul3A_694 : i32
      %add3A_696 = arith.constant 208 : i32
      %add3A_697 = arith.addi %mul3A_695, %add3A_696 : i32
      %multiple_of3A_698 = tpu.assume_multiple %add3A_697, 16 : i32
      %dma_start3A_699 = tpu.memref_slice %arg16[%multiple_of3A_698] : memref<8192xf32, #tpu.memory_space<vmem>> -> memref<16xf32, #tpu.memory_space<vmem>>
      %dma_start3A_700 = arith.constant 0 : i32
      %dma_start3A_701 = tpu.memref_slice %arg4[%squeeze3A_691, %dma_start3A_700] : memref<1000000x32xf32, #tpu.memory_space<hbm>> -> memref<1x16xf32, #tpu.memory_space<hbm>>
      %dma_start3A_702 = tpu.memref_squeeze %dma_start3A_701 : memref<1x16xf32, #tpu.memory_space<hbm>> -> memref<16xf32, #tpu.memory_space<hbm>>
      %dma_start3A_703 = tpu.memref_slice %arg16[%multiple_of3A_698] : memref<8192xf32, #tpu.memory_space<vmem>> -> memref<16xf32, #tpu.memory_space<vmem>>
      %dma_start3A_704 = arith.constant 0 : i32
      %dma_start3A_705 = tpu.memref_slice %arg4[%squeeze3A_691, %dma_start3A_704] : memref<1000000x32xf32, #tpu.memory_space<hbm>> -> memref<1x16xf32, #tpu.memory_space<hbm>>
      %dma_start3A_706 = tpu.memref_squeeze %dma_start3A_705 : memref<1x16xf32, #tpu.memory_space<hbm>> -> memref<16xf32, #tpu.memory_space<hbm>>
      tpu.enqueue_dma source(%dma_start3A_706 : memref<16xf32, #tpu.memory_space<hbm>>) target(%dma_start3A_703 : memref<16xf32, #tpu.memory_space<vmem>>) target_semaphore(%arg23 : memref<!tpu.dma_semaphore, #tpu.memory_space<semaphore_mem>>)
      %dma_start3A_707 = tpu.memref_slice %arg17[%multiple_of3A_698] : memref<8192xf32, #tpu.memory_space<vmem>> -> memref<16xf32, #tpu.memory_space<vmem>>
      %dma_start3A_708 = arith.constant 16 : i32
      %dma_start3A_709 = tpu.memref_slice %arg4[%squeeze3A_691, %dma_start3A_708] : memref<1000000x32xf32, #tpu.memory_space<hbm>> -> memref<1x16xf32, #tpu.memory_space<hbm>>
      %dma_start3A_710 = tpu.memref_squeeze %dma_start3A_709 : memref<1x16xf32, #tpu.memory_space<hbm>> -> memref<16xf32, #tpu.memory_space<hbm>>
      %dma_start3A_711 = tpu.memref_slice %arg17[%multiple_of3A_698] : memref<8192xf32, #tpu.memory_space<vmem>> -> memref<16xf32, #tpu.memory_space<vmem>>
      %dma_start3A_712 = arith.constant 16 : i32
      %dma_start3A_713 = tpu.memref_slice %arg4[%squeeze3A_691, %dma_start3A_712] : memref<1000000x32xf32, #tpu.memory_space<hbm>> -> memref<1x16xf32, #tpu.memory_space<hbm>>
      %dma_start3A_714 = tpu.memref_squeeze %dma_start3A_713 : memref<1x16xf32, #tpu.memory_space<hbm>> -> memref<16xf32, #tpu.memory_space<hbm>>
      tpu.enqueue_dma source(%dma_start3A_714 : memref<16xf32, #tpu.memory_space<hbm>>) target(%dma_start3A_711 : memref<16xf32, #tpu.memory_space<vmem>>) target_semaphore(%arg23 : memref<!tpu.dma_semaphore, #tpu.memory_space<semaphore_mem>>)
      %dma_start3A_715 = tpu.memref_slice %arg18[%multiple_of3A_698] : memref<8192xf32, #tpu.memory_space<vmem>> -> memref<16xf32, #tpu.memory_space<vmem>>
      %dma_start3A_716 = arith.constant 0 : i32
      %dma_start3A_717 = tpu.memref_slice %arg5[%squeeze3A_693, %dma_start3A_716] : memref<1000000x32xf32, #tpu.memory_space<hbm>> -> memref<1x16xf32, #tpu.memory_space<hbm>>
      %dma_start3A_718 = tpu.memref_squeeze %dma_start3A_717 : memref<1x16xf32, #tpu.memory_space<hbm>> -> memref<16xf32, #tpu.memory_space<hbm>>
      %dma_start3A_719 = tpu.memref_slice %arg18[%multiple_of3A_698] : memref<8192xf32, #tpu.memory_space<vmem>> -> memref<16xf32, #tpu.memory_space<vmem>>
      %dma_start3A_720 = arith.constant 0 : i32
      %dma_start3A_721 = tpu.memref_slice %arg5[%squeeze3A_693, %dma_start3A_720] : memref<1000000x32xf32, #tpu.memory_space<hbm>> -> memref<1x16xf32, #tpu.memory_space<hbm>>
      %dma_start3A_722 = tpu.memref_squeeze %dma_start3A_721 : memref<1x16xf32, #tpu.memory_space<hbm>> -> memref<16xf32, #tpu.memory_space<hbm>>
      tpu.enqueue_dma source(%dma_start3A_722 : memref<16xf32, #tpu.memory_space<hbm>>) target(%dma_start3A_719 : memref<16xf32, #tpu.memory_space<vmem>>) target_semaphore(%arg23 : memref<!tpu.dma_semaphore, #tpu.memory_space<semaphore_mem>>)
      %dma_start3A_723 = tpu.memref_slice %arg19[%multiple_of3A_698] : memref<8192xf32, #tpu.memory_space<vmem>> -> memref<16xf32, #tpu.memory_space<vmem>>
      %dma_start3A_724 = arith.constant 16 : i32
      %dma_start3A_725 = tpu.memref_slice %arg5[%squeeze3A_693, %dma_start3A_724] : memref<1000000x32xf32, #tpu.memory_space<hbm>> -> memref<1x16xf32, #tpu.memory_space<hbm>>
      %dma_start3A_726 = tpu.memref_squeeze %dma_start3A_725 : memref<1x16xf32, #tpu.memory_space<hbm>> -> memref<16xf32, #tpu.memory_space<hbm>>
      %dma_start3A_727 = tpu.memref_slice %arg19[%multiple_of3A_698] : memref<8192xf32, #tpu.memory_space<vmem>> -> memref<16xf32, #tpu.memory_space<vmem>>
      %dma_start3A_728 = arith.constant 16 : i32
      %dma_start3A_729 = tpu.memref_slice %arg5[%squeeze3A_693, %dma_start3A_728] : memref<1000000x32xf32, #tpu.memory_space<hbm>> -> memref<1x16xf32, #tpu.memory_space<hbm>>
      %dma_start3A_730 = tpu.memref_squeeze %dma_start3A_729 : memref<1x16xf32, #tpu.memory_space<hbm>> -> memref<16xf32, #tpu.memory_space<hbm>>
      tpu.enqueue_dma source(%dma_start3A_730 : memref<16xf32, #tpu.memory_space<hbm>>) target(%dma_start3A_727 : memref<16xf32, #tpu.memory_space<vmem>>) target_semaphore(%arg23 : memref<!tpu.dma_semaphore, #tpu.memory_space<semaphore_mem>>)
      %slice3A_731 = vector.extract_strided_slice %get3A_155 {offsets = [14], sizes = [1], strides = [1]} : vector<16xi32> to vector<1xi32>
      %squeeze3A_732 = vector.extract %slice3A_731[0] : i32 from vector<1xi32>
      %slice3A_733 = vector.extract_strided_slice %get3A_158 {offsets = [14], sizes = [1], strides = [1]} : vector<16xi32> to vector<1xi32>
      %squeeze3A_734 = vector.extract %slice3A_733[0] : i32 from vector<1xi32>
      %mul3A_735 = arith.constant 256 : i32
      %mul3A_736 = arith.muli %scan3A_151, %mul3A_735 : i32
      %add3A_737 = arith.constant 224 : i32
      %add3A_738 = arith.addi %mul3A_736, %add3A_737 : i32
      %multiple_of3A_739 = tpu.assume_multiple %add3A_738, 16 : i32
      %dma_start3A_740 = tpu.memref_slice %arg16[%multiple_of3A_739] : memref<8192xf32, #tpu.memory_space<vmem>> -> memref<16xf32, #tpu.memory_space<vmem>>
      %dma_start3A_741 = arith.constant 0 : i32
      %dma_start3A_742 = tpu.memref_slice %arg4[%squeeze3A_732, %dma_start3A_741] : memref<1000000x32xf32, #tpu.memory_space<hbm>> -> memref<1x16xf32, #tpu.memory_space<hbm>>
      %dma_start3A_743 = tpu.memref_squeeze %dma_start3A_742 : memref<1x16xf32, #tpu.memory_space<hbm>> -> memref<16xf32, #tpu.memory_space<hbm>>
      %dma_start3A_744 = tpu.memref_slice %arg16[%multiple_of3A_739] : memref<8192xf32, #tpu.memory_space<vmem>> -> memref<16xf32, #tpu.memory_space<vmem>>
      %dma_start3A_745 = arith.constant 0 : i32
      %dma_start3A_746 = tpu.memref_slice %arg4[%squeeze3A_732, %dma_start3A_745] : memref<1000000x32xf32, #tpu.memory_space<hbm>> -> memref<1x16xf32, #tpu.memory_space<hbm>>
      %dma_start3A_747 = tpu.memref_squeeze %dma_start3A_746 : memref<1x16xf32, #tpu.memory_space<hbm>> -> memref<16xf32, #tpu.memory_space<hbm>>
      tpu.enqueue_dma source(%dma_start3A_747 : memref<16xf32, #tpu.memory_space<hbm>>) target(%dma_start3A_744 : memref<16xf32, #tpu.memory_space<vmem>>) target_semaphore(%arg23 : memref<!tpu.dma_semaphore, #tpu.memory_space<semaphore_mem>>)
      %dma_start3A_748 = tpu.memref_slice %arg17[%multiple_of3A_739] : memref<8192xf32, #tpu.memory_space<vmem>> -> memref<16xf32, #tpu.memory_space<vmem>>
      %dma_start3A_749 = arith.constant 16 : i32
      %dma_start3A_750 = tpu.memref_slice %arg4[%squeeze3A_732, %dma_start3A_749] : memref<1000000x32xf32, #tpu.memory_space<hbm>> -> memref<1x16xf32, #tpu.memory_space<hbm>>
      %dma_start3A_751 = tpu.memref_squeeze %dma_start3A_750 : memref<1x16xf32, #tpu.memory_space<hbm>> -> memref<16xf32, #tpu.memory_space<hbm>>
      %dma_start3A_752 = tpu.memref_slice %arg17[%multiple_of3A_739] : memref<8192xf32, #tpu.memory_space<vmem>> -> memref<16xf32, #tpu.memory_space<vmem>>
      %dma_start3A_753 = arith.constant 16 : i32
      %dma_start3A_754 = tpu.memref_slice %arg4[%squeeze3A_732, %dma_start3A_753] : memref<1000000x32xf32, #tpu.memory_space<hbm>> -> memref<1x16xf32, #tpu.memory_space<hbm>>
      %dma_start3A_755 = tpu.memref_squeeze %dma_start3A_754 : memref<1x16xf32, #tpu.memory_space<hbm>> -> memref<16xf32, #tpu.memory_space<hbm>>
      tpu.enqueue_dma source(%dma_start3A_755 : memref<16xf32, #tpu.memory_space<hbm>>) target(%dma_start3A_752 : memref<16xf32, #tpu.memory_space<vmem>>) target_semaphore(%arg23 : memref<!tpu.dma_semaphore, #tpu.memory_space<semaphore_mem>>)
      %dma_start3A_756 = tpu.memref_slice %arg18[%multiple_of3A_739] : memref<8192xf32, #tpu.memory_space<vmem>> -> memref<16xf32, #tpu.memory_space<vmem>>
      %dma_start3A_757 = arith.constant 0 : i32
      %dma_start3A_758 = tpu.memref_slice %arg5[%squeeze3A_734, %dma_start3A_757] : memref<1000000x32xf32, #tpu.memory_space<hbm>> -> memref<1x16xf32, #tpu.memory_space<hbm>>
      %dma_start3A_759 = tpu.memref_squeeze %dma_start3A_758 : memref<1x16xf32, #tpu.memory_space<hbm>> -> memref<16xf32, #tpu.memory_space<hbm>>
      %dma_start3A_760 = tpu.memref_slice %arg18[%multiple_of3A_739] : memref<8192xf32, #tpu.memory_space<vmem>> -> memref<16xf32, #tpu.memory_space<vmem>>
      %dma_start3A_761 = arith.constant 0 : i32
      %dma_start3A_762 = tpu.memref_slice %arg5[%squeeze3A_734, %dma_start3A_761] : memref<1000000x32xf32, #tpu.memory_space<hbm>> -> memref<1x16xf32, #tpu.memory_space<hbm>>
      %dma_start3A_763 = tpu.memref_squeeze %dma_start3A_762 : memref<1x16xf32, #tpu.memory_space<hbm>> -> memref<16xf32, #tpu.memory_space<hbm>>
      tpu.enqueue_dma source(%dma_start3A_763 : memref<16xf32, #tpu.memory_space<hbm>>) target(%dma_start3A_760 : memref<16xf32, #tpu.memory_space<vmem>>) target_semaphore(%arg23 : memref<!tpu.dma_semaphore, #tpu.memory_space<semaphore_mem>>)
      %dma_start3A_764 = tpu.memref_slice %arg19[%multiple_of3A_739] : memref<8192xf32, #tpu.memory_space<vmem>> -> memref<16xf32, #tpu.memory_space<vmem>>
      %dma_start3A_765 = arith.constant 16 : i32
      %dma_start3A_766 = tpu.memref_slice %arg5[%squeeze3A_734, %dma_start3A_765] : memref<1000000x32xf32, #tpu.memory_space<hbm>> -> memref<1x16xf32, #tpu.memory_space<hbm>>
      %dma_start3A_767 = tpu.memref_squeeze %dma_start3A_766 : memref<1x16xf32, #tpu.memory_space<hbm>> -> memref<16xf32, #tpu.memory_space<hbm>>
      %dma_start3A_768 = tpu.memref_slice %arg19[%multiple_of3A_739] : memref<8192xf32, #tpu.memory_space<vmem>> -> memref<16xf32, #tpu.memory_space<vmem>>
      %dma_start3A_769 = arith.constant 16 : i32
      %dma_start3A_770 = tpu.memref_slice %arg5[%squeeze3A_734, %dma_start3A_769] : memref<1000000x32xf32, #tpu.memory_space<hbm>> -> memref<1x16xf32, #tpu.memory_space<hbm>>
      %dma_start3A_771 = tpu.memref_squeeze %dma_start3A_770 : memref<1x16xf32, #tpu.memory_space<hbm>> -> memref<16xf32, #tpu.memory_space<hbm>>
      tpu.enqueue_dma source(%dma_start3A_771 : memref<16xf32, #tpu.memory_space<hbm>>) target(%dma_start3A_768 : memref<16xf32, #tpu.memory_space<vmem>>) target_semaphore(%arg23 : memref<!tpu.dma_semaphore, #tpu.memory_space<semaphore_mem>>)
      %slice3A_772 = vector.extract_strided_slice %get3A_155 {offsets = [15], sizes = [1], strides = [1]} : vector<16xi32> to vector<1xi32>
      %squeeze3A_773 = vector.extract %slice3A_772[0] : i32 from vector<1xi32>
      %slice3A_774 = vector.extract_strided_slice %get3A_158 {offsets = [15], sizes = [1], strides = [1]} : vector<16xi32> to vector<1xi32>
      %squeeze3A_775 = vector.extract %slice3A_774[0] : i32 from vector<1xi32>
      %mul3A_776 = arith.constant 256 : i32
      %mul3A_777 = arith.muli %scan3A_151, %mul3A_776 : i32
      %add3A_778 = arith.constant 240 : i32
      %add3A_779 = arith.addi %mul3A_777, %add3A_778 : i32
      %multiple_of3A_780 = tpu.assume_multiple %add3A_779, 16 : i32
      %dma_start3A_781 = tpu.memref_slice %arg16[%multiple_of3A_780] : memref<8192xf32, #tpu.memory_space<vmem>> -> memref<16xf32, #tpu.memory_space<vmem>>
      %dma_start3A_782 = arith.constant 0 : i32
      %dma_start3A_783 = tpu.memref_slice %arg4[%squeeze3A_773, %dma_start3A_782] : memref<1000000x32xf32, #tpu.memory_space<hbm>> -> memref<1x16xf32, #tpu.memory_space<hbm>>
      %dma_start3A_784 = tpu.memref_squeeze %dma_start3A_783 : memref<1x16xf32, #tpu.memory_space<hbm>> -> memref<16xf32, #tpu.memory_space<hbm>>
      %dma_start3A_785 = tpu.memref_slice %arg16[%multiple_of3A_780] : memref<8192xf32, #tpu.memory_space<vmem>> -> memref<16xf32, #tpu.memory_space<vmem>>
      %dma_start3A_786 = arith.constant 0 : i32
      %dma_start3A_787 = tpu.memref_slice %arg4[%squeeze3A_773, %dma_start3A_786] : memref<1000000x32xf32, #tpu.memory_space<hbm>> -> memref<1x16xf32, #tpu.memory_space<hbm>>
      %dma_start3A_788 = tpu.memref_squeeze %dma_start3A_787 : memref<1x16xf32, #tpu.memory_space<hbm>> -> memref<16xf32, #tpu.memory_space<hbm>>
      tpu.enqueue_dma source(%dma_start3A_788 : memref<16xf32, #tpu.memory_space<hbm>>) target(%dma_start3A_785 : memref<16xf32, #tpu.memory_space<vmem>>) target_semaphore(%arg23 : memref<!tpu.dma_semaphore, #tpu.memory_space<semaphore_mem>>)
      %dma_start3A_789 = tpu.memref_slice %arg17[%multiple_of3A_780] : memref<8192xf32, #tpu.memory_space<vmem>> -> memref<16xf32, #tpu.memory_space<vmem>>
      %dma_start3A_790 = arith.constant 16 : i32
      %dma_start3A_791 = tpu.memref_slice %arg4[%squeeze3A_773, %dma_start3A_790] : memref<1000000x32xf32, #tpu.memory_space<hbm>> -> memref<1x16xf32, #tpu.memory_space<hbm>>
      %dma_start3A_792 = tpu.memref_squeeze %dma_start3A_791 : memref<1x16xf32, #tpu.memory_space<hbm>> -> memref<16xf32, #tpu.memory_space<hbm>>
      %dma_start3A_793 = tpu.memref_slice %arg17[%multiple_of3A_780] : memref<8192xf32, #tpu.memory_space<vmem>> -> memref<16xf32, #tpu.memory_space<vmem>>
      %dma_start3A_794 = arith.constant 16 : i32
      %dma_start3A_795 = tpu.memref_slice %arg4[%squeeze3A_773, %dma_start3A_794] : memref<1000000x32xf32, #tpu.memory_space<hbm>> -> memref<1x16xf32, #tpu.memory_space<hbm>>
      %dma_start3A_796 = tpu.memref_squeeze %dma_start3A_795 : memref<1x16xf32, #tpu.memory_space<hbm>> -> memref<16xf32, #tpu.memory_space<hbm>>
      tpu.enqueue_dma source(%dma_start3A_796 : memref<16xf32, #tpu.memory_space<hbm>>) target(%dma_start3A_793 : memref<16xf32, #tpu.memory_space<vmem>>) target_semaphore(%arg23 : memref<!tpu.dma_semaphore, #tpu.memory_space<semaphore_mem>>)
      %dma_start3A_797 = tpu.memref_slice %arg18[%multiple_of3A_780] : memref<8192xf32, #tpu.memory_space<vmem>> -> memref<16xf32, #tpu.memory_space<vmem>>
      %dma_start3A_798 = arith.constant 0 : i32
      %dma_start3A_799 = tpu.memref_slice %arg5[%squeeze3A_775, %dma_start3A_798] : memref<1000000x32xf32, #tpu.memory_space<hbm>> -> memref<1x16xf32, #tpu.memory_space<hbm>>
      %dma_start3A_800 = tpu.memref_squeeze %dma_start3A_799 : memref<1x16xf32, #tpu.memory_space<hbm>> -> memref<16xf32, #tpu.memory_space<hbm>>
      %dma_start3A_801 = tpu.memref_slice %arg18[%multiple_of3A_780] : memref<8192xf32, #tpu.memory_space<vmem>> -> memref<16xf32, #tpu.memory_space<vmem>>
      %dma_start3A_802 = arith.constant 0 : i32
      %dma_start3A_803 = tpu.memref_slice %arg5[%squeeze3A_775, %dma_start3A_802] : memref<1000000x32xf32, #tpu.memory_space<hbm>> -> memref<1x16xf32, #tpu.memory_space<hbm>>
      %dma_start3A_804 = tpu.memref_squeeze %dma_start3A_803 : memref<1x16xf32, #tpu.memory_space<hbm>> -> memref<16xf32, #tpu.memory_space<hbm>>
      tpu.enqueue_dma source(%dma_start3A_804 : memref<16xf32, #tpu.memory_space<hbm>>) target(%dma_start3A_801 : memref<16xf32, #tpu.memory_space<vmem>>) target_semaphore(%arg23 : memref<!tpu.dma_semaphore, #tpu.memory_space<semaphore_mem>>)
      %dma_start3A_805 = tpu.memref_slice %arg19[%multiple_of3A_780] : memref<8192xf32, #tpu.memory_space<vmem>> -> memref<16xf32, #tpu.memory_space<vmem>>
      %dma_start3A_806 = arith.constant 16 : i32
      %dma_start3A_807 = tpu.memref_slice %arg5[%squeeze3A_775, %dma_start3A_806] : memref<1000000x32xf32, #tpu.memory_space<hbm>> -> memref<1x16xf32, #tpu.memory_space<hbm>>
      %dma_start3A_808 = tpu.memref_squeeze %dma_start3A_807 : memref<1x16xf32, #tpu.memory_space<hbm>> -> memref<16xf32, #tpu.memory_space<hbm>>
      %dma_start3A_809 = tpu.memref_slice %arg19[%multiple_of3A_780] : memref<8192xf32, #tpu.memory_space<vmem>> -> memref<16xf32, #tpu.memory_space<vmem>>
      %dma_start3A_810 = arith.constant 16 : i32
      %dma_start3A_811 = tpu.memref_slice %arg5[%squeeze3A_775, %dma_start3A_810] : memref<1000000x32xf32, #tpu.memory_space<hbm>> -> memref<1x16xf32, #tpu.memory_space<hbm>>
      %dma_start3A_812 = tpu.memref_squeeze %dma_start3A_811 : memref<1x16xf32, #tpu.memory_space<hbm>> -> memref<16xf32, #tpu.memory_space<hbm>>
      tpu.enqueue_dma source(%dma_start3A_812 : memref<16xf32, #tpu.memory_space<hbm>>) target(%dma_start3A_809 : memref<16xf32, #tpu.memory_space<vmem>>) target_semaphore(%arg23 : memref<!tpu.dma_semaphore, #tpu.memory_space<semaphore_mem>>)
    }
    %scan3A_60 = arith.constant 32 : i32
    %dma_wait3A_61 = arith.constant 0 : i32
    %dma_wait3A_62 = tpu.memref_slice %arg8[%dma_wait3A_61] : memref<262144xf32, #tpu.memory_space<hbm>> -> memref<8192xf32, #tpu.memory_space<hbm>>
    %dma_wait3A_63 = arith.constant 0 : i32
    %dma_wait3A_64 = tpu.memref_slice %arg8[%dma_wait3A_63] : memref<262144xf32, #tpu.memory_space<hbm>> -> memref<8192xf32, #tpu.memory_space<hbm>>
    tpu.wait_dma2 semaphore(%arg23 : memref<!tpu.dma_semaphore, #tpu.memory_space<semaphore_mem>>) src(%dma_wait3A_64 : memref<8192xf32, #tpu.memory_space<hbm>>) dst(%arg16 : memref<8192xf32, #tpu.memory_space<vmem>>)
    %dma_wait3A_65 = arith.constant 0 : i32
    %dma_wait3A_66 = tpu.memref_slice %arg8[%dma_wait3A_65] : memref<262144xf32, #tpu.memory_space<hbm>> -> memref<8192xf32, #tpu.memory_space<hbm>>
    %dma_wait3A_67 = arith.constant 0 : i32
    %dma_wait3A_68 = tpu.memref_slice %arg8[%dma_wait3A_67] : memref<262144xf32, #tpu.memory_space<hbm>> -> memref<8192xf32, #tpu.memory_space<hbm>>
    tpu.wait_dma2 semaphore(%arg23 : memref<!tpu.dma_semaphore, #tpu.memory_space<semaphore_mem>>) src(%dma_wait3A_68 : memref<8192xf32, #tpu.memory_space<hbm>>) dst(%arg17 : memref<8192xf32, #tpu.memory_space<vmem>>)
    %dma_wait3A_69 = arith.constant 0 : i32
    %dma_wait3A_70 = tpu.memref_slice %arg8[%dma_wait3A_69] : memref<262144xf32, #tpu.memory_space<hbm>> -> memref<8192xf32, #tpu.memory_space<hbm>>
    %dma_wait3A_71 = arith.constant 0 : i32
    %dma_wait3A_72 = tpu.memref_slice %arg8[%dma_wait3A_71] : memref<262144xf32, #tpu.memory_space<hbm>> -> memref<8192xf32, #tpu.memory_space<hbm>>
    tpu.wait_dma2 semaphore(%arg23 : memref<!tpu.dma_semaphore, #tpu.memory_space<semaphore_mem>>) src(%dma_wait3A_72 : memref<8192xf32, #tpu.memory_space<hbm>>) dst(%arg18 : memref<8192xf32, #tpu.memory_space<vmem>>)
    %dma_wait3A_73 = arith.constant 0 : i32
    %dma_wait3A_74 = tpu.memref_slice %arg8[%dma_wait3A_73] : memref<262144xf32, #tpu.memory_space<hbm>> -> memref<8192xf32, #tpu.memory_space<hbm>>
    %dma_wait3A_75 = arith.constant 0 : i32
    %dma_wait3A_76 = tpu.memref_slice %arg8[%dma_wait3A_75] : memref<262144xf32, #tpu.memory_space<hbm>> -> memref<8192xf32, #tpu.memory_space<hbm>>
    tpu.wait_dma2 semaphore(%arg23 : memref<!tpu.dma_semaphore, #tpu.memory_space<semaphore_mem>>) src(%dma_wait3A_76 : memref<8192xf32, #tpu.memory_space<hbm>>) dst(%arg19 : memref<8192xf32, #tpu.memory_space<vmem>>)
    %dma_wait3A_77 = arith.constant 0 : i32
    %dma_wait3A_78 = tpu.memref_slice %arg20[%dma_wait3A_77] : memref<512xf32, #tpu.memory_space<vmem>> -> memref<128xf32, #tpu.memory_space<vmem>>
    %dma_wait3A_79 = arith.constant 0 : i32
    %dma_wait3A_80 = tpu.memref_slice %arg14[%dma_wait3A_79] : memref<512xi32, #tpu.memory_space<vmem>> -> memref<128xi32, #tpu.memory_space<vmem>>
    %dma_wait3A_81 = arith.constant 0 : i32
    %dma_wait3A_82 = tpu.memref_slice %arg6[%dma_wait3A_81] : memref<1000000xf32, #tpu.memory_space<hbm>> -> memref<1000000xf32, #tpu.memory_space<hbm>>
    tpu.wait_indirect_dma semaphore(%arg22 : memref<!tpu.dma_semaphore, #tpu.memory_space<semaphore_mem>>) src(%dma_wait3A_82 : memref<1000000xf32, #tpu.memory_space<hbm>>) dst(%dma_wait3A_78 : memref<128xf32, #tpu.memory_space<vmem>>)
    %dma_wait3A_83 = arith.constant 128 : i32
    %dma_wait3A_84 = tpu.memref_slice %arg20[%dma_wait3A_83] : memref<512xf32, #tpu.memory_space<vmem>> -> memref<128xf32, #tpu.memory_space<vmem>>
    %dma_wait3A_85 = arith.constant 128 : i32
    %dma_wait3A_86 = tpu.memref_slice %arg14[%dma_wait3A_85] : memref<512xi32, #tpu.memory_space<vmem>> -> memref<128xi32, #tpu.memory_space<vmem>>
    %dma_wait3A_87 = arith.constant 0 : i32
    %dma_wait3A_88 = tpu.memref_slice %arg6[%dma_wait3A_87] : memref<1000000xf32, #tpu.memory_space<hbm>> -> memref<1000000xf32, #tpu.memory_space<hbm>>
    tpu.wait_indirect_dma semaphore(%arg22 : memref<!tpu.dma_semaphore, #tpu.memory_space<semaphore_mem>>) src(%dma_wait3A_88 : memref<1000000xf32, #tpu.memory_space<hbm>>) dst(%dma_wait3A_84 : memref<128xf32, #tpu.memory_space<vmem>>)
    %dma_wait3A_89 = arith.constant 256 : i32
    %dma_wait3A_90 = tpu.memref_slice %arg20[%dma_wait3A_89] : memref<512xf32, #tpu.memory_space<vmem>> -> memref<128xf32, #tpu.memory_space<vmem>>
    %dma_wait3A_91 = arith.constant 256 : i32
    %dma_wait3A_92 = tpu.memref_slice %arg14[%dma_wait3A_91] : memref<512xi32, #tpu.memory_space<vmem>> -> memref<128xi32, #tpu.memory_space<vmem>>
    %dma_wait3A_93 = arith.constant 0 : i32
    %dma_wait3A_94 = tpu.memref_slice %arg6[%dma_wait3A_93] : memref<1000000xf32, #tpu.memory_space<hbm>> -> memref<1000000xf32, #tpu.memory_space<hbm>>
    tpu.wait_indirect_dma semaphore(%arg22 : memref<!tpu.dma_semaphore, #tpu.memory_space<semaphore_mem>>) src(%dma_wait3A_94 : memref<1000000xf32, #tpu.memory_space<hbm>>) dst(%dma_wait3A_90 : memref<128xf32, #tpu.memory_space<vmem>>)
    %dma_wait3A_95 = arith.constant 384 : i32
    %dma_wait3A_96 = tpu.memref_slice %arg20[%dma_wait3A_95] : memref<512xf32, #tpu.memory_space<vmem>> -> memref<128xf32, #tpu.memory_space<vmem>>
    %dma_wait3A_97 = arith.constant 384 : i32
    %dma_wait3A_98 = tpu.memref_slice %arg14[%dma_wait3A_97] : memref<512xi32, #tpu.memory_space<vmem>> -> memref<128xi32, #tpu.memory_space<vmem>>
    %dma_wait3A_99 = arith.constant 0 : i32
    %dma_wait3A_100 = tpu.memref_slice %arg6[%dma_wait3A_99] : memref<1000000xf32, #tpu.memory_space<hbm>> -> memref<1000000xf32, #tpu.memory_space<hbm>>
    tpu.wait_indirect_dma semaphore(%arg22 : memref<!tpu.dma_semaphore, #tpu.memory_space<semaphore_mem>>) src(%dma_wait3A_100 : memref<1000000xf32, #tpu.memory_space<hbm>>) dst(%dma_wait3A_96 : memref<128xf32, #tpu.memory_space<vmem>>)
    %dma_wait3A_101 = arith.constant 0 : i32
    %dma_wait3A_102 = tpu.memref_slice %arg21[%dma_wait3A_101] : memref<512xf32, #tpu.memory_space<vmem>> -> memref<128xf32, #tpu.memory_space<vmem>>
    %dma_wait3A_103 = arith.constant 0 : i32
    %dma_wait3A_104 = tpu.memref_slice %arg15[%dma_wait3A_103] : memref<512xi32, #tpu.memory_space<vmem>> -> memref<128xi32, #tpu.memory_space<vmem>>
    %dma_wait3A_105 = arith.constant 0 : i32
    %dma_wait3A_106 = tpu.memref_slice %arg7[%dma_wait3A_105] : memref<1000000xf32, #tpu.memory_space<hbm>> -> memref<1000000xf32, #tpu.memory_space<hbm>>
    tpu.wait_indirect_dma semaphore(%arg22 : memref<!tpu.dma_semaphore, #tpu.memory_space<semaphore_mem>>) src(%dma_wait3A_106 : memref<1000000xf32, #tpu.memory_space<hbm>>) dst(%dma_wait3A_102 : memref<128xf32, #tpu.memory_space<vmem>>)
    %dma_wait3A_107 = arith.constant 128 : i32
    %dma_wait3A_108 = tpu.memref_slice %arg21[%dma_wait3A_107] : memref<512xf32, #tpu.memory_space<vmem>> -> memref<128xf32, #tpu.memory_space<vmem>>
    %dma_wait3A_109 = arith.constant 128 : i32
    %dma_wait3A_110 = tpu.memref_slice %arg15[%dma_wait3A_109] : memref<512xi32, #tpu.memory_space<vmem>> -> memref<128xi32, #tpu.memory_space<vmem>>
    %dma_wait3A_111 = arith.constant 0 : i32
    %dma_wait3A_112 = tpu.memref_slice %arg7[%dma_wait3A_111] : memref<1000000xf32, #tpu.memory_space<hbm>> -> memref<1000000xf32, #tpu.memory_space<hbm>>
    tpu.wait_indirect_dma semaphore(%arg22 : memref<!tpu.dma_semaphore, #tpu.memory_space<semaphore_mem>>) src(%dma_wait3A_112 : memref<1000000xf32, #tpu.memory_space<hbm>>) dst(%dma_wait3A_108 : memref<128xf32, #tpu.memory_space<vmem>>)
    %dma_wait3A_113 = arith.constant 256 : i32
    %dma_wait3A_114 = tpu.memref_slice %arg21[%dma_wait3A_113] : memref<512xf32, #tpu.memory_space<vmem>> -> memref<128xf32, #tpu.memory_space<vmem>>
    %dma_wait3A_115 = arith.constant 256 : i32
    %dma_wait3A_116 = tpu.memref_slice %arg15[%dma_wait3A_115] : memref<512xi32, #tpu.memory_space<vmem>> -> memref<128xi32, #tpu.memory_space<vmem>>
    %dma_wait3A_117 = arith.constant 0 : i32
    %dma_wait3A_118 = tpu.memref_slice %arg7[%dma_wait3A_117] : memref<1000000xf32, #tpu.memory_space<hbm>> -> memref<1000000xf32, #tpu.memory_space<hbm>>
    tpu.wait_indirect_dma semaphore(%arg22 : memref<!tpu.dma_semaphore, #tpu.memory_space<semaphore_mem>>) src(%dma_wait3A_118 : memref<1000000xf32, #tpu.memory_space<hbm>>) dst(%dma_wait3A_114 : memref<128xf32, #tpu.memory_space<vmem>>)
    %dma_wait3A_119 = arith.constant 384 : i32
    %dma_wait3A_120 = tpu.memref_slice %arg21[%dma_wait3A_119] : memref<512xf32, #tpu.memory_space<vmem>> -> memref<128xf32, #tpu.memory_space<vmem>>
    %dma_wait3A_121 = arith.constant 384 : i32
    %dma_wait3A_122 = tpu.memref_slice %arg15[%dma_wait3A_121] : memref<512xi32, #tpu.memory_space<vmem>> -> memref<128xi32, #tpu.memory_space<vmem>>
    %dma_wait3A_123 = arith.constant 0 : i32
    %dma_wait3A_124 = tpu.memref_slice %arg7[%dma_wait3A_123] : memref<1000000xf32, #tpu.memory_space<hbm>> -> memref<1000000xf32, #tpu.memory_space<hbm>>
    tpu.wait_indirect_dma semaphore(%arg22 : memref<!tpu.dma_semaphore, #tpu.memory_space<semaphore_mem>>) src(%dma_wait3A_124 : memref<1000000xf32, #tpu.memory_space<hbm>>) dst(%dma_wait3A_120 : memref<128xf32, #tpu.memory_space<vmem>>)
    %mul3A_125 = arith.constant 16 : i32
    %mul3A_126 = arith.muli %mul3A_2, %mul3A_125 : i32
    %dma_start3A_127 = tpu.memref_slice %arg8[%mul3A_126] : memref<262144xf32, #tpu.memory_space<hbm>> -> memref<8192xf32, #tpu.memory_space<hbm>>
    %dma_start3A_128 = tpu.memref_slice %arg8[%mul3A_126] : memref<262144xf32, #tpu.memory_space<hbm>> -> memref<8192xf32, #tpu.memory_space<hbm>>
    tpu.enqueue_dma source(%arg16 : memref<8192xf32, #tpu.memory_space<vmem>>) target(%dma_start3A_128 : memref<8192xf32, #tpu.memory_space<hbm>>) target_semaphore(%arg22 : memref<!tpu.dma_semaphore, #tpu.memory_space<semaphore_mem>>)
    %dma_start3A_129 = tpu.memref_slice %arg9[%mul3A_126] : memref<262144xf32, #tpu.memory_space<hbm>> -> memref<8192xf32, #tpu.memory_space<hbm>>
    %dma_start3A_130 = tpu.memref_slice %arg9[%mul3A_126] : memref<262144xf32, #tpu.memory_space<hbm>> -> memref<8192xf32, #tpu.memory_space<hbm>>
    tpu.enqueue_dma source(%arg17 : memref<8192xf32, #tpu.memory_space<vmem>>) target(%dma_start3A_130 : memref<8192xf32, #tpu.memory_space<hbm>>) target_semaphore(%arg22 : memref<!tpu.dma_semaphore, #tpu.memory_space<semaphore_mem>>)
    %dma_start3A_131 = tpu.memref_slice %arg10[%mul3A_126] : memref<262144xf32, #tpu.memory_space<hbm>> -> memref<8192xf32, #tpu.memory_space<hbm>>
    %dma_start3A_132 = tpu.memref_slice %arg10[%mul3A_126] : memref<262144xf32, #tpu.memory_space<hbm>> -> memref<8192xf32, #tpu.memory_space<hbm>>
    tpu.enqueue_dma source(%arg18 : memref<8192xf32, #tpu.memory_space<vmem>>) target(%dma_start3A_132 : memref<8192xf32, #tpu.memory_space<hbm>>) target_semaphore(%arg22 : memref<!tpu.dma_semaphore, #tpu.memory_space<semaphore_mem>>)
    %dma_start3A_133 = tpu.memref_slice %arg11[%mul3A_126] : memref<262144xf32, #tpu.memory_space<hbm>> -> memref<8192xf32, #tpu.memory_space<hbm>>
    %dma_start3A_134 = tpu.memref_slice %arg11[%mul3A_126] : memref<262144xf32, #tpu.memory_space<hbm>> -> memref<8192xf32, #tpu.memory_space<hbm>>
    tpu.enqueue_dma source(%arg19 : memref<8192xf32, #tpu.memory_space<vmem>>) target(%dma_start3A_134 : memref<8192xf32, #tpu.memory_space<hbm>>) target_semaphore(%arg22 : memref<!tpu.dma_semaphore, #tpu.memory_space<semaphore_mem>>)
    %dma_start3A_135 = tpu.memref_slice %arg12[%mul3A_2] : memref<16384xf32, #tpu.memory_space<hbm>> -> memref<512xf32, #tpu.memory_space<hbm>>
    %dma_start3A_136 = tpu.memref_slice %arg12[%mul3A_2] : memref<16384xf32, #tpu.memory_space<hbm>> -> memref<512xf32, #tpu.memory_space<hbm>>
    tpu.enqueue_dma source(%arg20 : memref<512xf32, #tpu.memory_space<vmem>>) target(%dma_start3A_136 : memref<512xf32, #tpu.memory_space<hbm>>) target_semaphore(%arg22 : memref<!tpu.dma_semaphore, #tpu.memory_space<semaphore_mem>>)
    %dma_start3A_137 = tpu.memref_slice %arg13[%mul3A_2] : memref<16384xf32, #tpu.memory_space<hbm>> -> memref<512xf32, #tpu.memory_space<hbm>>
    %dma_start3A_138 = tpu.memref_slice %arg13[%mul3A_2] : memref<16384xf32, #tpu.memory_space<hbm>> -> memref<512xf32, #tpu.memory_space<hbm>>
    tpu.enqueue_dma source(%arg21 : memref<512xf32, #tpu.memory_space<vmem>>) target(%dma_start3A_138 : memref<512xf32, #tpu.memory_space<hbm>>) target_semaphore(%arg22 : memref<!tpu.dma_semaphore, #tpu.memory_space<semaphore_mem>>)
    %dma_wait3A_139 = tpu.memref_slice %arg8[%mul3A_126] : memref<262144xf32, #tpu.memory_space<hbm>> -> memref<8192xf32, #tpu.memory_space<hbm>>
    %dma_wait3A_140 = tpu.memref_slice %arg8[%mul3A_126] : memref<262144xf32, #tpu.memory_space<hbm>> -> memref<8192xf32, #tpu.memory_space<hbm>>
    tpu.wait_dma2 semaphore(%arg22 : memref<!tpu.dma_semaphore, #tpu.memory_space<semaphore_mem>>) src(%arg16 : memref<8192xf32, #tpu.memory_space<vmem>>) dst(%dma_wait3A_140 : memref<8192xf32, #tpu.memory_space<hbm>>)
    %dma_wait3A_141 = tpu.memref_slice %arg9[%mul3A_126] : memref<262144xf32, #tpu.memory_space<hbm>> -> memref<8192xf32, #tpu.memory_space<hbm>>
    %dma_wait3A_142 = tpu.memref_slice %arg9[%mul3A_126] : memref<262144xf32, #tpu.memory_space<hbm>> -> memref<8192xf32, #tpu.memory_space<hbm>>
    tpu.wait_dma2 semaphore(%arg22 : memref<!tpu.dma_semaphore, #tpu.memory_space<semaphore_mem>>) src(%arg17 : memref<8192xf32, #tpu.memory_space<vmem>>) dst(%dma_wait3A_142 : memref<8192xf32, #tpu.memory_space<hbm>>)
    %dma_wait3A_143 = tpu.memref_slice %arg10[%mul3A_126] : memref<262144xf32, #tpu.memory_space<hbm>> -> memref<8192xf32, #tpu.memory_space<hbm>>
    %dma_wait3A_144 = tpu.memref_slice %arg10[%mul3A_126] : memref<262144xf32, #tpu.memory_space<hbm>> -> memref<8192xf32, #tpu.memory_space<hbm>>
    tpu.wait_dma2 semaphore(%arg22 : memref<!tpu.dma_semaphore, #tpu.memory_space<semaphore_mem>>) src(%arg18 : memref<8192xf32, #tpu.memory_space<vmem>>) dst(%dma_wait3A_144 : memref<8192xf32, #tpu.memory_space<hbm>>)
    %dma_wait3A_145 = tpu.memref_slice %arg11[%mul3A_126] : memref<262144xf32, #tpu.memory_space<hbm>> -> memref<8192xf32, #tpu.memory_space<hbm>>
    %dma_wait3A_146 = tpu.memref_slice %arg11[%mul3A_126] : memref<262144xf32, #tpu.memory_space<hbm>> -> memref<8192xf32, #tpu.memory_space<hbm>>
    tpu.wait_dma2 semaphore(%arg22 : memref<!tpu.dma_semaphore, #tpu.memory_space<semaphore_mem>>) src(%arg19 : memref<8192xf32, #tpu.memory_space<vmem>>) dst(%dma_wait3A_146 : memref<8192xf32, #tpu.memory_space<hbm>>)
    %dma_wait3A_147 = tpu.memref_slice %arg12[%mul3A_2] : memref<16384xf32, #tpu.memory_space<hbm>> -> memref<512xf32, #tpu.memory_space<hbm>>
    %dma_wait3A_148 = tpu.memref_slice %arg12[%mul3A_2] : memref<16384xf32, #tpu.memory_space<hbm>> -> memref<512xf32, #tpu.memory_space<hbm>>
    tpu.wait_dma2 semaphore(%arg22 : memref<!tpu.dma_semaphore, #tpu.memory_space<semaphore_mem>>) src(%arg20 : memref<512xf32, #tpu.memory_space<vmem>>) dst(%dma_wait3A_148 : memref<512xf32, #tpu.memory_space<hbm>>)
    %dma_wait3A_149 = tpu.memref_slice %arg13[%mul3A_2] : memref<16384xf32, #tpu.memory_space<hbm>> -> memref<512xf32, #tpu.memory_space<hbm>>
    %dma_wait3A_150 = tpu.memref_slice %arg13[%mul3A_2] : memref<16384xf32, #tpu.memory_space<hbm>> -> memref<512xf32, #tpu.memory_space<hbm>>
    tpu.wait_dma2 semaphore(%arg22 : memref<!tpu.dma_semaphore, #tpu.memory_space<semaphore_mem>>) src(%arg21 : memref<512xf32, #tpu.memory_space<vmem>>) dst(%dma_wait3A_150 : memref<512xf32, #tpu.memory_space<hbm>>)
    return
  }
}

module attributes {stable_mosaic.version = 14 : i64} {
  func.func @_math_body(%arg0: i32, %arg1: memref<256x128xf32, #tpu.memory_space<vmem>>, %arg2: memref<256x128xf32, #tpu.memory_space<vmem>>, %arg3: memref<256x128xf32, #tpu.memory_space<vmem>>, %arg4: memref<256x128xf32, #tpu.memory_space<vmem>>, %arg5: memref<256x8xf32, #tpu.memory_space<vmem>>, %arg6: memref<256x8xf32, #tpu.memory_space<vmem>>, %arg7: memref<256x8xf32, #tpu.memory_space<vmem>>) attributes {dimension_semantics = [#tpu.dimension_semantics<arbitrary>], iteration_bounds = array<i64: 8>, scalar_prefetch = 0 : i64, scratch_operands = 0 : i64, tpu.core_type = #tpu.core_type<tc>, window_params = [{transform_indices = @transform_0, window_bounds = array<i64: 256, 128>}, {transform_indices = @transform_1, window_bounds = array<i64: 256, 128>}, {transform_indices = @transform_2, window_bounds = array<i64: 256, 128>}, {transform_indices = @transform_3, window_bounds = array<i64: 256, 128>}, {transform_indices = @transform_4, window_bounds = array<i64: 256, 8>}, {transform_indices = @transform_5, window_bounds = array<i64: 256, 8>}, {transform_indices = @transform_6, window_bounds = array<i64: 256, 8>}]} {
    %get3A = arith.constant 0 : index
    %get3A_0 = arith.constant 0 : index
    %get3A_1 = vector.load %arg1[%get3A, %get3A_0] : memref<256x128xf32, #tpu.memory_space<vmem>>, vector<256x128xf32>
    %ne3A = arith.cmpf one, %get3A_1, %get3A_1 : vector<256x128xf32>
    %jit3A = arith.constant 5.000000e-02 : f32
    %broadcast_in_dim3A = vector.broadcast %jit3A : f32 to vector<256x128xf32>
    %select_n3A = arith.select %ne3A, %broadcast_in_dim3A, %get3A_1 : vector<256x128xi1>, vector<256x128xf32>
    %add3A = arith.constant 1.000000e+00 : f32
    %add3A_2 = vector.broadcast %add3A : f32 to vector<256x128xf32>
    %add3A_3 = arith.addf %select_n3A, %add3A_2 : vector<256x128xf32>
    %jit3A_4 = arith.constant 1.000000e+00 : f32
    %jit3A_5 = arith.constant 1.000000e+02 : f32
    %max3A = vector.broadcast %jit3A_4 : f32 to vector<256x128xf32>
    %max3A_6 = arith.maximumf %max3A, %add3A_3 : vector<256x128xf32>
    %min3A = vector.broadcast %jit3A_5 : f32 to vector<256x128xf32>
    %min3A_7 = arith.minimumf %min3A, %max3A_6 : vector<256x128xf32>
    %get3A_8 = arith.constant 0 : index
    %get3A_9 = arith.constant 0 : index
    %get3A_10 = vector.load %arg2[%get3A_8, %get3A_9] : memref<256x128xf32, #tpu.memory_space<vmem>>, vector<256x128xf32>
    %ne3A_11 = arith.cmpf one, %get3A_10, %get3A_10 : vector<256x128xf32>
    %jit3A_12 = arith.constant 5.000000e-02 : f32
    %broadcast_in_dim3A_13 = vector.broadcast %jit3A_12 : f32 to vector<256x128xf32>
    %select_n3A_14 = arith.select %ne3A_11, %broadcast_in_dim3A_13, %get3A_10 : vector<256x128xi1>, vector<256x128xf32>
    %add3A_15 = arith.constant 1.000000e+00 : f32
    %add3A_16 = vector.broadcast %add3A_15 : f32 to vector<256x128xf32>
    %add3A_17 = arith.addf %select_n3A_14, %add3A_16 : vector<256x128xf32>
    %jit3A_18 = arith.constant 1.000000e+00 : f32
    %jit3A_19 = arith.constant 1.000000e+02 : f32
    %max3A_20 = vector.broadcast %jit3A_18 : f32 to vector<256x128xf32>
    %max3A_21 = arith.maximumf %max3A_20, %add3A_17 : vector<256x128xf32>
    %min3A_22 = vector.broadcast %jit3A_19 : f32 to vector<256x128xf32>
    %min3A_23 = arith.minimumf %min3A_22, %max3A_21 : vector<256x128xf32>
    %get3A_24 = arith.constant 0 : index
    %get3A_25 = arith.constant 0 : index
    %get3A_26 = vector.load %arg3[%get3A_24, %get3A_25] : memref<256x128xf32, #tpu.memory_space<vmem>>, vector<256x128xf32>
    %ne3A_27 = arith.cmpf one, %get3A_26, %get3A_26 : vector<256x128xf32>
    %jit3A_28 = arith.constant 5.000000e-02 : f32
    %broadcast_in_dim3A_29 = vector.broadcast %jit3A_28 : f32 to vector<256x128xf32>
    %select_n3A_30 = arith.select %ne3A_27, %broadcast_in_dim3A_29, %get3A_26 : vector<256x128xi1>, vector<256x128xf32>
    %add3A_31 = arith.constant 1.000000e+00 : f32
    %add3A_32 = vector.broadcast %add3A_31 : f32 to vector<256x128xf32>
    %add3A_33 = arith.addf %select_n3A_30, %add3A_32 : vector<256x128xf32>
    %jit3A_34 = arith.constant 1.000000e+00 : f32
    %jit3A_35 = arith.constant 1.000000e+02 : f32
    %max3A_36 = vector.broadcast %jit3A_34 : f32 to vector<256x128xf32>
    %max3A_37 = arith.maximumf %max3A_36, %add3A_33 : vector<256x128xf32>
    %min3A_38 = vector.broadcast %jit3A_35 : f32 to vector<256x128xf32>
    %min3A_39 = arith.minimumf %min3A_38, %max3A_37 : vector<256x128xf32>
    %get3A_40 = arith.constant 0 : index
    %get3A_41 = arith.constant 0 : index
    %get3A_42 = vector.load %arg4[%get3A_40, %get3A_41] : memref<256x128xf32, #tpu.memory_space<vmem>>, vector<256x128xf32>
    %ne3A_43 = arith.cmpf one, %get3A_42, %get3A_42 : vector<256x128xf32>
    %jit3A_44 = arith.constant 5.000000e-02 : f32
    %broadcast_in_dim3A_45 = vector.broadcast %jit3A_44 : f32 to vector<256x128xf32>
    %select_n3A_46 = arith.select %ne3A_43, %broadcast_in_dim3A_45, %get3A_42 : vector<256x128xi1>, vector<256x128xf32>
    %add3A_47 = arith.constant 1.000000e+00 : f32
    %add3A_48 = vector.broadcast %add3A_47 : f32 to vector<256x128xf32>
    %add3A_49 = arith.addf %select_n3A_46, %add3A_48 : vector<256x128xf32>
    %jit3A_50 = arith.constant 1.000000e+00 : f32
    %jit3A_51 = arith.constant 1.000000e+02 : f32
    %max3A_52 = vector.broadcast %jit3A_50 : f32 to vector<256x128xf32>
    %max3A_53 = arith.maximumf %max3A_52, %add3A_49 : vector<256x128xf32>
    %min3A_54 = vector.broadcast %jit3A_51 : f32 to vector<256x128xf32>
    %min3A_55 = arith.minimumf %min3A_54, %max3A_53 : vector<256x128xf32>
    %add3A_56 = arith.addf %min3A_7, %min3A_23 : vector<256x128xf32>
    %add3A_57 = arith.addf %min3A_39, %min3A_55 : vector<256x128xf32>
    %add3A_58 = arith.constant 3.000000e+00 : f32
    %add3A_59 = vector.broadcast %add3A_58 : f32 to vector<256x128xf32>
    %add3A_60 = arith.addf %min3A_7, %add3A_59 : vector<256x128xf32>
    %div3A = arith.constant 1.000000e+00 : f32
    %div3A_61 = vector.broadcast %div3A : f32 to vector<256x128xf32>
    %div3A_62 = arith.divf %div3A_61, %add3A_60 : vector<256x128xf32>
    %mul3A = arith.mulf %div3A_62, %div3A_62 : vector<256x128xf32>
    %mul3A_63 = arith.constant 7.93650805E-4 : f32
    %mul3A_64 = vector.broadcast %mul3A_63 : f32 to vector<256x128xf32>
    %mul3A_65 = arith.mulf %mul3A, %mul3A_64 : vector<256x128xf32>
    %add3A_66 = arith.constant -0.00277777785 : f32
    %add3A_67 = vector.broadcast %add3A_66 : f32 to vector<256x128xf32>
    %add3A_68 = arith.addf %add3A_67, %mul3A_65 : vector<256x128xf32>
    %mul3A_69 = arith.mulf %mul3A, %add3A_68 : vector<256x128xf32>
    %add3A_70 = arith.constant 0.0833333358 : f32
    %add3A_71 = vector.broadcast %add3A_70 : f32 to vector<256x128xf32>
    %add3A_72 = arith.addf %add3A_71, %mul3A_69 : vector<256x128xf32>
    %mul3A_73 = arith.mulf %div3A_62, %add3A_72 : vector<256x128xf32>
    %sub3A = arith.constant 5.000000e-01 : f32
    %sub3A_74 = vector.broadcast %sub3A : f32 to vector<256x128xf32>
    %sub3A_75 = arith.subf %add3A_60, %sub3A_74 : vector<256x128xf32>
    %log3A = math.log %add3A_60 : vector<256x128xf32>
    %mul3A_76 = arith.mulf %sub3A_75, %log3A : vector<256x128xf32>
    %sub3A_77 = arith.subf %mul3A_76, %add3A_60 : vector<256x128xf32>
    %add3A_78 = arith.constant 0.918938517 : f32
    %add3A_79 = vector.broadcast %add3A_78 : f32 to vector<256x128xf32>
    %add3A_80 = arith.addf %sub3A_77, %add3A_79 : vector<256x128xf32>
    %add3A_81 = arith.addf %add3A_80, %mul3A_73 : vector<256x128xf32>
    %add3A_82 = arith.constant 1.000000e+00 : f32
    %add3A_83 = vector.broadcast %add3A_82 : f32 to vector<256x128xf32>
    %add3A_84 = arith.addf %min3A_7, %add3A_83 : vector<256x128xf32>
    %mul3A_85 = arith.mulf %min3A_7, %add3A_84 : vector<256x128xf32>
    %add3A_86 = arith.constant 2.000000e+00 : f32
    %add3A_87 = vector.broadcast %add3A_86 : f32 to vector<256x128xf32>
    %add3A_88 = arith.addf %min3A_7, %add3A_87 : vector<256x128xf32>
    %mul3A_89 = arith.mulf %mul3A_85, %add3A_88 : vector<256x128xf32>
    %log3A_90 = math.log %mul3A_89 : vector<256x128xf32>
    %sub3A_91 = arith.subf %add3A_81, %log3A_90 : vector<256x128xf32>
    %add3A_92 = arith.constant 3.000000e+00 : f32
    %add3A_93 = vector.broadcast %add3A_92 : f32 to vector<256x128xf32>
    %add3A_94 = arith.addf %min3A_23, %add3A_93 : vector<256x128xf32>
    %div3A_95 = arith.constant 1.000000e+00 : f32
    %div3A_96 = vector.broadcast %div3A_95 : f32 to vector<256x128xf32>
    %div3A_97 = arith.divf %div3A_96, %add3A_94 : vector<256x128xf32>
    %mul3A_98 = arith.mulf %div3A_97, %div3A_97 : vector<256x128xf32>
    %mul3A_99 = arith.constant 7.93650805E-4 : f32
    %mul3A_100 = vector.broadcast %mul3A_99 : f32 to vector<256x128xf32>
    %mul3A_101 = arith.mulf %mul3A_98, %mul3A_100 : vector<256x128xf32>
    %add3A_102 = arith.constant -0.00277777785 : f32
    %add3A_103 = vector.broadcast %add3A_102 : f32 to vector<256x128xf32>
    %add3A_104 = arith.addf %add3A_103, %mul3A_101 : vector<256x128xf32>
    %mul3A_105 = arith.mulf %mul3A_98, %add3A_104 : vector<256x128xf32>
    %add3A_106 = arith.constant 0.0833333358 : f32
    %add3A_107 = vector.broadcast %add3A_106 : f32 to vector<256x128xf32>
    %add3A_108 = arith.addf %add3A_107, %mul3A_105 : vector<256x128xf32>
    %mul3A_109 = arith.mulf %div3A_97, %add3A_108 : vector<256x128xf32>
    %sub3A_110 = arith.constant 5.000000e-01 : f32
    %sub3A_111 = vector.broadcast %sub3A_110 : f32 to vector<256x128xf32>
    %sub3A_112 = arith.subf %add3A_94, %sub3A_111 : vector<256x128xf32>
    %log3A_113 = math.log %add3A_94 : vector<256x128xf32>
    %mul3A_114 = arith.mulf %sub3A_112, %log3A_113 : vector<256x128xf32>
    %sub3A_115 = arith.subf %mul3A_114, %add3A_94 : vector<256x128xf32>
    %add3A_116 = arith.constant 0.918938517 : f32
    %add3A_117 = vector.broadcast %add3A_116 : f32 to vector<256x128xf32>
    %add3A_118 = arith.addf %sub3A_115, %add3A_117 : vector<256x128xf32>
    %add3A_119 = arith.addf %add3A_118, %mul3A_109 : vector<256x128xf32>
    %add3A_120 = arith.constant 1.000000e+00 : f32
    %add3A_121 = vector.broadcast %add3A_120 : f32 to vector<256x128xf32>
    %add3A_122 = arith.addf %min3A_23, %add3A_121 : vector<256x128xf32>
    %mul3A_123 = arith.mulf %min3A_23, %add3A_122 : vector<256x128xf32>
    %add3A_124 = arith.constant 2.000000e+00 : f32
    %add3A_125 = vector.broadcast %add3A_124 : f32 to vector<256x128xf32>
    %add3A_126 = arith.addf %min3A_23, %add3A_125 : vector<256x128xf32>
    %mul3A_127 = arith.mulf %mul3A_123, %add3A_126 : vector<256x128xf32>
    %log3A_128 = math.log %mul3A_127 : vector<256x128xf32>
    %sub3A_129 = arith.subf %add3A_119, %log3A_128 : vector<256x128xf32>
    %add3A_130 = arith.addf %sub3A_91, %sub3A_129 : vector<256x128xf32>
    %add3A_131 = arith.constant 2.000000e+00 : f32
    %add3A_132 = vector.broadcast %add3A_131 : f32 to vector<256x128xf32>
    %add3A_133 = arith.addf %add3A_56, %add3A_132 : vector<256x128xf32>
    %div3A_134 = arith.constant 1.000000e+00 : f32
    %div3A_135 = vector.broadcast %div3A_134 : f32 to vector<256x128xf32>
    %div3A_136 = arith.divf %div3A_135, %add3A_133 : vector<256x128xf32>
    %mul3A_137 = arith.mulf %div3A_136, %div3A_136 : vector<256x128xf32>
    %mul3A_138 = arith.constant 7.93650805E-4 : f32
    %mul3A_139 = vector.broadcast %mul3A_138 : f32 to vector<256x128xf32>
    %mul3A_140 = arith.mulf %mul3A_137, %mul3A_139 : vector<256x128xf32>
    %add3A_141 = arith.constant -0.00277777785 : f32
    %add3A_142 = vector.broadcast %add3A_141 : f32 to vector<256x128xf32>
    %add3A_143 = arith.addf %add3A_142, %mul3A_140 : vector<256x128xf32>
    %mul3A_144 = arith.mulf %mul3A_137, %add3A_143 : vector<256x128xf32>
    %add3A_145 = arith.constant 0.0833333358 : f32
    %add3A_146 = vector.broadcast %add3A_145 : f32 to vector<256x128xf32>
    %add3A_147 = arith.addf %add3A_146, %mul3A_144 : vector<256x128xf32>
    %mul3A_148 = arith.mulf %div3A_136, %add3A_147 : vector<256x128xf32>
    %sub3A_149 = arith.constant 5.000000e-01 : f32
    %sub3A_150 = vector.broadcast %sub3A_149 : f32 to vector<256x128xf32>
    %sub3A_151 = arith.subf %add3A_133, %sub3A_150 : vector<256x128xf32>
    %log3A_152 = math.log %add3A_133 : vector<256x128xf32>
    %mul3A_153 = arith.mulf %sub3A_151, %log3A_152 : vector<256x128xf32>
    %sub3A_154 = arith.subf %mul3A_153, %add3A_133 : vector<256x128xf32>
    %add3A_155 = arith.constant 0.918938517 : f32
    %add3A_156 = vector.broadcast %add3A_155 : f32 to vector<256x128xf32>
    %add3A_157 = arith.addf %sub3A_154, %add3A_156 : vector<256x128xf32>
    %add3A_158 = arith.addf %add3A_157, %mul3A_148 : vector<256x128xf32>
    %add3A_159 = arith.constant 1.000000e+00 : f32
    %add3A_160 = vector.broadcast %add3A_159 : f32 to vector<256x128xf32>
    %add3A_161 = arith.addf %add3A_56, %add3A_160 : vector<256x128xf32>
    %mul3A_162 = arith.mulf %add3A_56, %add3A_161 : vector<256x128xf32>
    %log3A_163 = math.log %mul3A_162 : vector<256x128xf32>
    %sub3A_164 = arith.subf %add3A_158, %log3A_163 : vector<256x128xf32>
    %sub3A_165 = arith.subf %add3A_130, %sub3A_164 : vector<256x128xf32>
    %add3A_166 = arith.constant 3.000000e+00 : f32
    %add3A_167 = vector.broadcast %add3A_166 : f32 to vector<256x128xf32>
    %add3A_168 = arith.addf %min3A_39, %add3A_167 : vector<256x128xf32>
    %div3A_169 = arith.constant 1.000000e+00 : f32
    %div3A_170 = vector.broadcast %div3A_169 : f32 to vector<256x128xf32>
    %div3A_171 = arith.divf %div3A_170, %add3A_168 : vector<256x128xf32>
    %mul3A_172 = arith.mulf %div3A_171, %div3A_171 : vector<256x128xf32>
    %mul3A_173 = arith.constant 7.93650805E-4 : f32
    %mul3A_174 = vector.broadcast %mul3A_173 : f32 to vector<256x128xf32>
    %mul3A_175 = arith.mulf %mul3A_172, %mul3A_174 : vector<256x128xf32>
    %add3A_176 = arith.constant -0.00277777785 : f32
    %add3A_177 = vector.broadcast %add3A_176 : f32 to vector<256x128xf32>
    %add3A_178 = arith.addf %add3A_177, %mul3A_175 : vector<256x128xf32>
    %mul3A_179 = arith.mulf %mul3A_172, %add3A_178 : vector<256x128xf32>
    %add3A_180 = arith.constant 0.0833333358 : f32
    %add3A_181 = vector.broadcast %add3A_180 : f32 to vector<256x128xf32>
    %add3A_182 = arith.addf %add3A_181, %mul3A_179 : vector<256x128xf32>
    %mul3A_183 = arith.mulf %div3A_171, %add3A_182 : vector<256x128xf32>
    %sub3A_184 = arith.constant 5.000000e-01 : f32
    %sub3A_185 = vector.broadcast %sub3A_184 : f32 to vector<256x128xf32>
    %sub3A_186 = arith.subf %add3A_168, %sub3A_185 : vector<256x128xf32>
    %log3A_187 = math.log %add3A_168 : vector<256x128xf32>
    %mul3A_188 = arith.mulf %sub3A_186, %log3A_187 : vector<256x128xf32>
    %sub3A_189 = arith.subf %mul3A_188, %add3A_168 : vector<256x128xf32>
    %add3A_190 = arith.constant 0.918938517 : f32
    %add3A_191 = vector.broadcast %add3A_190 : f32 to vector<256x128xf32>
    %add3A_192 = arith.addf %sub3A_189, %add3A_191 : vector<256x128xf32>
    %add3A_193 = arith.addf %add3A_192, %mul3A_183 : vector<256x128xf32>
    %add3A_194 = arith.constant 1.000000e+00 : f32
    %add3A_195 = vector.broadcast %add3A_194 : f32 to vector<256x128xf32>
    %add3A_196 = arith.addf %min3A_39, %add3A_195 : vector<256x128xf32>
    %mul3A_197 = arith.mulf %min3A_39, %add3A_196 : vector<256x128xf32>
    %add3A_198 = arith.constant 2.000000e+00 : f32
    %add3A_199 = vector.broadcast %add3A_198 : f32 to vector<256x128xf32>
    %add3A_200 = arith.addf %min3A_39, %add3A_199 : vector<256x128xf32>
    %mul3A_201 = arith.mulf %mul3A_197, %add3A_200 : vector<256x128xf32>
    %log3A_202 = math.log %mul3A_201 : vector<256x128xf32>
    %sub3A_203 = arith.subf %add3A_193, %log3A_202 : vector<256x128xf32>
    %add3A_204 = arith.constant 3.000000e+00 : f32
    %add3A_205 = vector.broadcast %add3A_204 : f32 to vector<256x128xf32>
    %add3A_206 = arith.addf %min3A_55, %add3A_205 : vector<256x128xf32>
    %div3A_207 = arith.constant 1.000000e+00 : f32
    %div3A_208 = vector.broadcast %div3A_207 : f32 to vector<256x128xf32>
    %div3A_209 = arith.divf %div3A_208, %add3A_206 : vector<256x128xf32>
    %mul3A_210 = arith.mulf %div3A_209, %div3A_209 : vector<256x128xf32>
    %mul3A_211 = arith.constant 7.93650805E-4 : f32
    %mul3A_212 = vector.broadcast %mul3A_211 : f32 to vector<256x128xf32>
    %mul3A_213 = arith.mulf %mul3A_210, %mul3A_212 : vector<256x128xf32>
    %add3A_214 = arith.constant -0.00277777785 : f32
    %add3A_215 = vector.broadcast %add3A_214 : f32 to vector<256x128xf32>
    %add3A_216 = arith.addf %add3A_215, %mul3A_213 : vector<256x128xf32>
    %mul3A_217 = arith.mulf %mul3A_210, %add3A_216 : vector<256x128xf32>
    %add3A_218 = arith.constant 0.0833333358 : f32
    %add3A_219 = vector.broadcast %add3A_218 : f32 to vector<256x128xf32>
    %add3A_220 = arith.addf %add3A_219, %mul3A_217 : vector<256x128xf32>
    %mul3A_221 = arith.mulf %div3A_209, %add3A_220 : vector<256x128xf32>
    %sub3A_222 = arith.constant 5.000000e-01 : f32
    %sub3A_223 = vector.broadcast %sub3A_222 : f32 to vector<256x128xf32>
    %sub3A_224 = arith.subf %add3A_206, %sub3A_223 : vector<256x128xf32>
    %log3A_225 = math.log %add3A_206 : vector<256x128xf32>
    %mul3A_226 = arith.mulf %sub3A_224, %log3A_225 : vector<256x128xf32>
    %sub3A_227 = arith.subf %mul3A_226, %add3A_206 : vector<256x128xf32>
    %add3A_228 = arith.constant 0.918938517 : f32
    %add3A_229 = vector.broadcast %add3A_228 : f32 to vector<256x128xf32>
    %add3A_230 = arith.addf %sub3A_227, %add3A_229 : vector<256x128xf32>
    %add3A_231 = arith.addf %add3A_230, %mul3A_221 : vector<256x128xf32>
    %add3A_232 = arith.constant 1.000000e+00 : f32
    %add3A_233 = vector.broadcast %add3A_232 : f32 to vector<256x128xf32>
    %add3A_234 = arith.addf %min3A_55, %add3A_233 : vector<256x128xf32>
    %mul3A_235 = arith.mulf %min3A_55, %add3A_234 : vector<256x128xf32>
    %add3A_236 = arith.constant 2.000000e+00 : f32
    %add3A_237 = vector.broadcast %add3A_236 : f32 to vector<256x128xf32>
    %add3A_238 = arith.addf %min3A_55, %add3A_237 : vector<256x128xf32>
    %mul3A_239 = arith.mulf %mul3A_235, %add3A_238 : vector<256x128xf32>
    %log3A_240 = math.log %mul3A_239 : vector<256x128xf32>
    %sub3A_241 = arith.subf %add3A_231, %log3A_240 : vector<256x128xf32>
    %add3A_242 = arith.addf %sub3A_203, %sub3A_241 : vector<256x128xf32>
    %add3A_243 = arith.constant 2.000000e+00 : f32
    %add3A_244 = vector.broadcast %add3A_243 : f32 to vector<256x128xf32>
    %add3A_245 = arith.addf %add3A_57, %add3A_244 : vector<256x128xf32>
    %div3A_246 = arith.constant 1.000000e+00 : f32
    %div3A_247 = vector.broadcast %div3A_246 : f32 to vector<256x128xf32>
    %div3A_248 = arith.divf %div3A_247, %add3A_245 : vector<256x128xf32>
    %mul3A_249 = arith.mulf %div3A_248, %div3A_248 : vector<256x128xf32>
    %mul3A_250 = arith.constant 7.93650805E-4 : f32
    %mul3A_251 = vector.broadcast %mul3A_250 : f32 to vector<256x128xf32>
    %mul3A_252 = arith.mulf %mul3A_249, %mul3A_251 : vector<256x128xf32>
    %add3A_253 = arith.constant -0.00277777785 : f32
    %add3A_254 = vector.broadcast %add3A_253 : f32 to vector<256x128xf32>
    %add3A_255 = arith.addf %add3A_254, %mul3A_252 : vector<256x128xf32>
    %mul3A_256 = arith.mulf %mul3A_249, %add3A_255 : vector<256x128xf32>
    %add3A_257 = arith.constant 0.0833333358 : f32
    %add3A_258 = vector.broadcast %add3A_257 : f32 to vector<256x128xf32>
    %add3A_259 = arith.addf %add3A_258, %mul3A_256 : vector<256x128xf32>
    %mul3A_260 = arith.mulf %div3A_248, %add3A_259 : vector<256x128xf32>
    %sub3A_261 = arith.constant 5.000000e-01 : f32
    %sub3A_262 = vector.broadcast %sub3A_261 : f32 to vector<256x128xf32>
    %sub3A_263 = arith.subf %add3A_245, %sub3A_262 : vector<256x128xf32>
    %log3A_264 = math.log %add3A_245 : vector<256x128xf32>
    %mul3A_265 = arith.mulf %sub3A_263, %log3A_264 : vector<256x128xf32>
    %sub3A_266 = arith.subf %mul3A_265, %add3A_245 : vector<256x128xf32>
    %add3A_267 = arith.constant 0.918938517 : f32
    %add3A_268 = vector.broadcast %add3A_267 : f32 to vector<256x128xf32>
    %add3A_269 = arith.addf %sub3A_266, %add3A_268 : vector<256x128xf32>
    %add3A_270 = arith.addf %add3A_269, %mul3A_260 : vector<256x128xf32>
    %add3A_271 = arith.constant 1.000000e+00 : f32
    %add3A_272 = vector.broadcast %add3A_271 : f32 to vector<256x128xf32>
    %add3A_273 = arith.addf %add3A_57, %add3A_272 : vector<256x128xf32>
    %mul3A_274 = arith.mulf %add3A_57, %add3A_273 : vector<256x128xf32>
    %log3A_275 = math.log %mul3A_274 : vector<256x128xf32>
    %sub3A_276 = arith.subf %add3A_270, %log3A_275 : vector<256x128xf32>
    %sub3A_277 = arith.subf %add3A_242, %sub3A_276 : vector<256x128xf32>
    %sub3A_278 = arith.subf %sub3A_277, %sub3A_165 : vector<256x128xf32>
    %sub3A_279 = arith.subf %min3A_7, %min3A_39 : vector<256x128xf32>
    %mul3A_280 = arith.constant 3.000000e+00 : f32
    %mul3A_281 = vector.broadcast %mul3A_280 : f32 to vector<256x128xf32>
    %mul3A_282 = arith.mulf %mul3A_281, %min3A_7 : vector<256x128xf32>
    %mul3A_283 = arith.mulf %mul3A_282, %min3A_7 : vector<256x128xf32>
    %mul3A_284 = arith.constant 6.000000e+00 : f32
    %mul3A_285 = vector.broadcast %mul3A_284 : f32 to vector<256x128xf32>
    %mul3A_286 = arith.mulf %mul3A_285, %min3A_7 : vector<256x128xf32>
    %add3A_287 = arith.addf %mul3A_283, %mul3A_286 : vector<256x128xf32>
    %add3A_288 = arith.constant 2.000000e+00 : f32
    %add3A_289 = vector.broadcast %add3A_288 : f32 to vector<256x128xf32>
    %add3A_290 = arith.addf %add3A_287, %add3A_289 : vector<256x128xf32>
    %add3A_291 = arith.constant 1.000000e+00 : f32
    %add3A_292 = vector.broadcast %add3A_291 : f32 to vector<256x128xf32>
    %add3A_293 = arith.addf %min3A_7, %add3A_292 : vector<256x128xf32>
    %mul3A_294 = arith.mulf %min3A_7, %add3A_293 : vector<256x128xf32>
    %add3A_295 = arith.constant 2.000000e+00 : f32
    %add3A_296 = vector.broadcast %add3A_295 : f32 to vector<256x128xf32>
    %add3A_297 = arith.addf %min3A_7, %add3A_296 : vector<256x128xf32>
    %mul3A_298 = arith.mulf %mul3A_294, %add3A_297 : vector<256x128xf32>
    %add3A_299 = arith.constant 3.000000e+00 : f32
    %add3A_300 = vector.broadcast %add3A_299 : f32 to vector<256x128xf32>
    %add3A_301 = arith.addf %min3A_7, %add3A_300 : vector<256x128xf32>
    %div3A_302 = arith.constant 1.000000e+00 : f32
    %div3A_303 = vector.broadcast %div3A_302 : f32 to vector<256x128xf32>
    %div3A_304 = arith.divf %div3A_303, %add3A_301 : vector<256x128xf32>
    %mul3A_305 = arith.mulf %div3A_304, %div3A_304 : vector<256x128xf32>
    %log3A_306 = math.log %add3A_301 : vector<256x128xf32>
    %mul3A_307 = arith.constant 5.000000e-01 : f32
    %mul3A_308 = vector.broadcast %mul3A_307 : f32 to vector<256x128xf32>
    %mul3A_309 = arith.mulf %mul3A_308, %div3A_304 : vector<256x128xf32>
    %sub3A_310 = arith.subf %log3A_306, %mul3A_309 : vector<256x128xf32>
    %mul3A_311 = arith.constant 0.0039682542 : f32
    %mul3A_312 = vector.broadcast %mul3A_311 : f32 to vector<256x128xf32>
    %mul3A_313 = arith.mulf %mul3A_305, %mul3A_312 : vector<256x128xf32>
    %add3A_314 = arith.constant -0.00833333377 : f32
    %add3A_315 = vector.broadcast %add3A_314 : f32 to vector<256x128xf32>
    %add3A_316 = arith.addf %add3A_315, %mul3A_313 : vector<256x128xf32>
    %mul3A_317 = arith.mulf %mul3A_305, %add3A_316 : vector<256x128xf32>
    %add3A_318 = arith.constant 0.0833333358 : f32
    %add3A_319 = vector.broadcast %add3A_318 : f32 to vector<256x128xf32>
    %add3A_320 = arith.addf %add3A_319, %mul3A_317 : vector<256x128xf32>
    %mul3A_321 = arith.mulf %mul3A_305, %add3A_320 : vector<256x128xf32>
    %sub3A_322 = arith.subf %sub3A_310, %mul3A_321 : vector<256x128xf32>
    %div3A_323 = arith.divf %add3A_290, %mul3A_298 : vector<256x128xf32>
    %sub3A_324 = arith.subf %sub3A_322, %div3A_323 : vector<256x128xf32>
    %mul3A_325 = arith.mulf %sub3A_279, %sub3A_324 : vector<256x128xf32>
    %add3A_326 = arith.addf %sub3A_278, %mul3A_325 : vector<256x128xf32>
    %sub3A_327 = arith.subf %min3A_23, %min3A_55 : vector<256x128xf32>
    %mul3A_328 = arith.constant 3.000000e+00 : f32
    %mul3A_329 = vector.broadcast %mul3A_328 : f32 to vector<256x128xf32>
    %mul3A_330 = arith.mulf %mul3A_329, %min3A_23 : vector<256x128xf32>
    %mul3A_331 = arith.mulf %mul3A_330, %min3A_23 : vector<256x128xf32>
    %mul3A_332 = arith.constant 6.000000e+00 : f32
    %mul3A_333 = vector.broadcast %mul3A_332 : f32 to vector<256x128xf32>
    %mul3A_334 = arith.mulf %mul3A_333, %min3A_23 : vector<256x128xf32>
    %add3A_335 = arith.addf %mul3A_331, %mul3A_334 : vector<256x128xf32>
    %add3A_336 = arith.constant 2.000000e+00 : f32
    %add3A_337 = vector.broadcast %add3A_336 : f32 to vector<256x128xf32>
    %add3A_338 = arith.addf %add3A_335, %add3A_337 : vector<256x128xf32>
    %add3A_339 = arith.constant 1.000000e+00 : f32
    %add3A_340 = vector.broadcast %add3A_339 : f32 to vector<256x128xf32>
    %add3A_341 = arith.addf %min3A_23, %add3A_340 : vector<256x128xf32>
    %mul3A_342 = arith.mulf %min3A_23, %add3A_341 : vector<256x128xf32>
    %add3A_343 = arith.constant 2.000000e+00 : f32
    %add3A_344 = vector.broadcast %add3A_343 : f32 to vector<256x128xf32>
    %add3A_345 = arith.addf %min3A_23, %add3A_344 : vector<256x128xf32>
    %mul3A_346 = arith.mulf %mul3A_342, %add3A_345 : vector<256x128xf32>
    %add3A_347 = arith.constant 3.000000e+00 : f32
    %add3A_348 = vector.broadcast %add3A_347 : f32 to vector<256x128xf32>
    %add3A_349 = arith.addf %min3A_23, %add3A_348 : vector<256x128xf32>
    %div3A_350 = arith.constant 1.000000e+00 : f32
    %div3A_351 = vector.broadcast %div3A_350 : f32 to vector<256x128xf32>
    %div3A_352 = arith.divf %div3A_351, %add3A_349 : vector<256x128xf32>
    %mul3A_353 = arith.mulf %div3A_352, %div3A_352 : vector<256x128xf32>
    %log3A_354 = math.log %add3A_349 : vector<256x128xf32>
    %mul3A_355 = arith.constant 5.000000e-01 : f32
    %mul3A_356 = vector.broadcast %mul3A_355 : f32 to vector<256x128xf32>
    %mul3A_357 = arith.mulf %mul3A_356, %div3A_352 : vector<256x128xf32>
    %sub3A_358 = arith.subf %log3A_354, %mul3A_357 : vector<256x128xf32>
    %mul3A_359 = arith.constant 0.0039682542 : f32
    %mul3A_360 = vector.broadcast %mul3A_359 : f32 to vector<256x128xf32>
    %mul3A_361 = arith.mulf %mul3A_353, %mul3A_360 : vector<256x128xf32>
    %add3A_362 = arith.constant -0.00833333377 : f32
    %add3A_363 = vector.broadcast %add3A_362 : f32 to vector<256x128xf32>
    %add3A_364 = arith.addf %add3A_363, %mul3A_361 : vector<256x128xf32>
    %mul3A_365 = arith.mulf %mul3A_353, %add3A_364 : vector<256x128xf32>
    %add3A_366 = arith.constant 0.0833333358 : f32
    %add3A_367 = vector.broadcast %add3A_366 : f32 to vector<256x128xf32>
    %add3A_368 = arith.addf %add3A_367, %mul3A_365 : vector<256x128xf32>
    %mul3A_369 = arith.mulf %mul3A_353, %add3A_368 : vector<256x128xf32>
    %sub3A_370 = arith.subf %sub3A_358, %mul3A_369 : vector<256x128xf32>
    %div3A_371 = arith.divf %add3A_338, %mul3A_346 : vector<256x128xf32>
    %sub3A_372 = arith.subf %sub3A_370, %div3A_371 : vector<256x128xf32>
    %mul3A_373 = arith.mulf %sub3A_327, %sub3A_372 : vector<256x128xf32>
    %add3A_374 = arith.addf %add3A_326, %mul3A_373 : vector<256x128xf32>
    %sub3A_375 = arith.subf %min3A_39, %min3A_7 : vector<256x128xf32>
    %add3A_376 = arith.addf %sub3A_375, %min3A_55 : vector<256x128xf32>
    %sub3A_377 = arith.subf %add3A_376, %min3A_23 : vector<256x128xf32>
    %add3A_378 = arith.constant 2.000000e+00 : f32
    %add3A_379 = vector.broadcast %add3A_378 : f32 to vector<256x128xf32>
    %add3A_380 = arith.addf %add3A_56, %add3A_379 : vector<256x128xf32>
    %div3A_381 = arith.constant 1.000000e+00 : f32
    %div3A_382 = vector.broadcast %div3A_381 : f32 to vector<256x128xf32>
    %div3A_383 = arith.divf %div3A_382, %add3A_380 : vector<256x128xf32>
    %mul3A_384 = arith.mulf %div3A_383, %div3A_383 : vector<256x128xf32>
    %log3A_385 = math.log %add3A_380 : vector<256x128xf32>
    %mul3A_386 = arith.constant 5.000000e-01 : f32
    %mul3A_387 = vector.broadcast %mul3A_386 : f32 to vector<256x128xf32>
    %mul3A_388 = arith.mulf %mul3A_387, %div3A_383 : vector<256x128xf32>
    %sub3A_389 = arith.subf %log3A_385, %mul3A_388 : vector<256x128xf32>
    %mul3A_390 = arith.constant 0.0039682542 : f32
    %mul3A_391 = vector.broadcast %mul3A_390 : f32 to vector<256x128xf32>
    %mul3A_392 = arith.mulf %mul3A_384, %mul3A_391 : vector<256x128xf32>
    %add3A_393 = arith.constant -0.00833333377 : f32
    %add3A_394 = vector.broadcast %add3A_393 : f32 to vector<256x128xf32>
    %add3A_395 = arith.addf %add3A_394, %mul3A_392 : vector<256x128xf32>
    %mul3A_396 = arith.mulf %mul3A_384, %add3A_395 : vector<256x128xf32>
    %add3A_397 = arith.constant 0.0833333358 : f32
    %add3A_398 = vector.broadcast %add3A_397 : f32 to vector<256x128xf32>
    %add3A_399 = arith.addf %add3A_398, %mul3A_396 : vector<256x128xf32>
    %mul3A_400 = arith.mulf %mul3A_384, %add3A_399 : vector<256x128xf32>
    %sub3A_401 = arith.subf %sub3A_389, %mul3A_400 : vector<256x128xf32>
    %mul3A_402 = arith.constant 2.000000e+00 : f32
    %mul3A_403 = vector.broadcast %mul3A_402 : f32 to vector<256x128xf32>
    %mul3A_404 = arith.mulf %mul3A_403, %add3A_56 : vector<256x128xf32>
    %add3A_405 = arith.constant 1.000000e+00 : f32
    %add3A_406 = vector.broadcast %add3A_405 : f32 to vector<256x128xf32>
    %add3A_407 = arith.addf %mul3A_404, %add3A_406 : vector<256x128xf32>
    %add3A_408 = arith.constant 1.000000e+00 : f32
    %add3A_409 = vector.broadcast %add3A_408 : f32 to vector<256x128xf32>
    %add3A_410 = arith.addf %add3A_56, %add3A_409 : vector<256x128xf32>
    %mul3A_411 = arith.mulf %add3A_56, %add3A_410 : vector<256x128xf32>
    %div3A_412 = arith.divf %add3A_407, %mul3A_411 : vector<256x128xf32>
    %sub3A_413 = arith.subf %sub3A_401, %div3A_412 : vector<256x128xf32>
    %mul3A_414 = arith.mulf %sub3A_377, %sub3A_413 : vector<256x128xf32>
    %add3A_415 = arith.addf %add3A_374, %mul3A_414 : vector<256x128xf32>
    %abs3A = math.absf %add3A_415 : vector<256x128xf32>
    %atan23A = arith.constant 1.000000e+00 : f32
    %atan23A_416 = vector.broadcast %atan23A : f32 to vector<256x128xf32>
    %atan23A_417 = math.atan2 %abs3A, %atan23A_416 : vector<256x128xf32>
    %mul3A_418 = arith.constant 0.636619746 : f32
    %mul3A_419 = vector.broadcast %mul3A_418 : f32 to vector<256x128xf32>
    %mul3A_420 = arith.mulf %atan23A_417, %mul3A_419 : vector<256x128xf32>
    %iota3A = tpu.iota {dimensions = array<i32: 0>} : vector<128x8xi32>
    %iota3A_421 = tpu.iota {dimensions = array<i32: 1>} : vector<128x8xi32>
    %jit3A_422 = arith.constant 16 : i32
    %div3A_423 = vector.broadcast %jit3A_422 : i32 to vector<128x8xi32>
    %div3A_424 = arith.divsi %iota3A, %div3A_423 : vector<128x8xi32>
    %sign3A = arith.constant 0 : i32
    %sign3A_425 = vector.broadcast %sign3A : i32 to vector<128x8xi32>
    %sign3A_426 = arith.cmpi sgt, %iota3A, %sign3A_425 : vector<128x8xi32>
    %sign3A_427 = arith.extui %sign3A_426 : vector<128x8xi1> to vector<128x8xi32>
    %sign3A_428 = arith.constant 0 : i32
    %sign3A_429 = vector.broadcast %sign3A_428 : i32 to vector<128x8xi32>
    %sign3A_430 = arith.cmpi slt, %iota3A, %sign3A_429 : vector<128x8xi32>
    %sign3A_431 = arith.extui %sign3A_430 : vector<128x8xi1> to vector<128x8xi32>
    %sign3A_432 = arith.subi %sign3A_427, %sign3A_431 : vector<128x8xi32>
    %sign3A_433 = arith.constant 0 : i32
    %sign3A_434 = arith.cmpi sgt, %jit3A_422, %sign3A_433 : i32
    %sign3A_435 = arith.extui %sign3A_434 : i1 to i32
    %sign3A_436 = arith.constant 0 : i32
    %sign3A_437 = arith.cmpi slt, %jit3A_422, %sign3A_436 : i32
    %sign3A_438 = arith.extui %sign3A_437 : i1 to i32
    %sign3A_439 = arith.subi %sign3A_435, %sign3A_438 : i32
    %ne3A_440 = vector.broadcast %sign3A_439 : i32 to vector<128x8xi32>
    %ne3A_441 = arith.cmpi ne, %sign3A_432, %ne3A_440 : vector<128x8xi32>
    %rem3A = vector.broadcast %jit3A_422 : i32 to vector<128x8xi32>
    %rem3A_442 = arith.remsi %iota3A, %rem3A : vector<128x8xi32>
    %ne3A_443 = arith.constant 0 : i32
    %ne3A_444 = vector.broadcast %ne3A_443 : i32 to vector<128x8xi32>
    %ne3A_445 = arith.cmpi ne, %rem3A_442, %ne3A_444 : vector<128x8xi32>
    %and3A = arith.andi %ne3A_441, %ne3A_445 : vector<128x8xi1>
    %sub3A_446 = arith.constant 1 : i32
    %sub3A_447 = vector.broadcast %sub3A_446 : i32 to vector<128x8xi32>
    %sub3A_448 = arith.subi %div3A_424, %sub3A_447 : vector<128x8xi32>
    %select_n3A_449 = arith.select %and3A, %sub3A_448, %div3A_424 : vector<128x8xi1>, vector<128x8xi32>
    %eq3A = arith.cmpi eq, %select_n3A_449, %iota3A_421 : vector<128x8xi32>
    %jit3A_450 = arith.constant 1.000000e+00 : f32
    %jit3A_451 = arith.constant 0.000000e+00 : f32
    %broadcast_in_dim3A_452 = vector.broadcast %jit3A_450 : f32 to vector<128x8xf32>
    %broadcast_in_dim3A_453 = vector.broadcast %jit3A_451 : f32 to vector<128x8xf32>
    %select_n3A_454 = arith.select %eq3A, %broadcast_in_dim3A_452, %broadcast_in_dim3A_453 : vector<128x8xi1>, vector<128x8xf32>
    %dot_general3A = arith.constant dense<0.000000e+00> : vector<256x8xf32>
    %dot_general3A_455 = tpu.matmul %mul3A_420, %select_n3A_454, %dot_general3A {dimension_numbers = #tpu.dot_dimension_numbers<[1], [0], [0], [1], [0, 0, 1, 1], [], []>, transpose_lhs_hint = false} : vector<256x128xf32>, vector<128x8xf32>, vector<256x8xf32> -> vector<256x8xf32>
    %get3A_456 = arith.constant 0 : index
    %get3A_457 = arith.constant 0 : index
    %get3A_458 = vector.load %arg5[%get3A_456, %get3A_457] : memref<256x8xf32, #tpu.memory_space<vmem>>, vector<256x8xf32>
    %get3A_459 = arith.constant 0 : index
    %get3A_460 = arith.constant 0 : index
    %get3A_461 = vector.load %arg6[%get3A_459, %get3A_460] : memref<256x8xf32, #tpu.memory_space<vmem>>, vector<256x8xf32>
    %add3A_462 = arith.addf %get3A_458, %get3A_461 : vector<256x8xf32>
    %sub3A_463 = arith.subf %add3A_462, %dot_general3A_455 : vector<256x8xf32>
    %swap3A = arith.constant 0 : index
    %swap3A_464 = arith.constant 0 : index
    %swap3A_465 = vector.load %arg7[%swap3A, %swap3A_464] : memref<256x8xf32, #tpu.memory_space<vmem>>, vector<256x8xf32>
    tpu.vector_store %arg7[%swap3A, %swap3A_464], %sub3A_463 {strides = array<i32>} : memref<256x8xf32, #tpu.memory_space<vmem>>, vector<256x8xf32>,
    return
  }
  func.func @transform_0(%arg0: i32) -> (i32, i32) {
    %c0_i32 = arith.constant 0 : i32
    %c0_i32_0 = arith.constant 0 : i32
    return %arg0, %c0_i32 : i32, i32
  }
  func.func @transform_1(%arg0: i32) -> (i32, i32) {
    %c0_i32 = arith.constant 0 : i32
    %c0_i32_0 = arith.constant 0 : i32
    return %arg0, %c0_i32 : i32, i32
  }
  func.func @transform_2(%arg0: i32) -> (i32, i32) {
    %c0_i32 = arith.constant 0 : i32
    %c0_i32_0 = arith.constant 0 : i32
    return %arg0, %c0_i32 : i32, i32
  }
  func.func @transform_3(%arg0: i32) -> (i32, i32) {
    %c0_i32 = arith.constant 0 : i32
    %c0_i32_0 = arith.constant 0 : i32
    return %arg0, %c0_i32 : i32, i32
  }
  func.func @transform_4(%arg0: i32) -> (i32, i32) {
    %c0_i32 = arith.constant 0 : i32
    %c0_i32_0 = arith.constant 0 : i32
    return %arg0, %c0_i32 : i32, i32
  }
  func.func @transform_5(%arg0: i32) -> (i32, i32) {
    %c0_i32 = arith.constant 0 : i32
    %c0_i32_0 = arith.constant 0 : i32
    return %arg0, %c0_i32 : i32, i32
  }
  func.func @transform_6(%arg0: i32) -> (i32, i32) {
    %c0_i32 = arith.constant 0 : i32
    %c0_i32_0 = arith.constant 0 : i32
    return %arg0, %c0_i32 : i32, i32
  }
}

</mosaic_0001>

<sc_bundles>
// kernel: kernel.4.cloned.1.call-start
scs
__scs_entry_jumppad:
0x0: {  	(pc) =	sbr.rel $0x88, $3  }
0x1: {  	(tag) =	ssettag $0x0;
	lr =	simm.s32 $0x1  }
0x2: {  	[smem:$0x3F9C] =	sst lr;
	_ =	strace $0xD0000000  }
0x3: {  	_ = 	snop  }
0x4: {  	_ = 	snop  }
0x5: {  	_ = 	snop  }
0x6: {  	_ = 	snop  }
0x7: {  	_ = 	snop  }
__scs_overlays_trampoline_lowered:
0x8: {  	[smem:$0x3FAB] =	sst s0  }
0x9: {  	[smem:$0x3FAC] =	sst s1  }
0xa: {  	[smem:$0x3FAD] =	sst s2  }
0xb: {  	[smem:$0x3FAE] =	sst s3  }
0xc: {  	[smem:$0x3FAF] =	sst s4  }
0xd: {  	[smem:$0x3FB0] =	sst s5  }
0xe: {  	[smem:$0x3FB1] =	sst s6  }
0xf: {  	[smem:$0x3FB2] =	sst s7  }
0x10: {  	[smem:$0x3FB3] =	sst s8  }
0x11: {  	[smem:$0x3FB4] =	sst s9;
	s0 =	simm.s32 @!p0 $0x0  }
0x12: {  	s1 =	sld [smem:$0x3F9A];
	s0 =	simm.s32 @p0 $0x1  }
0x13: {  	[smem:$0x3FB5] =	sst s0;
	s0 =	simm.s32 @!p1 $0x0  }
0x14: {  	s2 =	sld [smem:$0x3F99];
	s0 =	simm.s32 @p1 $0x1  }
0x15: {  	[smem:$0x3FB6] =	sst s0;
	s0 =	simm.s32 @!p2 $0x0  }
0x16: {  	s3 =	sld [smem:$0x3FDB];
	s0 =	simm.s32 @p2 $0x1  }
0x17: {  	s4 =	simm.s32 $0x1BF5;
	[smem:$0x3FB8] =	sst s0  }
0x18: {  	s0 =	sld [smem:$0x3F9B];
	_ =	swait.ge [sflag:s4], $0x0  }
0x19: {  	s7 =	sld [smem:$0x3F9C]  }
0x1a: {  	s8 =	sadd.s32 $0xFFFFE003, lr  }
0x1b: {  	s9 =	sadd.s32 $0xFFFFFEF7, lr;
	s5 =	simm.s32 $0xFFFFFFFF;
	p2 =	slt.u32 s8, $0xFFFFF086  }
0x1c: {  	p1 =	slt.u32 s9, $0xF7A;
	s5 =	simm.s32 @!p2 $0x0  }
0x1d: {  	s5 =	simm.s32 @p1 $0x1;
	p0 =	seq.s32 s7, s2  }
0x1e: {  	s7 =	smul.u32 @!p0 $0xF7A, s2;
	p2 =	seq.s32 @!p0 s5, $0x0  }
0x1f: {  	s9 =	smul.u32 $0xF7A, s1;
	s8 =	simm.s32 @!p0 $0x1BF5;
	p2 =	por !p2, p0  }
0x20: {  	[sflag:s8] =	ssyncset.s32 @!p0 $0xFFFFF086;
	s6 =	sadd.s32 @!p0 s3, s7;
	s7 =	simm.s32 @!p0 $0x108  }
0x21: {  	s3 =	sadd.s32 s3, s9;
	s6 =	sadd.s32 @!p0 $0x88, s6;
	s7 =	simm.s32 @p2 $0x1082  }
0x22: {  	[simem:s7], [sflag:s8] =	dma.local @!p0 [hbm:s6], $0xF7A  }
0x23: {  	s9 =	sor.u32 $0xD0000000, s2;
	s6 =	simm.s32 $0x108;
	_ =	swait.ge @!p0 [sflag:s8], $0x0  }
0x24: {  	s3 =	sadd.s32 $0x88, s3;
	s6 =	simm.s32 @!p1 $0x1082;
	[sflag:s4] =	ssyncset.s32 $0xFFFFF086  }
0x25: {  	[simem:s6], [sflag:s4] =	dma.local [hbm:s3], $0xF7A  }
0x26: {  	[smem:$0x3F9C] =	sst s1;
	(tag) =	ssettag s2;
	_ =	strace s9  }
0x27: {  	s1 =	sld [smem:$0x3FAC]  }
0x28: {  	s2 =	sld [smem:$0x3FAD]  }
0x29: {  	s4 =	sld [smem:$0x3FAF]  }
0x2a: {  	p0 =	seq.s32 s5, $0x0;
	s5 =	sld [smem:$0x3FB0]  }
0x2b: {  	s6 =	sld [smem:$0x3FB1]  }
0x2c: {  	s7 =	sld [smem:$0x3FB2]  }
0x2d: {  	s3 =	simm.s32 $0x108;
	s8 =	sld [smem:$0x3FB3]  }
0x2e: {  	s3 =	simm.s32 @!p0 $0x1082;
	s9 =	sld [smem:$0x3FB4]  }
0x2f: {  	lr =	sadd.s32 s0, s3;
	s0 =	sld [smem:$0x3FAB]  }
0x30: {  	s3 =	sld [smem:$0x3FAE]  }
0x31: {  	[smem:$0x3FB7] =	sst s10  }
0x32: {  	s10 =	sld [smem:$0x3FB5];
	_ =	sdelay $0x3  }
0x33: {  	p0 =	seq.s32 s10, $0x1;
	s10 =	sld [smem:$0x3FB7];
	_ =	sdelay $0x3  }
0x34: {  	[smem:$0x3FB7] =	sst s10  }
0x35: {  	s10 =	sld [smem:$0x3FB6];
	_ =	sdelay $0x3  }
0x36: {  	p1 =	seq.s32 s10, $0x1;
	s10 =	sld [smem:$0x3FB7];
	_ =	sdelay $0x3  }
0x37: {  	[smem:$0x3FB7] =	sst s10  }
0x38: {  	s10 =	sld [smem:$0x3FB8]  }
0x39: {  	_ = 	snop;
	(pc) =	sbr.ind lr, $3  }
0x3a: {  	_ = 	snop  }
0x3b: {  	_ = 	snop  }
0x3c: {  	p2 =	seq.s32 s10, $0x1;
	s10 =	sld [smem:$0x3FB7]  }
0x3d: {  	_ =	shalt  }
0x3e: {  	_ =	shalt  }
0x3f: {  	_ =	shalt  }
0x40: {  	_ =	shalt  }
0x41: {  	_ =	shalt  }
0x42: {  	_ =	shalt  }
0x43: {  	_ =	shalt  }
0x44: {  	_ =	shalt  }
0x45: {  	_ =	shalt  }
0x46: {  	_ =	shalt  }
0x47: {  	_ =	shalt  }
0x48: {  	_ =	shalt  }
0x49: {  	_ =	shalt  }
0x4a: {  	_ =	shalt  }
0x4b: {  	_ =	shalt  }
0x4c: {  	_ =	shalt  }
0x4d: {  	_ =	shalt  }
0x4e: {  	_ =	shalt  }
0x4f: {  	_ =	shalt  }
0x50: {  	_ =	shalt  }
0x51: {  	_ =	shalt  }
0x52: {  	_ =	shalt  }
0x53: {  	_ =	shalt  }
0x54: {  	_ =	shalt  }
0x55: {  	_ =	shalt  }
0x56: {  	_ =	shalt  }
0x57: {  	_ =	shalt  }
0x58: {  	_ =	shalt  }
0x59: {  	_ =	shalt  }
0x5a: {  	_ =	shalt  }
0x5b: {  	_ =	shalt  }
0x5c: {  	_ =	shalt  }
0x5d: {  	_ =	shalt  }
0x5e: {  	_ =	shalt  }
0x5f: {  	_ =	shalt  }
0x60: {  	_ =	shalt  }
0x61: {  	_ =	shalt  }
0x62: {  	_ =	shalt  }
0x63: {  	_ =	shalt  }
0x64: {  	_ =	shalt  }
0x65: {  	_ =	shalt  }
0x66: {  	_ =	shalt  }
0x67: {  	_ =	shalt  }
0x68: {  	_ =	shalt  }
0x69: {  	_ =	shalt  }
0x6a: {  	_ =	shalt  }
0x6b: {  	_ =	shalt  }
0x6c: {  	_ =	shalt  }
0x6d: {  	_ =	shalt  }
0x6e: {  	_ =	shalt  }
0x6f: {  	_ =	shalt  }
0x70: {  	_ =	shalt  }
0x71: {  	_ =	shalt  }
0x72: {  	_ =	shalt  }
0x73: {  	_ =	shalt  }
0x74: {  	_ =	shalt  }
0x75: {  	_ =	shalt  }
0x76: {  	_ =	shalt  }
0x77: {  	_ =	shalt  }
0x78: {  	_ =	shalt  }
0x79: {  	_ =	shalt  }
0x7a: {  	_ =	shalt  }
0x7b: {  	_ =	shalt  }
0x7c: {  	_ =	shalt  }
0x7d: {  	_ =	shalt  }
0x7e: {  	_ =	shalt  }
0x7f: {  	_ =	shalt  }
0x80: {  	_ =	shalt  }
0x81: {  	_ =	shalt  }
0x82: {  	_ =	shalt  }
0x83: {  	_ =	shalt  }
0x84: {  	_ =	shalt  }
0x85: {  	_ =	shalt  }
0x86: {  	_ =	shalt  }
0x87: {  	_ =	shalt  }
.Lfunc_end0:
.L_simem_size_0:
called_computation_lowered:
.L_overlay_start_0:
0x88: {  	s2 =	sld [smem:$0x3FD9]  }
0x89: {  	s3 =	sld [smem:$0x3FFE];
	_ =	sdelay $0x1  }
0x8a: {  	s1 =	srdreg.scid  }
0x8b: {  	s0 =	sand.u32 $0x1, s1  }
0x8c: {  	s17 =	sshll.u32 s0, $0xA;
	s2 =	sadd.s32 s3, s2  }
0x8d: {  	s2 =	sadd.s32 s2, s17  }
0x8e: {  	[smem:$0x3FC3] =	sst s2  }
0x8f: {  	_ = 	snop  }
0x90: {  	s2 =	sld [smem:$0x3FC6]  }
0x91: {  	s18 =	sld [smem:$0x3FC5]  }
0x92: {  	s4 =	sld [smem:$0x3FD0];
	(tm) =	ssettm $0x1  }
0x93: {  	s5 =	sld [smem:$0x3FFB];
	_ =	sdelay $0x3  }
0x94: {  	_ =	strace s5  }
0x95: {  	s5 =	sld [smem:$0x3FFC];
	_ =	sdelay $0x3  }
0x96: {  	_ =	strace s5  }
0x97: {  	s5 =	sld [smem:$0x3FFD];
	_ =	sdelay $0x3  }
0x98: {  	_ =	strace s5  }
0x99: {  	_ =	strace $0x8FFFFFFF  }
0x9a: {  	s19 =	sld [smem:$0x3FDB];
	_ =	sdelay $0x1  }
0x9b: {  	s6 =	simm.s32 $_scs_section_size  }
0x9c: {  	s7 =	simm.s32 $_size__tile_overlayer_lowered;
	s8 =	simm.s32 $_tile_overlayer_lowered  }
0x9d: {  	s22 =	simm.s32 $0x1BFF;
	s21 =	sshll.u32 s8, $0x1;
	s5 =	sadd.s32 s6, s19  }
0x9e: {  	s9 =	simm.s32 $0x0;
	s20 =	sshll.u32 s7, $0x1;
	s7 =	sadd.s32 s21, s5  }
0x9f: {  	[timem:s9], [sflag:s22] =	dma.local [hbm:s7], s20  }
0xa0: {  	_ =	swait.ge [sflag:s22], s20  }
0xa1: {  	s6 =	ssub.s32 $0x0, s20;
	[sflag:s22] =	ssyncset.done $0x0  }
0xa2: {  	[sflag:s22] =	ssyncadd.s32 s6;
	_ =	sdelay $0x1  }
0xa3: {  	s23 =	simm.s32 $0x1B8B  }
0xa4: {  	_ =	swait.ge [sflag:s23], $0x1  }
0xa5: {  	[sflag:s23] =	ssyncset.done $0x0  }
0xa6: {  	s25 =	simm.s32 $0x1B8E;
	s24 =	sld [smem:$0x3FFE];
	[sflag:s23] =	ssyncadd.s32 $0xFFFFFFFF  }
0xa7: {  	s26 =	simm.s32 $execute0_lowered;
	[smem:$0x3FD2] =	sst s25  }
0xa8: {  	s7 =	sshll.u32 s26, $0x1;
	_ =	strace $0x80000046;
	[dreg:$0x1] =	wrdreg $0xFFFFFFFF  }
0xa9: {  	s28 =	simm.s32 $_size_execute0_lowered;
	s5 =	sadd.s32 s5, s7;
	[dreg:$0x0] =	wrdreg $0x0  }
0xaa: {  	s7 =	sshll.u32 s28, $0x1;
	[dreg:$0x2] =	wrdreg s5  }
0xab: {  	[dreg:$0x3] =	wrdreg s7  }
0xac: {  	[dreg:$0x4] =	wrdreg $0xC0  }
0xad: {  	_ =	task [dreg:s9], $0x5FFFF  }
0xae: {  	[dreg:$0x1] =	wrdreg $0xFFFFFFFF  }
0xaf: {  	[dreg:$0x0] =	wrdreg $0x60  }
0xb0: {  	[dreg:$0x2] =	wrdreg s24  }
0xb1: {  	[dreg:$0x3] =	wrdreg s4  }
0xb2: {  	[dreg:$0x4] =	wrdreg s2  }
0xb3: {  	[dreg:$0x5] =	wrdreg s18  }
0xb4: {  	[dreg:$0x6] =	wrdreg $0x9  }
0xb5: {  	_ =	task.clear_ibuf [dreg:s9], $0x7FFFF;
	_ =	strace $0x90000046  }
0xb6: {  	s29 =	simm.s32 $0x9;
	_ =	strace $0x80000048  }
0xb7: {  	_ =	swait.ge [sflag:s29], $0x1  }
0xb8: {  	[sflag:s29] =	ssyncadd.s32 $0xFFFFFFFF  }
0xb9: {  	_ =	strace $0x90000048  }
0xba: {  	_ =	sfence  }
0xbb: {  	s30 =	sld [smem:$0x0];
	_ =	sdelay $0x2  }
0xbc: {  	s31 =	sshll.u32 s1, $0xD;
	s1 =	sshrl.u32 s1, $0x2  }
0xbd: {  	s3 =	sand.u32 $0x4000, s31;
	s1 =	sadd.s32 s1, s30  }
0xbe: {  	s0 =	sor.u32 s3, s0;
	s1 =	sshll.u32 s1, $0x11  }
0xbf: {  	s0 =	sor.u32 s1, s0  }
0xc0: {  	s0 =	sadd.s32 $0x8F2B, s0  }
0xc1: {  	[sflag:s0] =	ssyncadd.remote.s32 $0x1  }
0xc2: {  	_ =	sfence.sel $0xFFFF  }
0xc3: {  	[dreg:$0x0] =	wrdreg $0xFFFFFFFF;
	(pc) =	sbr.abs _section_cstart, $3  }
0xc4: {  	[dreg:$0x1] =	wrdreg $0xFFFFFFFF  }
0xc5: {  	_ =	task.clear_ibuf [dreg:s9], $0x2FFFF;
	_ =	strace $0x9FFFFFFF  }
0xc6: {  	(tm) =	ssettm $0x7FFFFFFF  }
0xc7: {  	_ =	shalt  }
tec
execute0_lowered:
.L_overlay_start_1:
0x0: {  	(tag) =	ssettag $0x1  }
0x1: {  	s0 =	rddreg [dreg:$0x0]  }
0x2: {  	s3 =	rddreg [dreg:$0x1]  }
0x3: {  	s1 =	rddreg [dreg:$0x2]  }
0x4: {  	s2 =	rddreg [dreg:$0x3]  }
0x5: {  	s4 =	simm.s32 $0x0;
	s5 =	srdreg.scid;
	s6 =	stileid.u32  }
0x6: {  	s18 =	simm.s32 $0x1;
	s19 =	simm.s32 $0x80;
	s26 =	simm.s32 $0x8600  }
0x7: {  	s21 =	simm.s32 $0x2;
	s28 =	simm.s32 $0x0;
	[smem:$0x7FF] =	sst s4  }
0x8: {  	s7 =	sand.u32 $0x1, s5;
	s8 =	sshll.u32 s6, $0x1;
	s5 =	sadd.s32 $0x1A00, s0  }
0x9: {  	s6 =	sadd.s32 $0xF43E00, s0;
	_ =	strace $0x80000047;
	s8 =	sor.u32 s7, s8  }
0xa: {  	s10 =	ssub.s32 $0x2, s7;
	s9 =	sshll.u32 s8, $0xA;
	s12 =	sshll.u32 s8, $0x6  }
0xb: {  	s11 =	sshrl.u32 s10, $0x1;
	s8 =	sadd.s32 $0x1A02, s0;
	s14 =	sadd.s32 s9, s0  }
0xc: {  	s16 =	sadd.s32 s12, s0;
	s9 =	sadd.s32 $0xF43E02, s0;
	s12 =	sadd.s32 s3, s12  }
0xd: {  	s3 =	simm.s32 $0x8400;
	s29 =	sadd.s32 $0x1200, s16;
	s31 =	sadd.s32 $0x1E87200, s14  }
0xe: {  	s30 =	ssub.s32 s10, s11;
	s11 =	sadd.s32 $0x1E8F200, s14;
	s13 =	sadd.s32 $0x1E97200, s14  }
0xf: {  	s14 =	sadd.s32 $0x1E9F200, s14;
	s15 =	sadd.s32 $0x1E86200, s16;
	[dreg:$0x5] =	wrdreg s29  }
0x10: {  	s16 =	sadd.s32 $0x1E86A00, s16;
	s17 =	smax.u32 s30, $0x1;
	[dreg:$0x6] =	wrdreg s31  }
.LBB2_1:
0x11: {  	s0 =	rddreg [dreg:$0x5]  }
0x12: {  	[tilespmem:s4], [sflag:$0x1] =	stream.linear.gather [hbm4b:s0+s4], $0x200, $0x38;
	[tilespmem:$0x8800] =	vst v63  }
0x13: {  	s0 =	simm.s32 $0x200  }
0x14: {  	[tilespmem:s0], [sflag:$0x1] =	stream.linear.gather [hbm4b:s12+s4], $0x200, $0x38;
	[tilespmem:$0x8800] =	vst v63  }
0x15: {  	_ =	swait.ge [sflag:s18], $0x200  }
0x16: {  	[sflag:s18] =	ssyncset.done $0x0  }
0x17: {  	[sflag:s18] =	ssyncadd.s32 $0xFFFFFE00  }
0x18: {  	_ =	swait.ge [sflag:s18], $0x200  }
0x19: {  	[sflag:s18] =	ssyncset.done $0x0  }
0x1a: {  	[sflag:s18] =	ssyncadd.s32 $0xFFFFFE00  }
0x1b: {  	[tilespmem:s3], [sflag:$0x1] =	stream.indirect.gather [hbm4b:s1+s19], $0x1, s4, s19, $0xb8;
	[tilespmem:$0x8800] =	vst v63  }
0x1c: {  	s24 =	simm.s32 $0x8480  }
0x1d: {  	[tilespmem:s24], [sflag:$0x1] =	stream.indirect.gather [hbm4b:s1+s19], $0x1, s19, s19, $0xb8;
	[tilespmem:$0x8800] =	vst v63  }
0x1e: {  	s25 =	simm.s32 $0x100;
	s7 =	simm.s32 $0x8500  }
0x1f: {  	[tilespmem:s7], [sflag:$0x1] =	stream.indirect.gather [hbm4b:s1+s19], $0x1, s25, s19, $0xb8;
	[tilespmem:$0x8800] =	vst v63  }
0x20: {  	s10 =	simm.s32 $0x180;
	s20 =	simm.s32 $0x8580  }
0x21: {  	[tilespmem:s20], [sflag:$0x1] =	stream.indirect.gather [hbm4b:s1+s19], $0x1, s10, s19, $0xb8;
	[tilespmem:$0x8800] =	vst v63  }
0x22: {  	_ = 	snop  }
0x23: {  	[tilespmem:s26], [sflag:$0x1] =	stream.indirect.gather [hbm4b:s2+s19], $0x1, s0, s19, $0xb8;
	[tilespmem:$0x8800] =	vst v63  }
0x24: {  	s22 =	simm.s32 $0x280;
	s23 =	simm.s32 $0x8680  }
0x25: {  	[tilespmem:s23], [sflag:$0x1] =	stream.indirect.gather [hbm4b:s2+s19], $0x1, s22, s19, $0xb8;
	[tilespmem:$0x8800] =	vst v63  }
0x26: {  	s24 =	simm.s32 $0x300;
	s25 =	simm.s32 $0x8700  }
0x27: {  	[tilespmem:s25], [sflag:$0x1] =	stream.indirect.gather [hbm4b:s2+s19], $0x1, s24, s19, $0xb8;
	[tilespmem:$0x8800] =	vst v63  }
0x28: {  	s10 =	simm.s32 $0x380;
	s20 =	simm.s32 $0x8780  }
0x29: {  	[tilespmem:s20], [sflag:$0x1] =	stream.indirect.gather [hbm4b:s2+s19], $0x1, s10, s19, $0xb8;
	[tilespmem:$0x8800] =	vst v63  }
0x2a: {  	v0 =	vld [tilespmem:s4+$0x0];
	_ =	sdelay $0x3  }
0x2b: {  	v2 =	vld [tilespmem:s0+$0x0]  }
0x2c: {  	v1 =	vshll.u32 v0, $0x4  }
0x2d: {  	(v2sf) =	vpush v1, $0x0  }
0x2e: {  	(v2sf) =	vpush v1, $0x2  }
0x2f: {  	(v2sf) =	vpush v1, $0x1  }
0x30: {  	v63 =	vshll.u32 v2, $0x4  }
0x31: {  	(v2sf) =	vpush v63, $0x0;
	_ =	sdelay $0x6  }
0x32: {  	(v2sf) =	vpush v63, $0x1;
	_ =	sdelay $0x3  }
0x33: {  	s22 =	spop (v2sf)  }
0x34: {  	s0 =	sand.u32 $0x1FFFFFF0, s22;
	s3 =	spop (v2sf)  }
0x35: {  	s22 =	simm.s32 $0x400;
	s23 =	sadd.s32 s5, s0;
	s29 =	spop (v2sf)  }
0x36: {  	[tilespmem:s22], [sflag:$0x2] =	stream.linear.gather [hbm4b:s23+s4], $0x10, $0x38;
	[tilespmem:$0x8800] =	vst v63  }
0x37: {  	s30 =	simm.s32 $0x10;
	s31 =	simm.s32 $0x210;
	(v2sf) =	vpush v63, $0x2;
	s24 =	spop (v2sf)  }
0x38: {  	s0 =	sadd.s32 s0, s8;
	s23 =	simm.s32 $0x2400;
	s25 =	sand.u32 $0x1FFFFFF0, s24  }
0x39: {  	[tilespmem:s23], [sflag:$0x2] =	stream.linear.gather [hbm4b:s0+s4], $0x10, $0x38;
	[tilespmem:$0x8800] =	vst v63  }
0x3a: {  	s7 =	simm.s32 $0x4400;
	s20 =	simm.s32 $0x6400;
	s23 =	sadd.s32 s6, s25  }
0x3b: {  	(v2sf) =	vpush v1, $0x3;
	[tilespmem:s7], [sflag:$0x2] =	stream.linear.gather [hbm4b:s23+s4], $0x10, $0x38;
	[tilespmem:$0x8800] =	vst v63  }
0x3c: {  	s3 =	sand.u32 $0x1FFFFFF0, s3;
	s10 =	sand.u32 $0x1FFFFFF0, s29;
	s0 =	sadd.s32 s25, s9  }
0x3d: {  	[tilespmem:s20], [sflag:$0x2] =	stream.linear.gather [hbm4b:s0+s4], $0x10, $0x38;
	[tilespmem:$0x8800] =	vst v63  }
0x3e: {  	s24 =	spop (v2sf);
	s29 =	sadd.s32 s5, s10;
	s25 =	simm.s32 $0x410  }
0x3f: {  	(v2sf) =	vpush v63, $0x3;
	[tilespmem:s25], [sflag:$0x2] =	stream.linear.gather [hbm4b:s29+s4], $0x10, $0x38;
	[tilespmem:$0x8800] =	vst v63  }
0x40: {  	s22 =	sadd.s32 s10, s8;
	s7 =	simm.s32 $0x2410;
	s0 =	sand.u32 $0x1FFFFFF0, s24  }
0x41: {  	[tilespmem:s7], [sflag:$0x2] =	stream.linear.gather [hbm4b:s22+s4], $0x10, $0x38;
	[tilespmem:$0x8800] =	vst v63  }
0x42: {  	s10 =	simm.s32 $0x4410;
	s23 =	simm.s32 $0x6410;
	s20 =	sadd.s32 s6, s0  }
0x43: {  	(v2sf) =	vpush v1, $0x4;
	[tilespmem:s10], [sflag:$0x2] =	stream.linear.gather [hbm4b:s20+s4], $0x10, $0x38;
	[tilespmem:$0x8800] =	vst v63  }
0x44: {  	s0 =	sadd.s32 s0, s9;
	s29 =	simm.s32 $0x400;
	s25 =	simm.s32 $0x420  }
0x45: {  	[tilespmem:s23], [sflag:$0x2] =	stream.linear.gather [hbm4b:s0+s4], $0x10, $0x38;
	[tilespmem:$0x8800] =	vst v63  }
0x46: {  	s7 =	sadd.s32 s5, s3;
	s3 =	sadd.s32 s3, s8;
	s24 =	spop (v2sf)  }
0x47: {  	(v2sf) =	vpush v63, $0x4;
	[tilespmem:s25], [sflag:$0x2] =	stream.linear.gather [hbm4b:s7+s4], $0x10, $0x38;
	[tilespmem:$0x8800] =	vst v63  }
0x48: {  	s22 =	simm.s32 $0x64F0;
	s10 =	simm.s32 $0x2420;
	s0 =	sand.u32 $0x1FFFFFF0, s24  }
0x49: {  	[tilespmem:s10], [sflag:$0x2] =	stream.linear.gather [hbm4b:s3+s4], $0x10, $0x38;
	[tilespmem:$0x8800] =	vst v63  }
0x4a: {  	s20 =	spop (v2sf);
	s23 =	simm.s32 $0x4420;
	s24 =	sadd.s32 s6, s0  }
0x4b: {  	(v2sf) =	vpush v1, $0x5;
	[tilespmem:s23], [sflag:$0x2] =	stream.linear.gather [hbm4b:s24+s4], $0x10, $0x38;
	[tilespmem:$0x8800] =	vst v63  }
0x4c: {  	s0 =	sadd.s32 s0, s9;
	s25 =	simm.s32 $0x6420;
	s3 =	sand.u32 $0x1FFFFFF0, s20  }
0x4d: {  	[tilespmem:s25], [sflag:$0x2] =	stream.linear.gather [hbm4b:s0+s4], $0x10, $0x38;
	[tilespmem:$0x8800] =	vst v63  }
0x4e: {  	s7 =	spop (v2sf);
	s10 =	simm.s32 $0x430;
	s20 =	sadd.s32 s5, s3  }
0x4f: {  	(v2sf) =	vpush v63, $0x5;
	[tilespmem:s10], [sflag:$0x2] =	stream.linear.gather [hbm4b:s20+s4], $0x10, $0x38;
	[tilespmem:$0x8800] =	vst v63  }
0x50: {  	s3 =	sadd.s32 s3, s8;
	s23 =	simm.s32 $0x2430;
	s0 =	sand.u32 $0x1FFFFFF0, s7  }
0x51: {  	[tilespmem:s23], [sflag:$0x2] =	stream.linear.gather [hbm4b:s3+s4], $0x10, $0x38;
	[tilespmem:$0x8800] =	vst v63  }
0x52: {  	s24 =	spop (v2sf);
	s25 =	simm.s32 $0x4430;
	s7 =	sadd.s32 s6, s0  }
0x53: {  	(v2sf) =	vpush v1, $0x6;
	[tilespmem:s25], [sflag:$0x2] =	stream.linear.gather [hbm4b:s7+s4], $0x10, $0x38;
	[tilespmem:$0x8800] =	vst v63  }
0x54: {  	s0 =	sadd.s32 s0, s9;
	s10 =	simm.s32 $0x6430;
	s3 =	sand.u32 $0x1FFFFFF0, s24  }
0x55: {  	[tilespmem:s10], [sflag:$0x2] =	stream.linear.gather [hbm4b:s0+s4], $0x10, $0x38;
	[tilespmem:$0x8800] =	vst v63  }
0x56: {  	s23 =	simm.s32 $0x440;
	s20 =	spop (v2sf);
	s24 =	sadd.s32 s5, s3  }
0x57: {  	(v2sf) =	vpush v63, $0x6;
	[tilespmem:s23], [sflag:$0x2] =	stream.linear.gather [hbm4b:s24+s4], $0x10, $0x38;
	[tilespmem:$0x8800] =	vst v63  }
0x58: {  	s3 =	sadd.s32 s3, s8;
	s25 =	simm.s32 $0x2440;
	s0 =	sand.u32 $0x1FFFFFF0, s20  }
0x59: {  	[tilespmem:s25], [sflag:$0x2] =	stream.linear.gather [hbm4b:s3+s4], $0x10, $0x38;
	[tilespmem:$0x8800] =	vst v63  }
0x5a: {  	s7 =	spop (v2sf);
	s10 =	simm.s32 $0x4440;
	s20 =	sadd.s32 s6, s0  }
0x5b: {  	(v2sf) =	vpush v1, $0x7;
	[tilespmem:s10], [sflag:$0x2] =	stream.linear.gather [hbm4b:s20+s4], $0x10, $0x38;
	[tilespmem:$0x8800] =	vst v63  }
0x5c: {  	s0 =	sadd.s32 s0, s9;
	s23 =	simm.s32 $0x6440;
	s3 =	sand.u32 $0x1FFFFFF0, s7  }
0x5d: {  	[tilespmem:s23], [sflag:$0x2] =	stream.linear.gather [hbm4b:s0+s4], $0x10, $0x38;
	[tilespmem:$0x8800] =	vst v63  }
0x5e: {  	s24 =	spop (v2sf);
	s25 =	simm.s32 $0x450;
	s7 =	sadd.s32 s5, s3  }
0x5f: {  	(v2sf) =	vpush v63, $0x7;
	[tilespmem:s25], [sflag:$0x2] =	stream.linear.gather [hbm4b:s7+s4], $0x10, $0x38;
	[tilespmem:$0x8800] =	vst v63  }
0x60: {  	s3 =	sadd.s32 s3, s8;
	s10 =	simm.s32 $0x2450;
	s0 =	sand.u32 $0x1FFFFFF0, s24  }
0x61: {  	[tilespmem:s10], [sflag:$0x2] =	stream.linear.gather [hbm4b:s3+s4], $0x10, $0x38;
	[tilespmem:$0x8800] =	vst v63  }
0x62: {  	s20 =	spop (v2sf);
	s23 =	simm.s32 $0x4450;
	s24 =	sadd.s32 s6, s0  }
0x63: {  	(v2sf) =	vpush v1, $0x8;
	[tilespmem:s23], [sflag:$0x2] =	stream.linear.gather [hbm4b:s24+s4], $0x10, $0x38;
	[tilespmem:$0x8800] =	vst v63  }
0x64: {  	s0 =	sadd.s32 s0, s9;
	s25 =	simm.s32 $0x6450;
	s3 =	sand.u32 $0x1FFFFFF0, s20  }
0x65: {  	[tilespmem:s25], [sflag:$0x2] =	stream.linear.gather [hbm4b:s0+s4], $0x10, $0x38;
	[tilespmem:$0x8800] =	vst v63  }
0x66: {  	s7 =	spop (v2sf);
	s10 =	simm.s32 $0x460;
	s20 =	sadd.s32 s5, s3  }
0x67: {  	(v2sf) =	vpush v63, $0x8;
	[tilespmem:s10], [sflag:$0x2] =	stream.linear.gather [hbm4b:s20+s4], $0x10, $0x38;
	[tilespmem:$0x8800] =	vst v63  }
0x68: {  	s3 =	sadd.s32 s3, s8;
	s23 =	simm.s32 $0x2460;
	s0 =	sand.u32 $0x1FFFFFF0, s7  }
0x69: {  	[tilespmem:s23], [sflag:$0x2] =	stream.linear.gather [hbm4b:s3+s4], $0x10, $0x38;
	[tilespmem:$0x8800] =	vst v63  }
0x6a: {  	s24 =	spop (v2sf);
	s25 =	simm.s32 $0x4460;
	s7 =	sadd.s32 s6, s0  }
0x6b: {  	(v2sf) =	vpush v1, $0x9;
	[tilespmem:s25], [sflag:$0x2] =	stream.linear.gather [hbm4b:s7+s4], $0x10, $0x38;
	[tilespmem:$0x8800] =	vst v63  }
0x6c: {  	s0 =	sadd.s32 s0, s9;
	s10 =	simm.s32 $0x6460;
	s3 =	sand.u32 $0x1FFFFFF0, s24  }
0x6d: {  	[tilespmem:s10], [sflag:$0x2] =	stream.linear.gather [hbm4b:s0+s4], $0x10, $0x38;
	[tilespmem:$0x8800] =	vst v63  }
0x6e: {  	s20 =	spop (v2sf);
	s23 =	simm.s32 $0x470;
	s24 =	sadd.s32 s5, s3  }
0x6f: {  	(v2sf) =	vpush v63, $0x9;
	[tilespmem:s23], [sflag:$0x2] =	stream.linear.gather [hbm4b:s24+s4], $0x10, $0x38;
	[tilespmem:$0x8800] =	vst v63  }
0x70: {  	s3 =	sadd.s32 s3, s8;
	s25 =	simm.s32 $0x2470;
	s0 =	sand.u32 $0x1FFFFFF0, s20  }
0x71: {  	[tilespmem:s25], [sflag:$0x2] =	stream.linear.gather [hbm4b:s3+s4], $0x10, $0x38;
	[tilespmem:$0x8800] =	vst v63  }
0x72: {  	s7 =	spop (v2sf);
	s10 =	simm.s32 $0x4470;
	s20 =	sadd.s32 s6, s0  }
0x73: {  	(v2sf) =	vpush v1, $0xA;
	[tilespmem:s10], [sflag:$0x2] =	stream.linear.gather [hbm4b:s20+s4], $0x10, $0x38;
	[tilespmem:$0x8800] =	vst v63  }
0x74: {  	s0 =	sadd.s32 s0, s9;
	s23 =	simm.s32 $0x6470;
	s3 =	sand.u32 $0x1FFFFFF0, s7  }
0x75: {  	[tilespmem:s23], [sflag:$0x2] =	stream.linear.gather [hbm4b:s0+s4], $0x10, $0x38;
	[tilespmem:$0x8800] =	vst v63  }
0x76: {  	s24 =	spop (v2sf);
	s25 =	simm.s32 $0x480;
	s7 =	sadd.s32 s5, s3  }
0x77: {  	(v2sf) =	vpush v63, $0xA;
	[tilespmem:s25], [sflag:$0x2] =	stream.linear.gather [hbm4b:s7+s4], $0x10, $0x38;
	[tilespmem:$0x8800] =	vst v63  }
0x78: {  	s3 =	sadd.s32 s3, s8;
	s10 =	simm.s32 $0x2480;
	s0 =	sand.u32 $0x1FFFFFF0, s24  }
0x79: {  	[tilespmem:s10], [sflag:$0x2] =	stream.linear.gather [hbm4b:s3+s4], $0x10, $0x38;
	[tilespmem:$0x8800] =	vst v63  }
0x7a: {  	s20 =	spop (v2sf);
	s23 =	simm.s32 $0x4480;
	s24 =	sadd.s32 s6, s0  }
0x7b: {  	(v2sf) =	vpush v1, $0xB;
	[tilespmem:s23], [sflag:$0x2] =	stream.linear.gather [hbm4b:s24+s4], $0x10, $0x38;
	[tilespmem:$0x8800] =	vst v63  }
0x7c: {  	s0 =	sadd.s32 s0, s9;
	s25 =	simm.s32 $0x6480;
	s3 =	sand.u32 $0x1FFFFFF0, s20  }
0x7d: {  	[tilespmem:s25], [sflag:$0x2] =	stream.linear.gather [hbm4b:s0+s4], $0x10, $0x38;
	[tilespmem:$0x8800] =	vst v63  }
0x7e: {  	s7 =	spop (v2sf);
	s10 =	simm.s32 $0x490;
	s20 =	sadd.s32 s5, s3  }
0x7f: {  	(v2sf) =	vpush v63, $0xB;
	[tilespmem:s10], [sflag:$0x2] =	stream.linear.gather [hbm4b:s20+s4], $0x10, $0x38;
	[tilespmem:$0x8800] =	vst v63  }
0x80: {  	s3 =	sadd.s32 s3, s8;
	s23 =	simm.s32 $0x2490;
	s0 =	sand.u32 $0x1FFFFFF0, s7  }
0x81: {  	[tilespmem:s23], [sflag:$0x2] =	stream.linear.gather [hbm4b:s3+s4], $0x10, $0x38;
	[tilespmem:$0x8800] =	vst v63  }
0x82: {  	s24 =	spop (v2sf);
	s25 =	simm.s32 $0x4490;
	s7 =	sadd.s32 s6, s0  }
0x83: {  	(v2sf) =	vpush v1, $0xC;
	[tilespmem:s25], [sflag:$0x2] =	stream.linear.gather [hbm4b:s7+s4], $0x10, $0x38;
	[tilespmem:$0x8800] =	vst v63  }
0x84: {  	s0 =	sadd.s32 s0, s9;
	s10 =	simm.s32 $0x6490;
	s3 =	sand.u32 $0x1FFFFFF0, s24  }
0x85: {  	[tilespmem:s10], [sflag:$0x2] =	stream.linear.gather [hbm4b:s0+s4], $0x10, $0x38;
	[tilespmem:$0x8800] =	vst v63  }
0x86: {  	s20 =	spop (v2sf);
	s23 =	simm.s32 $0x4A0;
	s24 =	sadd.s32 s5, s3  }
0x87: {  	(v2sf) =	vpush v63, $0xC;
	[tilespmem:s23], [sflag:$0x2] =	stream.linear.gather [hbm4b:s24+s4], $0x10, $0x38;
	[tilespmem:$0x8800] =	vst v63  }
0x88: {  	s3 =	sadd.s32 s3, s8;
	s25 =	simm.s32 $0x24A0;
	s0 =	sand.u32 $0x1FFFFFF0, s20  }
0x89: {  	[tilespmem:s25], [sflag:$0x2] =	stream.linear.gather [hbm4b:s3+s4], $0x10, $0x38;
	[tilespmem:$0x8800] =	vst v63  }
0x8a: {  	s7 =	spop (v2sf);
	s10 =	simm.s32 $0x44A0;
	s20 =	sadd.s32 s6, s0  }
0x8b: {  	(v2sf) =	vpush v1, $0xD;
	[tilespmem:s10], [sflag:$0x2] =	stream.linear.gather [hbm4b:s20+s4], $0x10, $0x38;
	[tilespmem:$0x8800] =	vst v63  }
0x8c: {  	s0 =	sadd.s32 s0, s9;
	s23 =	simm.s32 $0x64A0;
	s3 =	sand.u32 $0x1FFFFFF0, s7  }
0x8d: {  	[tilespmem:s23], [sflag:$0x2] =	stream.linear.gather [hbm4b:s0+s4], $0x10, $0x38;
	[tilespmem:$0x8800] =	vst v63  }
0x8e: {  	s24 =	spop (v2sf);
	s25 =	simm.s32 $0x4B0;
	s7 =	sadd.s32 s5, s3  }
0x8f: {  	(v2sf) =	vpush v63, $0xD;
	[tilespmem:s25], [sflag:$0x2] =	stream.linear.gather [hbm4b:s7+s4], $0x10, $0x38;
	[tilespmem:$0x8800] =	vst v63  }
0x90: {  	s3 =	sadd.s32 s3, s8;
	s10 =	simm.s32 $0x24B0;
	s0 =	sand.u32 $0x1FFFFFF0, s24  }
0x91: {  	[tilespmem:s10], [sflag:$0x2] =	stream.linear.gather [hbm4b:s3+s4], $0x10, $0x38;
	[tilespmem:$0x8800] =	vst v63  }
0x92: {  	s20 =	spop (v2sf);
	s23 =	simm.s32 $0x44B0;
	s24 =	sadd.s32 s6, s0  }
0x93: {  	(v2sf) =	vpush v1, $0xE;
	[tilespmem:s23], [sflag:$0x2] =	stream.linear.gather [hbm4b:s24+s4], $0x10, $0x38;
	[tilespmem:$0x8800] =	vst v63  }
0x94: {  	s0 =	sadd.s32 s0, s9;
	s25 =	simm.s32 $0x64B0;
	s3 =	sand.u32 $0x1FFFFFF0, s20  }
0x95: {  	[tilespmem:s25], [sflag:$0x2] =	stream.linear.gather [hbm4b:s0+s4], $0x10, $0x38;
	[tilespmem:$0x8800] =	vst v63  }
0x96: {  	s7 =	spop (v2sf);
	s10 =	simm.s32 $0x4C0;
	s20 =	sadd.s32 s5, s3  }
0x97: {  	(v2sf) =	vpush v63, $0xE;
	[tilespmem:s10], [sflag:$0x2] =	stream.linear.gather [hbm4b:s20+s4], $0x10, $0x38;
	[tilespmem:$0x8800] =	vst v63  }
0x98: {  	s3 =	sadd.s32 s3, s8;
	s23 =	simm.s32 $0x24C0;
	s0 =	sand.u32 $0x1FFFFFF0, s7  }
0x99: {  	[tilespmem:s23], [sflag:$0x2] =	stream.linear.gather [hbm4b:s3+s4], $0x10, $0x38;
	[tilespmem:$0x8800] =	vst v63  }
0x9a: {  	s24 =	spop (v2sf);
	s25 =	simm.s32 $0x44C0;
	s7 =	sadd.s32 s6, s0  }
0x9b: {  	(v2sf) =	vpush v1, $0xF;
	[tilespmem:s25], [sflag:$0x2] =	stream.linear.gather [hbm4b:s7+s4], $0x10, $0x38;
	[tilespmem:$0x8800] =	vst v63  }
0x9c: {  	s0 =	sadd.s32 s0, s9;
	s10 =	simm.s32 $0x64C0;
	s3 =	sand.u32 $0x1FFFFFF0, s24  }
0x9d: {  	[tilespmem:s10], [sflag:$0x2] =	stream.linear.gather [hbm4b:s0+s4], $0x10, $0x38;
	[tilespmem:$0x8800] =	vst v63  }
0x9e: {  	s20 =	spop (v2sf);
	s23 =	simm.s32 $0x4D0;
	s24 =	sadd.s32 s5, s3  }
0x9f: {  	(v2sf) =	vpush v63, $0xF;
	[tilespmem:s23], [sflag:$0x2] =	stream.linear.gather [hbm4b:s24+s4], $0x10, $0x38;
	[tilespmem:$0x8800] =	vst v63  }
0xa0: {  	s3 =	sadd.s32 s3, s8;
	s25 =	simm.s32 $0x24D0;
	s0 =	sand.u32 $0x1FFFFFF0, s20  }
0xa1: {  	[tilespmem:s25], [sflag:$0x2] =	stream.linear.gather [hbm4b:s3+s4], $0x10, $0x38;
	[tilespmem:$0x8800] =	vst v63  }
0xa2: {  	s7 =	spop (v2sf);
	s10 =	simm.s32 $0x44D0;
	s20 =	sadd.s32 s6, s0  }
0xa3: {  	[tilespmem:s10], [sflag:$0x2] =	stream.linear.gather [hbm4b:s20+s4], $0x10, $0x38;
	[tilespmem:$0x8800] =	vst v63  }
0xa4: {  	s0 =	sadd.s32 s0, s9;
	s23 =	simm.s32 $0x64D0;
	s3 =	sand.u32 $0x1FFFFFF0, s7  }
0xa5: {  	[tilespmem:s23], [sflag:$0x2] =	stream.linear.gather [hbm4b:s0+s4], $0x10, $0x38;
	[tilespmem:$0x8800] =	vst v63  }
0xa6: {  	s24 =	spop (v2sf);
	s25 =	simm.s32 $0x4E0;
	s7 =	sadd.s32 s5, s3  }
0xa7: {  	[tilespmem:s25], [sflag:$0x2] =	stream.linear.gather [hbm4b:s7+s4], $0x10, $0x38;
	[tilespmem:$0x8800] =	vst v63  }
0xa8: {  	s3 =	sadd.s32 s3, s8;
	s10 =	simm.s32 $0x24E0;
	s0 =	sand.u32 $0x1FFFFFF0, s24  }
0xa9: {  	[tilespmem:s10], [sflag:$0x2] =	stream.linear.gather [hbm4b:s3+s4], $0x10, $0x38;
	[tilespmem:$0x8800] =	vst v63  }
0xaa: {  	s20 =	spop (v2sf);
	s23 =	simm.s32 $0x44E0;
	s24 =	sadd.s32 s6, s0  }
0xab: {  	[tilespmem:s23], [sflag:$0x2] =	stream.linear.gather [hbm4b:s24+s4], $0x10, $0x38;
	[tilespmem:$0x8800] =	vst v63  }
0xac: {  	s0 =	sadd.s32 s0, s9;
	s25 =	simm.s32 $0x64E0;
	s3 =	sand.u32 $0x1FFFFFF0, s20  }
0xad: {  	[tilespmem:s25], [sflag:$0x2] =	stream.linear.gather [hbm4b:s0+s4], $0x10, $0x38;
	[tilespmem:$0x8800] =	vst v63  }
0xae: {  	s7 =	spop (v2sf);
	s10 =	simm.s32 $0x4F0;
	s20 =	sadd.s32 s5, s3  }
0xaf: {  	[tilespmem:s10], [sflag:$0x2] =	stream.linear.gather [hbm4b:s20+s4], $0x10, $0x38;
	[tilespmem:$0x8800] =	vst v63  }
0xb0: {  	s3 =	sadd.s32 s3, s8;
	s24 =	sand.u32 $0x1FFFFFF0, s7;
	s25 =	simm.s32 $0x24F0  }
0xb1: {  	[tilespmem:s25], [sflag:$0x2] =	stream.linear.gather [hbm4b:s3+s4], $0x10, $0x38;
	[tilespmem:$0x8800] =	vst v63  }
0xb2: {  	s23 =	sadd.s32 s6, s24;
	s0 =	simm.s32 $0x44F0;
	s3 =	sadd.s32 s24, s9  }
.LBB2_2:
0xb3: {  	[tilespmem:s0], [sflag:$0x2] =	stream.linear.gather [hbm4b:s23+s4], $0x10, $0x38;
	[tilespmem:$0x8800] =	vst v63  }
0xb4: {  	p0 =	sne.s32 s29, $0x7C00;
	s0 =	smov.u32 s29;
	s29 =	sadd.s32 $0x400, s29  }
0xb5: {  	[tilespmem:s22], [sflag:$0x2] =	stream.linear.gather [hbm4b:s3+s4], $0x10, $0x38;
	[tilespmem:$0x8800] =	vst v63  }
0xb6: {  	v0 =	vld [tilespmem:s30+$0x0];
	_ =	sdelay $0x2  }
0xb7: {  	v2 =	vld [tilespmem:s31+$0x0];
	_ =	sdelay $0x1  }
0xb8: {  	v1 =	vshll.u32 v0, $0x4  }
0xb9: {  	(v2sf) =	vpush v1, $0x0  }
0xba: {  	(v2sf) =	vpush v1, $0x2  }
0xbb: {  	v0 =	vshll.u32 v2, $0x4;
	(v2sf) =	vpush v1, $0x1;
	_ =	sdelay $0x1  }
0xbc: {  	(v2sf) =	vpush v0, $0x0;
	_ =	sdelay $0x1  }
0xbd: {  	(v2sf) =	vpush v0, $0x1;
	_ =	sdelay $0x4  }
0xbe: {  	(v2sf) =	vpush v0, $0x2;
	_ =	sdelay $0x3  }
0xbf: {  	s0 =	sshra.s32 s0, $0x2;
	s3 =	spop (v2sf);
	(v2sf) =	vpush v1, $0x3  }
0xc0: {  	s22 =	sadd.s32 $0x2400, s0;
	s3 =	sand.u32 $0x1FFFFFF0, s3;
	s23 =	spop (v2sf)  }
0xc1: {  	s24 =	sadd.s32 $0x400, s0;
	s25 =	sadd.s32 s5, s3;
	s7 =	spop (v2sf)  }
0xc2: {  	[tilespmem:s24], [sflag:$0x2] =	stream.linear.gather [hbm4b:s25+s4], $0x10, $0x38;
	[tilespmem:$0x8800] =	vst v63  }
0xc3: {  	s3 =	sadd.s32 s3, s8;
	s7 =	sand.u32 $0x1FFFFFF0, s7;
	s24 =	spop (v2sf);
	(v2sf) =	vpush v0, $0x3  }
0xc4: {  	[tilespmem:s22], [sflag:$0x2] =	stream.linear.gather [hbm4b:s3+s4], $0x10, $0x38;
	[tilespmem:$0x8800] =	vst v63  }
0xc5: {  	s3 =	sadd.s32 $0x4400, s0;
	s22 =	sand.u32 $0x1FFFFFF0, s24;
	s24 =	spop (v2sf)  }
0xc6: {  	s20 =	sadd.s32 $0x6400, s0;
	s25 =	sadd.s32 s6, s22;
	s22 =	sadd.s32 s22, s9  }
0xc7: {  	[tilespmem:s3], [sflag:$0x2] =	stream.linear.gather [hbm4b:s25+s4], $0x10, $0x38;
	(v2sf) =	vpush v1, $0x4;
	[tilespmem:$0x8800] =	vst v63  }
0xc8: {  	s23 =	sand.u32 $0x1FFFFFF0, s23;
	s24 =	sand.u32 $0x1FFFFFF0, s24;
	s3 =	sadd.s32 $0x410, s0  }
0xc9: {  	[tilespmem:s20], [sflag:$0x2] =	stream.linear.gather [hbm4b:s22+s4], $0x10, $0x38;
	[tilespmem:$0x8800] =	vst v63  }
0xca: {  	s20 =	sadd.s32 s5, s7;
	s22 =	sadd.s32 $0x2410, s0;
	s25 =	spop (v2sf)  }
0xcb: {  	[tilespmem:s3], [sflag:$0x2] =	stream.linear.gather [hbm4b:s20+s4], $0x10, $0x38;
	[tilespmem:$0x8800] =	vst v63  }
0xcc: {  	s3 =	sadd.s32 s7, s8;
	s7 =	sadd.s32 $0x4410, s0;
	s20 =	sand.u32 $0x1FFFFFF0, s25  }
0xcd: {  	[tilespmem:s22], [sflag:$0x2] =	stream.linear.gather [hbm4b:s3+s4], $0x10, $0x38;
	(v2sf) =	vpush v0, $0x4;
	[tilespmem:$0x8800] =	vst v63  }
0xce: {  	s3 =	sadd.s32 s6, s24;
	s22 =	sadd.s32 $0x6410, s0;
	s25 =	spop (v2sf)  }
0xcf: {  	[tilespmem:s7], [sflag:$0x2] =	stream.linear.gather [hbm4b:s3+s4], $0x10, $0x38;
	[tilespmem:$0x8800] =	vst v63  }
0xd0: {  	s3 =	sadd.s32 s24, s9;
	s7 =	sadd.s32 $0x420, s0;
	s24 =	sand.u32 $0x1FFFFFF0, s25  }
0xd1: {  	[tilespmem:s22], [sflag:$0x2] =	stream.linear.gather [hbm4b:s3+s4], $0x10, $0x38;
	(v2sf) =	vpush v1, $0x5;
	[tilespmem:$0x8800] =	vst v63  }
0xd2: {  	s3 =	sadd.s32 s5, s23;
	s22 =	sadd.s32 $0x2420, s0;
	s25 =	spop (v2sf)  }
0xd3: {  	[tilespmem:s7], [sflag:$0x2] =	stream.linear.gather [hbm4b:s3+s4], $0x10, $0x38;
	[tilespmem:$0x8800] =	vst v63  }
0xd4: {  	s3 =	sadd.s32 s23, s8;
	s7 =	sadd.s32 $0x4420, s0;
	s23 =	sand.u32 $0x1FFFFFF0, s25  }
0xd5: {  	[tilespmem:s22], [sflag:$0x2] =	stream.linear.gather [hbm4b:s3+s4], $0x10, $0x38;
	(v2sf) =	vpush v0, $0x5;
	[tilespmem:$0x8800] =	vst v63  }
0xd6: {  	s3 =	sadd.s32 s6, s20;
	s22 =	sadd.s32 $0x6420, s0;
	s25 =	spop (v2sf)  }
0xd7: {  	[tilespmem:s7], [sflag:$0x2] =	stream.linear.gather [hbm4b:s3+s4], $0x10, $0x38;
	[tilespmem:$0x8800] =	vst v63  }
0xd8: {  	s3 =	sadd.s32 s20, s9;
	s7 =	sadd.s32 $0x430, s0;
	s20 =	sadd.s32 s5, s24  }
0xd9: {  	[tilespmem:s22], [sflag:$0x2] =	stream.linear.gather [hbm4b:s3+s4], $0x10, $0x38;
	(v2sf) =	vpush v1, $0x6;
	[tilespmem:$0x8800] =	vst v63  }
0xda: {  	s3 =	sadd.s32 $0x2430, s0;
	s22 =	sadd.s32 s24, s8;
	s24 =	sand.u32 $0x1FFFFFF0, s25  }
0xdb: {  	[tilespmem:s7], [sflag:$0x2] =	stream.linear.gather [hbm4b:s20+s4], $0x10, $0x38;
	[tilespmem:$0x8800] =	vst v63  }
0xdc: {  	s7 =	sadd.s32 $0x4430, s0;
	s20 =	sadd.s32 s6, s23;
	s25 =	spop (v2sf)  }
0xdd: {  	[tilespmem:s3], [sflag:$0x2] =	stream.linear.gather [hbm4b:s22+s4], $0x10, $0x38;
	(v2sf) =	vpush v0, $0x6;
	[tilespmem:$0x8800] =	vst v63  }
0xde: {  	s3 =	sadd.s32 $0x6430, s0;
	s22 =	sadd.s32 s23, s9;
	s23 =	sand.u32 $0x1FFFFFF0, s25  }
0xdf: {  	[tilespmem:s7], [sflag:$0x2] =	stream.linear.gather [hbm4b:s20+s4], $0x10, $0x38;
	[tilespmem:$0x8800] =	vst v63  }
0xe0: {  	s7 =	sadd.s32 $0x440, s0;
	s20 =	sadd.s32 s5, s24;
	s25 =	spop (v2sf)  }
0xe1: {  	[tilespmem:s3], [sflag:$0x2] =	stream.linear.gather [hbm4b:s22+s4], $0x10, $0x38;
	(v2sf) =	vpush v1, $0x7;
	[tilespmem:$0x8800] =	vst v63  }
0xe2: {  	s3 =	sadd.s32 $0x2440, s0;
	s22 =	sadd.s32 s24, s8;
	s24 =	sand.u32 $0x1FFFFFF0, s25  }
0xe3: {  	[tilespmem:s7], [sflag:$0x2] =	stream.linear.gather [hbm4b:s20+s4], $0x10, $0x38;
	[tilespmem:$0x8800] =	vst v63  }
0xe4: {  	s7 =	sadd.s32 $0x4440, s0;
	s20 =	sadd.s32 s6, s23;
	s25 =	spop (v2sf)  }
0xe5: {  	[tilespmem:s3], [sflag:$0x2] =	stream.linear.gather [hbm4b:s22+s4], $0x10, $0x38;
	(v2sf) =	vpush v0, $0x7;
	[tilespmem:$0x8800] =	vst v63  }
0xe6: {  	s3 =	sadd.s32 $0x6440, s0;
	s22 =	sadd.s32 s23, s9;
	s23 =	sand.u32 $0x1FFFFFF0, s25  }
0xe7: {  	[tilespmem:s7], [sflag:$0x2] =	stream.linear.gather [hbm4b:s20+s4], $0x10, $0x38;
	[tilespmem:$0x8800] =	vst v63  }
0xe8: {  	s7 =	sadd.s32 $0x450, s0;
	s20 =	sadd.s32 s5, s24;
	s25 =	spop (v2sf)  }
0xe9: {  	[tilespmem:s3], [sflag:$0x2] =	stream.linear.gather [hbm4b:s22+s4], $0x10, $0x38;
	(v2sf) =	vpush v1, $0x8;
	[tilespmem:$0x8800] =	vst v63  }
0xea: {  	s3 =	sadd.s32 $0x2450, s0;
	s22 =	sadd.s32 s24, s8;
	s24 =	sand.u32 $0x1FFFFFF0, s25  }
0xeb: {  	[tilespmem:s7], [sflag:$0x2] =	stream.linear.gather [hbm4b:s20+s4], $0x10, $0x38;
	[tilespmem:$0x8800] =	vst v63  }
0xec: {  	s7 =	sadd.s32 $0x4450, s0;
	s20 =	sadd.s32 s6, s23;
	s25 =	spop (v2sf)  }
0xed: {  	[tilespmem:s3], [sflag:$0x2] =	stream.linear.gather [hbm4b:s22+s4], $0x10, $0x38;
	(v2sf) =	vpush v0, $0x8;
	[tilespmem:$0x8800] =	vst v63  }
0xee: {  	s3 =	sadd.s32 $0x6450, s0;
	s22 =	sadd.s32 s23, s9;
	s23 =	sand.u32 $0x1FFFFFF0, s25  }
0xef: {  	[tilespmem:s7], [sflag:$0x2] =	stream.linear.gather [hbm4b:s20+s4], $0x10, $0x38;
	[tilespmem:$0x8800] =	vst v63  }
0xf0: {  	s7 =	sadd.s32 $0x460, s0;
	s20 =	sadd.s32 s5, s24;
	s25 =	spop (v2sf)  }
0xf1: {  	[tilespmem:s3], [sflag:$0x2] =	stream.linear.gather [hbm4b:s22+s4], $0x10, $0x38;
	(v2sf) =	vpush v1, $0x9;
	[tilespmem:$0x8800] =	vst v63  }
0xf2: {  	s3 =	sadd.s32 $0x2460, s0;
	s22 =	sadd.s32 s24, s8;
	s24 =	sand.u32 $0x1FFFFFF0, s25  }
0xf3: {  	[tilespmem:s7], [sflag:$0x2] =	stream.linear.gather [hbm4b:s20+s4], $0x10, $0x38;
	[tilespmem:$0x8800] =	vst v63  }
0xf4: {  	s7 =	sadd.s32 $0x4460, s0;
	s20 =	sadd.s32 s6, s23;
	s25 =	spop (v2sf)  }
0xf5: {  	[tilespmem:s3], [sflag:$0x2] =	stream.linear.gather [hbm4b:s22+s4], $0x10, $0x38;
	(v2sf) =	vpush v0, $0x9;
	[tilespmem:$0x8800] =	vst v63  }
0xf6: {  	s3 =	sadd.s32 $0x6460, s0;
	s22 =	sadd.s32 s23, s9;
	s23 =	sand.u32 $0x1FFFFFF0, s25  }
0xf7: {  	[tilespmem:s7], [sflag:$0x2] =	stream.linear.gather [hbm4b:s20+s4], $0x10, $0x38;
	[tilespmem:$0x8800] =	vst v63  }
0xf8: {  	s7 =	sadd.s32 $0x470, s0;
	s20 =	sadd.s32 s5, s24;
	s25 =	spop (v2sf)  }
0xf9: {  	[tilespmem:s3], [sflag:$0x2] =	stream.linear.gather [hbm4b:s22+s4], $0x10, $0x38;
	(v2sf) =	vpush v1, $0xA;
	[tilespmem:$0x8800] =	vst v63  }
0xfa: {  	s3 =	sadd.s32 $0x2470, s0;
	s22 =	sadd.s32 s24, s8;
	s24 =	sand.u32 $0x1FFFFFF0, s25  }
0xfb: {  	[tilespmem:s7], [sflag:$0x2] =	stream.linear.gather [hbm4b:s20+s4], $0x10, $0x38;
	[tilespmem:$0x8800] =	vst v63  }
0xfc: {  	s7 =	sadd.s32 $0x4470, s0;
	s20 =	sadd.s32 s6, s23;
	s25 =	spop (v2sf)  }
0xfd: {  	[tilespmem:s3], [sflag:$0x2] =	stream.linear.gather [hbm4b:s22+s4], $0x10, $0x38;
	(v2sf) =	vpush v0, $0xA;
	[tilespmem:$0x8800] =	vst v63  }
0xfe: {  	s3 =	sadd.s32 $0x6470, s0;
	s22 =	sadd.s32 s23, s9;
	s23 =	sand.u32 $0x1FFFFFF0, s25  }
0xff: {  	[tilespmem:s7], [sflag:$0x2] =	stream.linear.gather [hbm4b:s20+s4], $0x10, $0x38;
	[tilespmem:$0x8800] =	vst v63  }
0x100: {  	s7 =	sadd.s32 $0x480, s0;
	s20 =	sadd.s32 s5, s24;
	s25 =	spop (v2sf)  }
0x101: {  	[tilespmem:s3], [sflag:$0x2] =	stream.linear.gather [hbm4b:s22+s4], $0x10, $0x38;
	(v2sf) =	vpush v1, $0xB;
	[tilespmem:$0x8800] =	vst v63  }
0x102: {  	s3 =	sadd.s32 $0x2480, s0;
	s22 =	sadd.s32 s24, s8;
	s24 =	sand.u32 $0x1FFFFFF0, s25  }
0x103: {  	[tilespmem:s7], [sflag:$0x2] =	stream.linear.gather [hbm4b:s20+s4], $0x10, $0x38;
	[tilespmem:$0x8800] =	vst v63  }
0x104: {  	s7 =	sadd.s32 $0x4480, s0;
	s20 =	sadd.s32 s6, s23;
	s25 =	spop (v2sf)  }
0x105: {  	[tilespmem:s3], [sflag:$0x2] =	stream.linear.gather [hbm4b:s22+s4], $0x10, $0x38;
	(v2sf) =	vpush v0, $0xB;
	[tilespmem:$0x8800] =	vst v63  }
0x106: {  	s3 =	sadd.s32 $0x6480, s0;
	s22 =	sadd.s32 s23, s9;
	s23 =	sand.u32 $0x1FFFFFF0, s25  }
0x107: {  	[tilespmem:s7], [sflag:$0x2] =	stream.linear.gather [hbm4b:s20+s4], $0x10, $0x38;
	[tilespmem:$0x8800] =	vst v63  }
0x108: {  	s7 =	sadd.s32 $0x490, s0;
	s20 =	sadd.s32 s5, s24;
	s25 =	spop (v2sf)  }
0x109: {  	[tilespmem:s3], [sflag:$0x2] =	stream.linear.gather [hbm4b:s22+s4], $0x10, $0x38;
	(v2sf) =	vpush v1, $0xC;
	[tilespmem:$0x8800] =	vst v63  }
0x10a: {  	s3 =	sadd.s32 $0x2490, s0;
	s22 =	sadd.s32 s24, s8;
	s24 =	sand.u32 $0x1FFFFFF0, s25  }
0x10b: {  	[tilespmem:s7], [sflag:$0x2] =	stream.linear.gather [hbm4b:s20+s4], $0x10, $0x38;
	[tilespmem:$0x8800] =	vst v63  }
0x10c: {  	s7 =	sadd.s32 $0x4490, s0;
	s20 =	sadd.s32 s6, s23;
	s25 =	spop (v2sf)  }
0x10d: {  	[tilespmem:s3], [sflag:$0x2] =	stream.linear.gather [hbm4b:s22+s4], $0x10, $0x38;
	(v2sf) =	vpush v0, $0xC;
	[tilespmem:$0x8800] =	vst v63  }
0x10e: {  	s3 =	sadd.s32 $0x6490, s0;
	s22 =	sadd.s32 s23, s9;
	s23 =	sand.u32 $0x1FFFFFF0, s25  }
0x10f: {  	[tilespmem:s7], [sflag:$0x2] =	stream.linear.gather [hbm4b:s20+s4], $0x10, $0x38;
	[tilespmem:$0x8800] =	vst v63  }
0x110: {  	s7 =	sadd.s32 $0x4A0, s0;
	s20 =	sadd.s32 s5, s24;
	s25 =	spop (v2sf)  }
0x111: {  	[tilespmem:s3], [sflag:$0x2] =	stream.linear.gather [hbm4b:s22+s4], $0x10, $0x38;
	(v2sf) =	vpush v1, $0xD;
	[tilespmem:$0x8800] =	vst v63  }
0x112: {  	s3 =	sadd.s32 $0x24A0, s0;
	s22 =	sadd.s32 s24, s8;
	s24 =	sand.u32 $0x1FFFFFF0, s25  }
0x113: {  	[tilespmem:s7], [sflag:$0x2] =	stream.linear.gather [hbm4b:s20+s4], $0x10, $0x38;
	[tilespmem:$0x8800] =	vst v63  }
0x114: {  	s7 =	sadd.s32 $0x44A0, s0;
	s20 =	sadd.s32 s6, s23;
	s25 =	spop (v2sf)  }
0x115: {  	[tilespmem:s3], [sflag:$0x2] =	stream.linear.gather [hbm4b:s22+s4], $0x10, $0x38;
	(v2sf) =	vpush v0, $0xD;
	[tilespmem:$0x8800] =	vst v63  }
0x116: {  	s3 =	sadd.s32 $0x64A0, s0;
	s22 =	sadd.s32 s23, s9;
	s23 =	sand.u32 $0x1FFFFFF0, s25  }
0x117: {  	[tilespmem:s7], [sflag:$0x2] =	stream.linear.gather [hbm4b:s20+s4], $0x10, $0x38;
	[tilespmem:$0x8800] =	vst v63  }
0x118: {  	s7 =	sadd.s32 $0x4B0, s0;
	s20 =	sadd.s32 s5, s24;
	s25 =	spop (v2sf)  }
0x119: {  	[tilespmem:s3], [sflag:$0x2] =	stream.linear.gather [hbm4b:s22+s4], $0x10, $0x38;
	(v2sf) =	vpush v1, $0xE;
	[tilespmem:$0x8800] =	vst v63  }
0x11a: {  	s3 =	sadd.s32 $0x24B0, s0;
	s22 =	sadd.s32 s24, s8;
	s24 =	sand.u32 $0x1FFFFFF0, s25  }
0x11b: {  	[tilespmem:s7], [sflag:$0x2] =	stream.linear.gather [hbm4b:s20+s4], $0x10, $0x38;
	[tilespmem:$0x8800] =	vst v63  }
0x11c: {  	s7 =	sadd.s32 $0x44B0, s0;
	s20 =	sadd.s32 s6, s23;
	s25 =	spop (v2sf)  }
0x11d: {  	[tilespmem:s3], [sflag:$0x2] =	stream.linear.gather [hbm4b:s22+s4], $0x10, $0x38;
	(v2sf) =	vpush v0, $0xE;
	[tilespmem:$0x8800] =	vst v63  }
0x11e: {  	s3 =	sadd.s32 $0x64B0, s0;
	s22 =	sadd.s32 s23, s9;
	s23 =	sand.u32 $0x1FFFFFF0, s25  }
0x11f: {  	[tilespmem:s7], [sflag:$0x2] =	stream.linear.gather [hbm4b:s20+s4], $0x10, $0x38;
	(v2sf) =	vpush v1, $0xF;
	[tilespmem:$0x8800] =	vst v63  }
0x120: {  	s7 =	sadd.s32 $0x4C0, s0;
	s20 =	sadd.s32 s5, s24;
	s25 =	spop (v2sf)  }
0x121: {  	[tilespmem:s3], [sflag:$0x2] =	stream.linear.gather [hbm4b:s22+s4], $0x10, $0x38;
	[tilespmem:$0x8800] =	vst v63  }
0x122: {  	s3 =	sadd.s32 $0x24C0, s0;
	s22 =	sadd.s32 s24, s8;
	s24 =	sand.u32 $0x1FFFFFF0, s25  }
0x123: {  	[tilespmem:s7], [sflag:$0x2] =	stream.linear.gather [hbm4b:s20+s4], $0x10, $0x38;
	[tilespmem:$0x8800] =	vst v63  }
0x124: {  	s7 =	sadd.s32 $0x44C0, s0;
	s20 =	sadd.s32 s6, s23;
	s25 =	spop (v2sf)  }
0x125: {  	[tilespmem:s3], [sflag:$0x2] =	stream.linear.gather [hbm4b:s22+s4], $0x10, $0x38;
	(v2sf) =	vpush v0, $0xF;
	[tilespmem:$0x8800] =	vst v63  }
0x126: {  	s3 =	sadd.s32 $0x64C0, s0;
	s22 =	sadd.s32 s23, s9;
	s23 =	sand.u32 $0x1FFFFFF0, s25  }
0x127: {  	[tilespmem:s7], [sflag:$0x2] =	stream.linear.gather [hbm4b:s20+s4], $0x10, $0x38;
	[tilespmem:$0x8800] =	vst v63  }
0x128: {  	s7 =	sadd.s32 $0x4D0, s0;
	s20 =	sadd.s32 s5, s24;
	s25 =	spop (v2sf)  }
0x129: {  	[tilespmem:s3], [sflag:$0x2] =	stream.linear.gather [hbm4b:s22+s4], $0x10, $0x38;
	[tilespmem:$0x8800] =	vst v63  }
0x12a: {  	s3 =	sadd.s32 $0x24D0, s0;
	s22 =	sadd.s32 s24, s8;
	s24 =	sand.u32 $0x1FFFFFF0, s25  }
0x12b: {  	[tilespmem:s7], [sflag:$0x2] =	stream.linear.gather [hbm4b:s20+s4], $0x10, $0x38;
	[tilespmem:$0x8800] =	vst v63  }
0x12c: {  	s7 =	sadd.s32 $0x44D0, s0;
	s20 =	sadd.s32 s6, s23;
	s25 =	spop (v2sf)  }
0x12d: {  	[tilespmem:s3], [sflag:$0x2] =	stream.linear.gather [hbm4b:s22+s4], $0x10, $0x38;
	[tilespmem:$0x8800] =	vst v63  }
0x12e: {  	s3 =	sadd.s32 $0x64D0, s0;
	s22 =	sadd.s32 s23, s9;
	s23 =	spop (v2sf)  }
0x12f: {  	[tilespmem:s7], [sflag:$0x2] =	stream.linear.gather [hbm4b:s20+s4], $0x10, $0x38;
	[tilespmem:$0x8800] =	vst v63  }
0x130: {  	s23 =	sand.u32 $0x1FFFFFF0, s23  }
0x131: {  	s7 =	sadd.s32 $0x4E0, s0;
	s20 =	sadd.s32 s5, s24;
	s10 =	sadd.s32 s23, s8  }
0x132: {  	[tilespmem:s3], [sflag:$0x2] =	stream.linear.gather [hbm4b:s22+s4], $0x10, $0x38;
	[tilespmem:$0x8800] =	vst v63  }
0x133: {  	s3 =	sadd.s32 $0x24E0, s0;
	s22 =	sadd.s32 s24, s8;
	s24 =	sand.u32 $0x1FFFFFF0, s25  }
0x134: {  	[tilespmem:s7], [sflag:$0x2] =	stream.linear.gather [hbm4b:s20+s4], $0x10, $0x38;
	[tilespmem:$0x8800] =	vst v63  }
0x135: {  	s7 =	sadd.s32 $0x44E0, s0;
	s20 =	sadd.s32 s6, s24;
	s25 =	spop (v2sf)  }
0x136: {  	[tilespmem:s3], [sflag:$0x2] =	stream.linear.gather [hbm4b:s22+s4], $0x10, $0x38;
	[tilespmem:$0x8800] =	vst v63  }
0x137: {  	s24 =	sadd.s32 s24, s9;
	s22 =	sadd.s32 $0x64E0, s0;
	s25 =	sand.u32 $0x1FFFFFF0, s25  }
0x138: {  	[tilespmem:s7], [sflag:$0x2] =	stream.linear.gather [hbm4b:s20+s4], $0x10, $0x38;
	[tilespmem:$0x8800] =	vst v63  }
0x139: {  	s3 =	sadd.s32 s25, s9;
	s7 =	sadd.s32 $0x4F0, s0;
	s20 =	sadd.s32 s5, s23  }
0x13a: {  	[tilespmem:s22], [sflag:$0x2] =	stream.linear.gather [hbm4b:s24+s4], $0x10, $0x38;
	[tilespmem:$0x8800] =	vst v63  }
.Ltmp0:
0x13b: {  	s24 =	sadd.s32 $0x24F0, s0;
	s22 =	sadd.s32 $0x64F0, s0;
	(pc) =	sbr.rel @p0 .LBB2_2-.Ltmp0, $4  }
0x13c: {  	[tilespmem:s7], [sflag:$0x2] =	stream.linear.gather [hbm4b:s20+s4], $0x10, $0x38;
	[tilespmem:$0x8800] =	vst v63  }
0x13d: {  	s23 =	sadd.s32 s6, s25;
	s0 =	sadd.s32 $0x44F0, s0  }
0x13e: {  	[tilespmem:s24], [sflag:$0x2] =	stream.linear.gather [hbm4b:s10+s4], $0x10, $0x38;
	[tilespmem:$0x8800] =	vst v63  }
0x13f: {  	s30 =	sadd.s32 $0x10, s30;
	s31 =	sadd.s32 $0x10, s31  }
0x140: {  	[tilespmem:s0], [sflag:$0x2] =	stream.linear.gather [hbm4b:s23+s4], $0x10, $0x38;
	[tilespmem:$0x8800] =	vst v63  }
0x141: {  	_ = 	snop  }
0x142: {  	[tilespmem:s22], [sflag:$0x2] =	stream.linear.gather [hbm4b:s3+s4], $0x10, $0x38;
	[tilespmem:$0x8800] =	vst v63  }
0x143: {  	_ =	swait.ge [sflag:s21], $0x2000  }
0x144: {  	[sflag:s21] =	ssyncset.done $0x0  }
0x145: {  	[sflag:s21] =	ssyncadd.s32 $0xFFFFE000  }
0x146: {  	_ =	swait.ge [sflag:s21], $0x2000  }
0x147: {  	[sflag:s21] =	ssyncset.done $0x0  }
0x148: {  	[sflag:s21] =	ssyncadd.s32 $0xFFFFE000  }
0x149: {  	_ =	swait.ge [sflag:s21], $0x2000  }
0x14a: {  	[sflag:s21] =	ssyncset.done $0x0  }
0x14b: {  	[sflag:s21] =	ssyncadd.s32 $0xFFFFE000  }
0x14c: {  	_ =	swait.ge [sflag:s21], $0x2000  }
0x14d: {  	[sflag:s21] =	ssyncset.done $0x0  }
0x14e: {  	[sflag:s21] =	ssyncadd.s32 $0xFFFFE000  }
0x14f: {  	_ =	swait.ge [sflag:s18], $0x80  }
0x150: {  	[sflag:s18] =	ssyncset.done $0x0  }
0x151: {  	[sflag:s18] =	ssyncadd.s32 $0xFFFFFF80  }
0x152: {  	_ =	swait.ge [sflag:s18], $0x80  }
0x153: {  	[sflag:s18] =	ssyncset.done $0x0  }
0x154: {  	[sflag:s18] =	ssyncadd.s32 $0xFFFFFF80  }
0x155: {  	_ =	swait.ge [sflag:s18], $0x80  }
0x156: {  	[sflag:s18] =	ssyncset.done $0x0  }
0x157: {  	[sflag:s18] =	ssyncadd.s32 $0xFFFFFF80  }
0x158: {  	_ =	swait.ge [sflag:s18], $0x80  }
0x159: {  	[sflag:s18] =	ssyncset.done $0x0  }
0x15a: {  	[sflag:s18] =	ssyncadd.s32 $0xFFFFFF80  }
0x15b: {  	_ =	swait.ge [sflag:s18], $0x80  }
0x15c: {  	[sflag:s18] =	ssyncset.done $0x0  }
0x15d: {  	[sflag:s18] =	ssyncadd.s32 $0xFFFFFF80  }
0x15e: {  	_ =	swait.ge [sflag:s18], $0x80  }
0x15f: {  	[sflag:s18] =	ssyncset.done $0x0  }
0x160: {  	[sflag:s18] =	ssyncadd.s32 $0xFFFFFF80  }
0x161: {  	_ =	swait.ge [sflag:s18], $0x80  }
0x162: {  	[sflag:s18] =	ssyncset.done $0x0  }
0x163: {  	[sflag:s18] =	ssyncadd.s32 $0xFFFFFF80  }
0x164: {  	_ =	swait.ge [sflag:s18], $0x80  }
0x165: {  	[sflag:s18] =	ssyncset.done $0x0  }
0x166: {  	s25 =	simm.s32 $0x400;
	s24 =	rddreg [dreg:$0x6];
	[sflag:s18] =	ssyncadd.s32 $0xFFFFFF80  }
0x167: {  	[hbm4b:s24+s4] =	stream.linear.scatter [tilespmem:s25], [sflag:$0x1], $0x2000, $0x38;
	[tilespmem:$0x8800] =	vst v63  }
0x168: {  	s29 =	simm.s32 $0x2400  }
0x169: {  	[hbm4b:s11+s4] =	stream.linear.scatter [tilespmem:s29], [sflag:$0x1], $0x2000, $0x38;
	[tilespmem:$0x8800] =	vst v63  }
0x16a: {  	s30 =	simm.s32 $0x4400  }
0x16b: {  	[hbm4b:s13+s4] =	stream.linear.scatter [tilespmem:s30], [sflag:$0x1], $0x2000, $0x38;
	[tilespmem:$0x8800] =	vst v63  }
0x16c: {  	s31 =	simm.s32 $0x6400  }
0x16d: {  	[hbm4b:s14+s4] =	stream.linear.scatter [tilespmem:s31], [sflag:$0x1], $0x2000, $0x38;
	[tilespmem:$0x8800] =	vst v63  }
0x16e: {  	s3 =	simm.s32 $0x8400  }
0x16f: {  	[hbm4b:s15+s4] =	stream.linear.scatter [tilespmem:s3], [sflag:$0x1], $0x200, $0x38;
	[tilespmem:$0x8800] =	vst v63  }
0x170: {  	_ = 	snop  }
0x171: {  	[hbm4b:s16+s4] =	stream.linear.scatter [tilespmem:s26], [sflag:$0x1], $0x200, $0x38;
	[tilespmem:$0x8800] =	vst v63  }
0x172: {  	_ =	swait.ge [sflag:s18], $0x2000  }
0x173: {  	[sflag:s18] =	ssyncset.done $0x0  }
0x174: {  	[sflag:s18] =	ssyncadd.s32 $0xFFFFE000  }
0x175: {  	_ =	swait.ge [sflag:s18], $0x2000  }
0x176: {  	[sflag:s18] =	ssyncset.done $0x0  }
0x177: {  	[sflag:s18] =	ssyncadd.s32 $0xFFFFE000  }
0x178: {  	_ =	swait.ge [sflag:s18], $0x2000  }
0x179: {  	[sflag:s18] =	ssyncset.done $0x0  }
0x17a: {  	[sflag:s18] =	ssyncadd.s32 $0xFFFFE000  }
0x17b: {  	_ =	swait.ge [sflag:s18], $0x2000  }
0x17c: {  	[sflag:s18] =	ssyncset.done $0x0  }
0x17d: {  	s28 =	sadd.s32 $0x1, s28;
	[sflag:s18] =	ssyncadd.s32 $0xFFFFE000  }
0x17e: {  	p0 =	sne.s32 s28, s17;
	_ =	swait.ge [sflag:s18], $0x200  }
.Ltmp1:
0x17f: {  	[sflag:s18] =	ssyncset.done $0x0;
	(pc) =	sbr.rel @p0 .LBB2_1-.Ltmp1, $4  }
0x180: {  	[sflag:s18] =	ssyncadd.s32 $0xFFFFFE00  }
0x181: {  	_ =	swait.ge [sflag:s18], $0x200  }
0x182: {  	[sflag:s18] =	ssyncset.done $0x0  }
0x183: {  	[sflag:s18] =	ssyncadd.s32 $0xFFFFFE00  }
0x184: {  	_ =	sfence.sel $0x180000  }
0x185: {  	[bflag:$0x0] =	sbarrier.arrive $0xFFFF  }
0x186: {  	_ =	strace $0x90000047  }
0x187: {  	s0 =	stileid.u32;
	[bflag:$0x2] =	sbarrier.arrive $0xFFFF  }
0x188: {  	p0 =	sne.s32 s0, $0x0;
	s0 =	rddreg [dreg:$0x4]  }
0x189: {  	s0 =	sadd.s32 @!p0 $0x100000, s0  }
0x18a: {  	[sflag:s0] =	ssyncadd.tile.s32 @!p0 $0x1;
	_ =	shalt  }
.Lfunc_end2:
_tile_overlayer_lowered:
.L_overlay_start_2:
0x18b: {  	(tag) =	ssettag $0x2  }
0x18c: {  	s0 =	rddreg [dreg:$0x0];
	s2 =	stileid.u32  }
0x18d: {  	s1 =	rddreg [dreg:$0x1];
	p0 =	sne.s32 s2, $0x0  }
0x18e: {  	s3 =	rddreg [dreg:$0x2];
	[bflag:$0x3] =	sbarrier.arrive $0xFFFF;
	s2 =	simm.s32 @!p0 $0x1C03  }
0x18f: {  	[timem:s3], [sflag:s2] =	dma.local @!p0 [hbm:s0], s1  }
0x190: {  	s0 =	simm.s32 @!p0 $0x3  }
0x191: {  	_ =	swait.ge @!p0 [sflag:s0], s1  }
0x192: {  	s1 =	ssub.s32 @!p0 $0x0, s1;
	[sflag:s0] =	ssyncset.done @!p0 $0x0  }
0x193: {  	[sflag:s0] =	ssyncadd.s32 @!p0 s1  }
0x194: {  	[bflag:$0x3] =	sbarrier.arrive $0xFFFF  }
0x195: {  	_ =	shalt  }

</sc_bundles>
